<compile_context>
chip_gen: v7x
topology: tpu7x:2x2x1
jax: 0.10.2.dev20260603
libtpu: 0.0.44.dev20260713+nightly
codegen_flags: <defaults>
</compile_context>

<pallas_src>
import functools

import jax
import jax.numpy as jnp
from jax import lax
from jax.experimental import pallas as pl
from jax.experimental.pallas import tpu as pltpu
from jax.experimental.pallas import tpu_sc as plsc

N_NODES = 10000
N_EDGES = 320000
D = 128

NC = 2
NS = 16
NW = NC * NS
EDGES_PER_TILE = N_EDGES // NW
CHUNK = 64
N_CHUNKS = EDGES_PER_TILE // CHUNK
TAIL = EDGES_PER_TILE - N_CHUNKS * CHUNK
NSLOT = 4
N_PAD = 10240
ROWS_PER_TILE = N_PAD // NS
ZROWS = 32


def _sc_scatter_partials(edge_attr, receivers):
    mesh = plsc.VectorSubcoreMesh(core_axis_name="c", subcore_axis_name="s")

    @functools.partial(
        pl.kernel,
        out_type=(jax.ShapeDtypeStruct((NC, N_PAD, D), jnp.float32),
                  jax.ShapeDtypeStruct((N_EDGES, D), jnp.float32)),
        mesh=mesh,
        scratch_types=(
            [pltpu.VMEM((CHUNK, D), jnp.float32)] * NSLOT
            + [pltpu.VMEM((CHUNK,), jnp.int32)] * NSLOT
            + [pltpu.SemaphoreType.DMA] * NSLOT
            + [pltpu.SemaphoreType.DMA] * NSLOT
            + [pltpu.SemaphoreType.DMA] * NSLOT
            + [
                pltpu.VMEM((TAIL, D), jnp.float32),
                pltpu.VMEM((TAIL,), jnp.int32),
                pltpu.VMEM((ZROWS, D), jnp.float32),
                pltpu.VMEM_SHARED((N_PAD, D), jnp.float32),
            ]
        ),
    )
    def body(ea_hbm, recv_hbm, out_hbm, eout_hbm,
             eb0, eb1, eb2, eb3, ib0, ib1, ib2, ib3, lsem0, lsem1, lsem2,
             lsem3, csem0, csem1, csem2, csem3, ssem0, ssem1, ssem2, ssem3,
             tbuf, tibuf, zbuf, acc):
        cid = lax.axis_index("c")
        sid = lax.axis_index("s")
        wid = cid * NS + sid
        row0 = sid * ROWS_PER_TILE
        base0 = wid * EDGES_PER_TILE
        ebufs = (eb0, eb1, eb2, eb3)
        ibufs = (ib0, ib1, ib2, ib3)
        lsems = (lsem0, lsem1, lsem2, lsem3)
        csems = (csem0, csem1, csem2, csem3)
        ssems = (ssem0, ssem1, ssem2, ssem3)

        def start_loads(i, s):
            base = base0 + i * CHUNK
            pltpu.async_copy(recv_hbm.at[pl.ds(base, CHUNK)], ibufs[s],
                             lsems[s])
            pltpu.async_copy(ea_hbm.at[pl.ds(base, CHUNK)], ebufs[s],
                             lsems[s])

        def wait_loads(i, s):
            base = base0 + i * CHUNK
            pltpu.make_async_copy(recv_hbm.at[pl.ds(base, CHUNK)], ibufs[s],
                                  lsems[s]).wait()
            pltpu.make_async_copy(ea_hbm.at[pl.ds(base, CHUNK)], ebufs[s],
                                  lsems[s]).wait()

        def start_scatter(s):
            pltpu.async_copy(ebufs[s], acc.at[ibufs[s]], csems[s], add=True)

        def wait_scatter(s):
            pltpu.make_async_copy(ebufs[s], acc.at[ibufs[s]],
                                  csems[s]).wait()

        def start_store(i, s):
            base = base0 + i * CHUNK
            pltpu.async_copy(ebufs[s], eout_hbm.at[pl.ds(base, CHUNK)],
                             ssems[s])

        def wait_store(i, s):
            base = base0 + i * CHUNK
            pltpu.make_async_copy(ebufs[s], eout_hbm.at[pl.ds(base, CHUNK)],
                                  ssems[s]).wait()

        for s in range(NSLOT):
            start_loads(s, s)

        for j in range(ZROWS):
            for k in range(D // 16):
                zbuf[j, pl.ds(k * 16, 16)] = jnp.zeros((16,), jnp.float32)

        nz = ROWS_PER_TILE // ZROWS

        def zfire(r, carry):
            pltpu.async_copy(zbuf, acc.at[pl.ds(row0 + r * ZROWS, ZROWS)],
                             csem0)
            return carry

        lax.fori_loop(0, nz, zfire, 0)

        def zdrain(r, carry):
            pltpu.make_async_copy(zbuf, acc.at[pl.ds(row0 + r * ZROWS, ZROWS)],
                                  csem0).wait()
            return carry

        lax.fori_loop(0, nz, zdrain, 0)
        plsc.subcore_barrier()

        def ring_body(t, carry):
            c = NSLOT * t
            for s in range(NSLOT):
                wait_loads(c + s, s)
                start_scatter(s)
                start_store(c + s, s)
            for s in range(NSLOT):
                wait_scatter(s)
                wait_store(c + s, s)

                @pl.when(c + s + NSLOT < N_CHUNKS)
                def _(s=s, c=c):
                    start_loads(c + s + NSLOT, s)

            return carry

        lax.fori_loop(0, N_CHUNKS // NSLOT, ring_body, 0)
        tbase = base0 + N_CHUNKS * CHUNK
        pltpu.sync_copy(recv_hbm.at[pl.ds(tbase, TAIL)], tibuf)
        pltpu.sync_copy(ea_hbm.at[pl.ds(tbase, TAIL)], tbuf)
        pltpu.sync_copy(tbuf, acc.at[tibuf], add=True)
        pltpu.sync_copy(tbuf, eout_hbm.at[pl.ds(tbase, TAIL)])
        plsc.subcore_barrier()

        pltpu.sync_copy(acc.at[pl.ds(row0, ROWS_PER_TILE)],
                        out_hbm.at[cid, pl.ds(row0, ROWS_PER_TILE)])

    return body(edge_attr, receivers)


BLK = 2000


def _mlp_body(x_ref, p_ref, w0_ref, b0_ref, w1_ref, b1_ref, w2_ref, b2_ref,
              o_ref):
    agg = p_ref[0] + p_ref[1]
    inp = jnp.concatenate([x_ref[...], agg], axis=-1)
    h = jnp.dot(inp, w0_ref[...], preferred_element_type=jnp.float32)
    h = jnp.maximum(h + b0_ref[...], 0.0)
    h = jnp.dot(h, w1_ref[...], preferred_element_type=jnp.float32)
    h = jnp.maximum(h + b1_ref[...], 0.0)
    h = jnp.dot(h, w2_ref[...], preferred_element_type=jnp.float32)
    h = h + b2_ref[...]
    mean = jnp.mean(h, axis=-1, keepdims=True)
    var = jnp.mean((h - mean) ** 2, axis=-1, keepdims=True)
    o_ref[...] = (h - mean) * lax.rsqrt(var + 1e-5)


def _tc_mlp(x, partials, W0, b0, W1, b1, W2, b2):
    grid = N_NODES // BLK
    return pl.pallas_call(
        _mlp_body,
        grid=(grid,),
        in_specs=[
            pl.BlockSpec((BLK, D), lambda i: (i, 0)),
            pl.BlockSpec((NC, BLK, D), lambda i: (0, i, 0)),
            pl.BlockSpec((2 * D, D), lambda i: (0, 0)),
            pl.BlockSpec((D,), lambda i: (0,)),
            pl.BlockSpec((D, D), lambda i: (0, 0)),
            pl.BlockSpec((D,), lambda i: (0,)),
            pl.BlockSpec((D, D), lambda i: (0, 0)),
            pl.BlockSpec((D,), lambda i: (0,)),
        ],
        out_specs=pl.BlockSpec((BLK, D), lambda i: (i, 0)),
        out_shape=jax.ShapeDtypeStruct((N_NODES, D), jnp.float32),
    )(x, partials, W0, b0, W1, b1, W2, b2)


def kernel(x, edge_attr, receivers, senders, W0, b0, W1, b1, W2, b2):
    partials, edge_attr_out = _sc_scatter_partials(
        edge_attr, receivers.astype(jnp.int32))
    updated_nodes = _tc_mlp(x, partials, W0, b0, W1, b1, W2, b2)
    return (updated_nodes, edge_attr_out, receivers, senders)

# --- scband reference (transcript-rebuilt; emitter-appended) ---
"""Pipeline reference for scband-node-block-62801011802180 (READ-ONLY COPY).

The authoritative reference and input builder live on the scoring server;
editing this copy changes nothing except your own understanding.
"""

import jax, jax.numpy as jnp
import numpy as np

N_NODES = 10000
N_EDGES = 320000
D = 128
HID = 128
OUT = 128


def setup_inputs(seed: int = 0) -> dict:
    key = jax.random.key(seed)
    ks = jax.random.split(key, 10)
    x = jax.random.normal(ks[0], (N_NODES, D), dtype=jnp.float32)
    edge_attr = jax.random.normal(ks[1], (N_EDGES, D), dtype=jnp.float32)
    receivers = jax.random.randint(ks[2], (N_EDGES,), 0, N_NODES)
    senders = jax.random.randint(ks[3], (N_EDGES,), 0, N_NODES)
    in_dim = D + D  # x concatenated with aggregated received edge features
    W0 = jax.random.normal(ks[4], (in_dim, HID), dtype=jnp.float32) * (1.0 / np.sqrt(in_dim))
    b0 = jnp.zeros((HID,), dtype=jnp.float32)
    W1 = jax.random.normal(ks[5], (HID, HID), dtype=jnp.float32) * (1.0 / np.sqrt(HID))
    b1 = jnp.zeros((HID,), dtype=jnp.float32)
    W2 = jax.random.normal(ks[6], (HID, OUT), dtype=jnp.float32) * (1.0 / np.sqrt(HID))
    b2 = jnp.zeros((OUT,), dtype=jnp.float32)
    return {"x": x, "edge_attr": edge_attr, "receivers": receivers, "senders": senders,
            "W0": W0, "b0": b0, "W1": W1, "b1": b1, "W2": W2, "b2": b2}


def _layer_norm(h, eps=1e-5):
    mean = jnp.mean(h, axis=-1, keepdims=True)
    var = jnp.mean((h - mean) ** 2, axis=-1, keepdims=True)
    return (h - mean) / jnp.sqrt(var + eps)


def reference(x, edge_attr, receivers, senders, W0, b0, W1, b1, W2, b2):
    # NodeBlock: aggregate received edge attrs via scatter-add (segment_sum)
    dim_size = x.shape[0]
    receivers_edge = jax.ops.segment_sum(edge_attr, receivers, num_segments=dim_size)
    collected_nodes = jnp.concatenate([x, receivers_edge], axis=-1)
    # MLPNet: lin_s -> relu -> (num_hidden_layers-1 = 1) hidden lin -> relu -> lin_e -> layer_norm
    h = jax.nn.relu(collected_nodes @ W0 + b0)
    h = jax.nn.relu(h @ W1 + b1)
    h = h @ W2 + b2
    updated_nodes = _layer_norm(h)
    return (updated_nodes, edge_attr, receivers, senders)

if __name__ == "__main__":
    import jax
    _d = setup_inputs()
    print(jax.jit(kernel)(*tuple(_d.values())))

</pallas_src>

<mosaic_0001>
#map = affine_map<(d0, d1) -> (0, 0)>
#map1 = affine_map<(d0, d1) -> (0)>
#map2 = affine_map<(d0, d1) -> (0, 0, 0)>
module attributes {stable_mosaic.version = 14 : i64} {
  func.func @body(%arg0: i32, %arg1: i32, %arg2: memref<320000x128xf32, #tpu.memory_space<hbm>>, %arg3: memref<320000xi32, #tpu.memory_space<hbm>>, %arg4: memref<2x10240x128xf32, #tpu.memory_space<hbm>>, %arg5: memref<320000x128xf32, #tpu.memory_space<hbm>>, %arg6: memref<64x128xf32, #tpu.memory_space<vmem>>, %arg7: memref<64x128xf32, #tpu.memory_space<vmem>>, %arg8: memref<64x128xf32, #tpu.memory_space<vmem>>, %arg9: memref<64x128xf32, #tpu.memory_space<vmem>>, %arg10: memref<64xi32, #tpu.memory_space<vmem>>, %arg11: memref<64xi32, #tpu.memory_space<vmem>>, %arg12: memref<64xi32, #tpu.memory_space<vmem>>, %arg13: memref<64xi32, #tpu.memory_space<vmem>>, %arg14: memref<!tpu.dma_semaphore, #tpu.memory_space<semaphore_mem>>, %arg15: memref<!tpu.dma_semaphore, #tpu.memory_space<semaphore_mem>>, %arg16: memref<!tpu.dma_semaphore, #tpu.memory_space<semaphore_mem>>, %arg17: memref<!tpu.dma_semaphore, #tpu.memory_space<semaphore_mem>>, %arg18: memref<!tpu.dma_semaphore, #tpu.memory_space<semaphore_mem>>, %arg19: memref<!tpu.dma_semaphore, #tpu.memory_space<semaphore_mem>>, %arg20: memref<!tpu.dma_semaphore, #tpu.memory_space<semaphore_mem>>, %arg21: memref<!tpu.dma_semaphore, #tpu.memory_space<semaphore_mem>>, %arg22: memref<!tpu.dma_semaphore, #tpu.memory_space<semaphore_mem>>, %arg23: memref<!tpu.dma_semaphore, #tpu.memory_space<semaphore_mem>>, %arg24: memref<!tpu.dma_semaphore, #tpu.memory_space<semaphore_mem>>, %arg25: memref<!tpu.dma_semaphore, #tpu.memory_space<semaphore_mem>>, %arg26: memref<16x128xf32, #tpu.memory_space<vmem>>, %arg27: memref<16xi32, #tpu.memory_space<vmem>>, %arg28: memref<32x128xf32, #tpu.memory_space<vmem>>, %arg29: memref<10240x128xf32, #tpu.memory_space<vmem_shared>>) attributes {dimension_semantics = [#tpu.dimension_semantics<core_parallel>, #tpu.dimension_semantics<subcore_parallel>], iteration_bounds = array<i64: 2, 16>, scalar_prefetch = 0 : i64, scratch_operands = 24 : i64, tpu.core_type = #tpu.core_type<sc_vector_subcore>, window_params = [{transform_indices = #map}, {transform_indices = #map1}, {transform_indices = #map2}, {transform_indices = #map}]} {
    %mul3A = arith.constant 16 : i32
    %mul3A_0 = arith.muli %arg0, %mul3A : i32
    %add3A = arith.addi %mul3A_0, %arg1 : i32
    %mul3A_1 = arith.constant 640 : i32
    %mul3A_2 = arith.muli %arg1, %mul3A_1 : i32
    %mul3A_3 = arith.constant 10000 : i32
    %mul3A_4 = arith.muli %add3A, %mul3A_3 : i32
    %add3A_5 = arith.constant 0 : i32
    %add3A_6 = arith.addi %mul3A_4, %add3A_5 : i32
    %dma_start3A = tpu.memref_slice %arg3[%add3A_6] : memref<320000xi32, #tpu.memory_space<hbm>> -> memref<64xi32, #tpu.memory_space<hbm>>
    %dma_start3A_7 = tpu.memref_slice %arg3[%add3A_6] : memref<320000xi32, #tpu.memory_space<hbm>> -> memref<64xi32, #tpu.memory_space<hbm>>
    tpu.enqueue_dma source(%dma_start3A_7 : memref<64xi32, #tpu.memory_space<hbm>>) target(%arg10 : memref<64xi32, #tpu.memory_space<vmem>>) target_semaphore(%arg14 : memref<!tpu.dma_semaphore, #tpu.memory_space<semaphore_mem>>)
    %dma_start3A_8 = arith.constant 0 : i32
    %dma_start3A_9 = tpu.memref_slice %arg2[%add3A_6, %dma_start3A_8] : memref<320000x128xf32, #tpu.memory_space<hbm>> -> memref<64x128xf32, #tpu.memory_space<hbm>>
    %dma_start3A_10 = arith.constant 0 : i32
    %dma_start3A_11 = tpu.memref_slice %arg2[%add3A_6, %dma_start3A_10] : memref<320000x128xf32, #tpu.memory_space<hbm>> -> memref<64x128xf32, #tpu.memory_space<hbm>>
    tpu.enqueue_dma source(%dma_start3A_11 : memref<64x128xf32, #tpu.memory_space<hbm>>) target(%arg6 : memref<64x128xf32, #tpu.memory_space<vmem>>) target_semaphore(%arg14 : memref<!tpu.dma_semaphore, #tpu.memory_space<semaphore_mem>>)
    %add3A_12 = arith.constant 64 : i32
    %add3A_13 = arith.addi %mul3A_4, %add3A_12 : i32
    %dma_start3A_14 = tpu.memref_slice %arg3[%add3A_13] : memref<320000xi32, #tpu.memory_space<hbm>> -> memref<64xi32, #tpu.memory_space<hbm>>
    %dma_start3A_15 = tpu.memref_slice %arg3[%add3A_13] : memref<320000xi32, #tpu.memory_space<hbm>> -> memref<64xi32, #tpu.memory_space<hbm>>
    tpu.enqueue_dma source(%dma_start3A_15 : memref<64xi32, #tpu.memory_space<hbm>>) target(%arg11 : memref<64xi32, #tpu.memory_space<vmem>>) target_semaphore(%arg15 : memref<!tpu.dma_semaphore, #tpu.memory_space<semaphore_mem>>)
    %dma_start3A_16 = arith.constant 0 : i32
    %dma_start3A_17 = tpu.memref_slice %arg2[%add3A_13, %dma_start3A_16] : memref<320000x128xf32, #tpu.memory_space<hbm>> -> memref<64x128xf32, #tpu.memory_space<hbm>>
    %dma_start3A_18 = arith.constant 0 : i32
    %dma_start3A_19 = tpu.memref_slice %arg2[%add3A_13, %dma_start3A_18] : memref<320000x128xf32, #tpu.memory_space<hbm>> -> memref<64x128xf32, #tpu.memory_space<hbm>>
    tpu.enqueue_dma source(%dma_start3A_19 : memref<64x128xf32, #tpu.memory_space<hbm>>) target(%arg7 : memref<64x128xf32, #tpu.memory_space<vmem>>) target_semaphore(%arg15 : memref<!tpu.dma_semaphore, #tpu.memory_space<semaphore_mem>>)
    %add3A_20 = arith.constant 128 : i32
    %add3A_21 = arith.addi %mul3A_4, %add3A_20 : i32
    %dma_start3A_22 = tpu.memref_slice %arg3[%add3A_21] : memref<320000xi32, #tpu.memory_space<hbm>> -> memref<64xi32, #tpu.memory_space<hbm>>
    %dma_start3A_23 = tpu.memref_slice %arg3[%add3A_21] : memref<320000xi32, #tpu.memory_space<hbm>> -> memref<64xi32, #tpu.memory_space<hbm>>
    tpu.enqueue_dma source(%dma_start3A_23 : memref<64xi32, #tpu.memory_space<hbm>>) target(%arg12 : memref<64xi32, #tpu.memory_space<vmem>>) target_semaphore(%arg16 : memref<!tpu.dma_semaphore, #tpu.memory_space<semaphore_mem>>)
    %dma_start3A_24 = arith.constant 0 : i32
    %dma_start3A_25 = tpu.memref_slice %arg2[%add3A_21, %dma_start3A_24] : memref<320000x128xf32, #tpu.memory_space<hbm>> -> memref<64x128xf32, #tpu.memory_space<hbm>>
    %dma_start3A_26 = arith.constant 0 : i32
    %dma_start3A_27 = tpu.memref_slice %arg2[%add3A_21, %dma_start3A_26] : memref<320000x128xf32, #tpu.memory_space<hbm>> -> memref<64x128xf32, #tpu.memory_space<hbm>>
    tpu.enqueue_dma source(%dma_start3A_27 : memref<64x128xf32, #tpu.memory_space<hbm>>) target(%arg8 : memref<64x128xf32, #tpu.memory_space<vmem>>) target_semaphore(%arg16 : memref<!tpu.dma_semaphore, #tpu.memory_space<semaphore_mem>>)
    %add3A_28 = arith.constant 192 : i32
    %add3A_29 = arith.addi %mul3A_4, %add3A_28 : i32
    %dma_start3A_30 = tpu.memref_slice %arg3[%add3A_29] : memref<320000xi32, #tpu.memory_space<hbm>> -> memref<64xi32, #tpu.memory_space<hbm>>
    %dma_start3A_31 = tpu.memref_slice %arg3[%add3A_29] : memref<320000xi32, #tpu.memory_space<hbm>> -> memref<64xi32, #tpu.memory_space<hbm>>
    tpu.enqueue_dma source(%dma_start3A_31 : memref<64xi32, #tpu.memory_space<hbm>>) target(%arg13 : memref<64xi32, #tpu.memory_space<vmem>>) target_semaphore(%arg17 : memref<!tpu.dma_semaphore, #tpu.memory_space<semaphore_mem>>)
    %dma_start3A_32 = arith.constant 0 : i32
    %dma_start3A_33 = tpu.memref_slice %arg2[%add3A_29, %dma_start3A_32] : memref<320000x128xf32, #tpu.memory_space<hbm>> -> memref<64x128xf32, #tpu.memory_space<hbm>>
    %dma_start3A_34 = arith.constant 0 : i32
    %dma_start3A_35 = tpu.memref_slice %arg2[%add3A_29, %dma_start3A_34] : memref<320000x128xf32, #tpu.memory_space<hbm>> -> memref<64x128xf32, #tpu.memory_space<hbm>>
    tpu.enqueue_dma source(%dma_start3A_35 : memref<64x128xf32, #tpu.memory_space<hbm>>) target(%arg9 : memref<64x128xf32, #tpu.memory_space<vmem>>) target_semaphore(%arg17 : memref<!tpu.dma_semaphore, #tpu.memory_space<semaphore_mem>>)
    %broadcast_in_dim3A = arith.constant 0.000000e+00 : f32
    %broadcast_in_dim3A_36 = vector.broadcast %broadcast_in_dim3A : f32 to vector<16xf32>
    %swap3A = arith.constant 0 : i32
    %swap3A_37 = arith.index_cast %swap3A : i32 to index
    %swap3A_38 = arith.constant 0 : index
    %swap3A_39 = tpu.vector_load %arg28[%swap3A_37, %swap3A_38] {strides = array<i32>} : memref<32x128xf32, #tpu.memory_space<vmem>>, vector<1x16xf32>,
    %swap3A_40 = vector.shape_cast %swap3A_39 : vector<1x16xf32> to vector<16xf32>
    %swap3A_41 = vector.shape_cast %broadcast_in_dim3A_36 : vector<16xf32> to vector<1x16xf32>
    tpu.vector_store %arg28[%swap3A_37, %swap3A_38], %swap3A_41 {strides = array<i32>} : memref<32x128xf32, #tpu.memory_space<vmem>>, vector<1x16xf32>,
    %broadcast_in_dim3A_42 = arith.constant 0.000000e+00 : f32
    %broadcast_in_dim3A_43 = vector.broadcast %broadcast_in_dim3A_42 : f32 to vector<16xf32>
    %swap3A_44 = arith.constant 0 : i32
    %swap3A_45 = arith.index_cast %swap3A_44 : i32 to index
    %swap3A_46 = arith.constant 16 : index
    %swap3A_47 = tpu.vector_load %arg28[%swap3A_45, %swap3A_46] {strides = array<i32>} : memref<32x128xf32, #tpu.memory_space<vmem>>, vector<1x16xf32>,
    %swap3A_48 = vector.shape_cast %swap3A_47 : vector<1x16xf32> to vector<16xf32>
    %swap3A_49 = vector.shape_cast %broadcast_in_dim3A_43 : vector<16xf32> to vector<1x16xf32>
    tpu.vector_store %arg28[%swap3A_45, %swap3A_46], %swap3A_49 {strides = array<i32>} : memref<32x128xf32, #tpu.memory_space<vmem>>, vector<1x16xf32>,
    %broadcast_in_dim3A_50 = arith.constant 0.000000e+00 : f32
    %broadcast_in_dim3A_51 = vector.broadcast %broadcast_in_dim3A_50 : f32 to vector<16xf32>
    %swap3A_52 = arith.constant 0 : i32
    %swap3A_53 = arith.index_cast %swap3A_52 : i32 to index
    %swap3A_54 = arith.constant 32 : index
    %swap3A_55 = tpu.vector_load %arg28[%swap3A_53, %swap3A_54] {strides = array<i32>} : memref<32x128xf32, #tpu.memory_space<vmem>>, vector<1x16xf32>,
    %swap3A_56 = vector.shape_cast %swap3A_55 : vector<1x16xf32> to vector<16xf32>
    %swap3A_57 = vector.shape_cast %broadcast_in_dim3A_51 : vector<16xf32> to vector<1x16xf32>
    tpu.vector_store %arg28[%swap3A_53, %swap3A_54], %swap3A_57 {strides = array<i32>} : memref<32x128xf32, #tpu.memory_space<vmem>>, vector<1x16xf32>,
    %broadcast_in_dim3A_58 = arith.constant 0.000000e+00 : f32
    %broadcast_in_dim3A_59 = vector.broadcast %broadcast_in_dim3A_58 : f32 to vector<16xf32>
    %swap3A_60 = arith.constant 0 : i32
    %swap3A_61 = arith.index_cast %swap3A_60 : i32 to index
    %swap3A_62 = arith.constant 48 : index
    %swap3A_63 = tpu.vector_load %arg28[%swap3A_61, %swap3A_62] {strides = array<i32>} : memref<32x128xf32, #tpu.memory_space<vmem>>, vector<1x16xf32>,
    %swap3A_64 = vector.shape_cast %swap3A_63 : vector<1x16xf32> to vector<16xf32>
    %swap3A_65 = vector.shape_cast %broadcast_in_dim3A_59 : vector<16xf32> to vector<1x16xf32>
    tpu.vector_store %arg28[%swap3A_61, %swap3A_62], %swap3A_65 {strides = array<i32>} : memref<32x128xf32, #tpu.memory_space<vmem>>, vector<1x16xf32>,
    %broadcast_in_dim3A_66 = arith.constant 0.000000e+00 : f32
    %broadcast_in_dim3A_67 = vector.broadcast %broadcast_in_dim3A_66 : f32 to vector<16xf32>
    %swap3A_68 = arith.constant 0 : i32
    %swap3A_69 = arith.index_cast %swap3A_68 : i32 to index
    %swap3A_70 = arith.constant 64 : index
    %swap3A_71 = tpu.vector_load %arg28[%swap3A_69, %swap3A_70] {strides = array<i32>} : memref<32x128xf32, #tpu.memory_space<vmem>>, vector<1x16xf32>,
    %swap3A_72 = vector.shape_cast %swap3A_71 : vector<1x16xf32> to vector<16xf32>
    %swap3A_73 = vector.shape_cast %broadcast_in_dim3A_67 : vector<16xf32> to vector<1x16xf32>
    tpu.vector_store %arg28[%swap3A_69, %swap3A_70], %swap3A_73 {strides = array<i32>} : memref<32x128xf32, #tpu.memory_space<vmem>>, vector<1x16xf32>,
    %broadcast_in_dim3A_74 = arith.constant 0.000000e+00 : f32
    %broadcast_in_dim3A_75 = vector.broadcast %broadcast_in_dim3A_74 : f32 to vector<16xf32>
    %swap3A_76 = arith.constant 0 : i32
    %swap3A_77 = arith.index_cast %swap3A_76 : i32 to index
    %swap3A_78 = arith.constant 80 : index
    %swap3A_79 = tpu.vector_load %arg28[%swap3A_77, %swap3A_78] {strides = array<i32>} : memref<32x128xf32, #tpu.memory_space<vmem>>, vector<1x16xf32>,
    %swap3A_80 = vector.shape_cast %swap3A_79 : vector<1x16xf32> to vector<16xf32>
    %swap3A_81 = vector.shape_cast %broadcast_in_dim3A_75 : vector<16xf32> to vector<1x16xf32>
    tpu.vector_store %arg28[%swap3A_77, %swap3A_78], %swap3A_81 {strides = array<i32>} : memref<32x128xf32, #tpu.memory_space<vmem>>, vector<1x16xf32>,
    %broadcast_in_dim3A_82 = arith.constant 0.000000e+00 : f32
    %broadcast_in_dim3A_83 = vector.broadcast %broadcast_in_dim3A_82 : f32 to vector<16xf32>
    %swap3A_84 = arith.constant 0 : i32
    %swap3A_85 = arith.index_cast %swap3A_84 : i32 to index
    %swap3A_86 = arith.constant 96 : index
    %swap3A_87 = tpu.vector_load %arg28[%swap3A_85, %swap3A_86] {strides = array<i32>} : memref<32x128xf32, #tpu.memory_space<vmem>>, vector<1x16xf32>,
    %swap3A_88 = vector.shape_cast %swap3A_87 : vector<1x16xf32> to vector<16xf32>
    %swap3A_89 = vector.shape_cast %broadcast_in_dim3A_83 : vector<16xf32> to vector<1x16xf32>
    tpu.vector_store %arg28[%swap3A_85, %swap3A_86], %swap3A_89 {strides = array<i32>} : memref<32x128xf32, #tpu.memory_space<vmem>>, vector<1x16xf32>,
    %broadcast_in_dim3A_90 = arith.constant 0.000000e+00 : f32
    %broadcast_in_dim3A_91 = vector.broadcast %broadcast_in_dim3A_90 : f32 to vector<16xf32>
    %swap3A_92 = arith.constant 0 : i32
    %swap3A_93 = arith.index_cast %swap3A_92 : i32 to index
    %swap3A_94 = arith.constant 112 : index
    %swap3A_95 = tpu.vector_load %arg28[%swap3A_93, %swap3A_94] {strides = array<i32>} : memref<32x128xf32, #tpu.memory_space<vmem>>, vector<1x16xf32>,
    %swap3A_96 = vector.shape_cast %swap3A_95 : vector<1x16xf32> to vector<16xf32>
    %swap3A_97 = vector.shape_cast %broadcast_in_dim3A_91 : vector<16xf32> to vector<1x16xf32>
    tpu.vector_store %arg28[%swap3A_93, %swap3A_94], %swap3A_97 {strides = array<i32>} : memref<32x128xf32, #tpu.memory_space<vmem>>, vector<1x16xf32>,
    %broadcast_in_dim3A_98 = arith.constant 0.000000e+00 : f32
    %broadcast_in_dim3A_99 = vector.broadcast %broadcast_in_dim3A_98 : f32 to vector<16xf32>
    %swap3A_100 = arith.constant 1 : i32
    %swap3A_101 = arith.index_cast %swap3A_100 : i32 to index
    %swap3A_102 = arith.constant 0 : index
    %swap3A_103 = tpu.vector_load %arg28[%swap3A_101, %swap3A_102] {strides = array<i32>} : memref<32x128xf32, #tpu.memory_space<vmem>>, vector<1x16xf32>,
    %swap3A_104 = vector.shape_cast %swap3A_103 : vector<1x16xf32> to vector<16xf32>
    %swap3A_105 = vector.shape_cast %broadcast_in_dim3A_99 : vector<16xf32> to vector<1x16xf32>
    tpu.vector_store %arg28[%swap3A_101, %swap3A_102], %swap3A_105 {strides = array<i32>} : memref<32x128xf32, #tpu.memory_space<vmem>>, vector<1x16xf32>,
    %broadcast_in_dim3A_106 = arith.constant 0.000000e+00 : f32
    %broadcast_in_dim3A_107 = vector.broadcast %broadcast_in_dim3A_106 : f32 to vector<16xf32>
    %swap3A_108 = arith.constant 1 : i32
    %swap3A_109 = arith.index_cast %swap3A_108 : i32 to index
    %swap3A_110 = arith.constant 16 : index
    %swap3A_111 = tpu.vector_load %arg28[%swap3A_109, %swap3A_110] {strides = array<i32>} : memref<32x128xf32, #tpu.memory_space<vmem>>, vector<1x16xf32>,
    %swap3A_112 = vector.shape_cast %swap3A_111 : vector<1x16xf32> to vector<16xf32>
    %swap3A_113 = vector.shape_cast %broadcast_in_dim3A_107 : vector<16xf32> to vector<1x16xf32>
    tpu.vector_store %arg28[%swap3A_109, %swap3A_110], %swap3A_113 {strides = array<i32>} : memref<32x128xf32, #tpu.memory_space<vmem>>, vector<1x16xf32>,
    %broadcast_in_dim3A_114 = arith.constant 0.000000e+00 : f32
    %broadcast_in_dim3A_115 = vector.broadcast %broadcast_in_dim3A_114 : f32 to vector<16xf32>
    %swap3A_116 = arith.constant 1 : i32
    %swap3A_117 = arith.index_cast %swap3A_116 : i32 to index
    %swap3A_118 = arith.constant 32 : index
    %swap3A_119 = tpu.vector_load %arg28[%swap3A_117, %swap3A_118] {strides = array<i32>} : memref<32x128xf32, #tpu.memory_space<vmem>>, vector<1x16xf32>,
    %swap3A_120 = vector.shape_cast %swap3A_119 : vector<1x16xf32> to vector<16xf32>
    %swap3A_121 = vector.shape_cast %broadcast_in_dim3A_115 : vector<16xf32> to vector<1x16xf32>
    tpu.vector_store %arg28[%swap3A_117, %swap3A_118], %swap3A_121 {strides = array<i32>} : memref<32x128xf32, #tpu.memory_space<vmem>>, vector<1x16xf32>,
    %broadcast_in_dim3A_122 = arith.constant 0.000000e+00 : f32
    %broadcast_in_dim3A_123 = vector.broadcast %broadcast_in_dim3A_122 : f32 to vector<16xf32>
    %swap3A_124 = arith.constant 1 : i32
    %swap3A_125 = arith.index_cast %swap3A_124 : i32 to index
    %swap3A_126 = arith.constant 48 : index
    %swap3A_127 = tpu.vector_load %arg28[%swap3A_125, %swap3A_126] {strides = array<i32>} : memref<32x128xf32, #tpu.memory_space<vmem>>, vector<1x16xf32>,
    %swap3A_128 = vector.shape_cast %swap3A_127 : vector<1x16xf32> to vector<16xf32>
    %swap3A_129 = vector.shape_cast %broadcast_in_dim3A_123 : vector<16xf32> to vector<1x16xf32>
    tpu.vector_store %arg28[%swap3A_125, %swap3A_126], %swap3A_129 {strides = array<i32>} : memref<32x128xf32, #tpu.memory_space<vmem>>, vector<1x16xf32>,
    %broadcast_in_dim3A_130 = arith.constant 0.000000e+00 : f32
    %broadcast_in_dim3A_131 = vector.broadcast %broadcast_in_dim3A_130 : f32 to vector<16xf32>
    %swap3A_132 = arith.constant 1 : i32
    %swap3A_133 = arith.index_cast %swap3A_132 : i32 to index
    %swap3A_134 = arith.constant 64 : index
    %swap3A_135 = tpu.vector_load %arg28[%swap3A_133, %swap3A_134] {strides = array<i32>} : memref<32x128xf32, #tpu.memory_space<vmem>>, vector<1x16xf32>,
    %swap3A_136 = vector.shape_cast %swap3A_135 : vector<1x16xf32> to vector<16xf32>
    %swap3A_137 = vector.shape_cast %broadcast_in_dim3A_131 : vector<16xf32> to vector<1x16xf32>
    tpu.vector_store %arg28[%swap3A_133, %swap3A_134], %swap3A_137 {strides = array<i32>} : memref<32x128xf32, #tpu.memory_space<vmem>>, vector<1x16xf32>,
    %broadcast_in_dim3A_138 = arith.constant 0.000000e+00 : f32
    %broadcast_in_dim3A_139 = vector.broadcast %broadcast_in_dim3A_138 : f32 to vector<16xf32>
    %swap3A_140 = arith.constant 1 : i32
    %swap3A_141 = arith.index_cast %swap3A_140 : i32 to index
    %swap3A_142 = arith.constant 80 : index
    %swap3A_143 = tpu.vector_load %arg28[%swap3A_141, %swap3A_142] {strides = array<i32>} : memref<32x128xf32, #tpu.memory_space<vmem>>, vector<1x16xf32>,
    %swap3A_144 = vector.shape_cast %swap3A_143 : vector<1x16xf32> to vector<16xf32>
    %swap3A_145 = vector.shape_cast %broadcast_in_dim3A_139 : vector<16xf32> to vector<1x16xf32>
    tpu.vector_store %arg28[%swap3A_141, %swap3A_142], %swap3A_145 {strides = array<i32>} : memref<32x128xf32, #tpu.memory_space<vmem>>, vector<1x16xf32>,
    %broadcast_in_dim3A_146 = arith.constant 0.000000e+00 : f32
    %broadcast_in_dim3A_147 = vector.broadcast %broadcast_in_dim3A_146 : f32 to vector<16xf32>
    %swap3A_148 = arith.constant 1 : i32
    %swap3A_149 = arith.index_cast %swap3A_148 : i32 to index
    %swap3A_150 = arith.constant 96 : index
    %swap3A_151 = tpu.vector_load %arg28[%swap3A_149, %swap3A_150] {strides = array<i32>} : memref<32x128xf32, #tpu.memory_space<vmem>>, vector<1x16xf32>,
    %swap3A_152 = vector.shape_cast %swap3A_151 : vector<1x16xf32> to vector<16xf32>
    %swap3A_153 = vector.shape_cast %broadcast_in_dim3A_147 : vector<16xf32> to vector<1x16xf32>
    tpu.vector_store %arg28[%swap3A_149, %swap3A_150], %swap3A_153 {strides = array<i32>} : memref<32x128xf32, #tpu.memory_space<vmem>>, vector<1x16xf32>,
    %broadcast_in_dim3A_154 = arith.constant 0.000000e+00 : f32
    %broadcast_in_dim3A_155 = vector.broadcast %broadcast_in_dim3A_154 : f32 to vector<16xf32>
    %swap3A_156 = arith.constant 1 : i32
    %swap3A_157 = arith.index_cast %swap3A_156 : i32 to index
    %swap3A_158 = arith.constant 112 : index
    %swap3A_159 = tpu.vector_load %arg28[%swap3A_157, %swap3A_158] {strides = array<i32>} : memref<32x128xf32, #tpu.memory_space<vmem>>, vector<1x16xf32>,
    %swap3A_160 = vector.shape_cast %swap3A_159 : vector<1x16xf32> to vector<16xf32>
    %swap3A_161 = vector.shape_cast %broadcast_in_dim3A_155 : vector<16xf32> to vector<1x16xf32>
    tpu.vector_store %arg28[%swap3A_157, %swap3A_158], %swap3A_161 {strides = array<i32>} : memref<32x128xf32, #tpu.memory_space<vmem>>, vector<1x16xf32>,
    %broadcast_in_dim3A_162 = arith.constant 0.000000e+00 : f32
    %broadcast_in_dim3A_163 = vector.broadcast %broadcast_in_dim3A_162 : f32 to vector<16xf32>
    %swap3A_164 = arith.constant 2 : i32
    %swap3A_165 = arith.index_cast %swap3A_164 : i32 to index
    %swap3A_166 = arith.constant 0 : index
    %swap3A_167 = tpu.vector_load %arg28[%swap3A_165, %swap3A_166] {strides = array<i32>} : memref<32x128xf32, #tpu.memory_space<vmem>>, vector<1x16xf32>,
    %swap3A_168 = vector.shape_cast %swap3A_167 : vector<1x16xf32> to vector<16xf32>
    %swap3A_169 = vector.shape_cast %broadcast_in_dim3A_163 : vector<16xf32> to vector<1x16xf32>
    tpu.vector_store %arg28[%swap3A_165, %swap3A_166], %swap3A_169 {strides = array<i32>} : memref<32x128xf32, #tpu.memory_space<vmem>>, vector<1x16xf32>,
    %broadcast_in_dim3A_170 = arith.constant 0.000000e+00 : f32
    %broadcast_in_dim3A_171 = vector.broadcast %broadcast_in_dim3A_170 : f32 to vector<16xf32>
    %swap3A_172 = arith.constant 2 : i32
    %swap3A_173 = arith.index_cast %swap3A_172 : i32 to index
    %swap3A_174 = arith.constant 16 : index
    %swap3A_175 = tpu.vector_load %arg28[%swap3A_173, %swap3A_174] {strides = array<i32>} : memref<32x128xf32, #tpu.memory_space<vmem>>, vector<1x16xf32>,
    %swap3A_176 = vector.shape_cast %swap3A_175 : vector<1x16xf32> to vector<16xf32>
    %swap3A_177 = vector.shape_cast %broadcast_in_dim3A_171 : vector<16xf32> to vector<1x16xf32>
    tpu.vector_store %arg28[%swap3A_173, %swap3A_174], %swap3A_177 {strides = array<i32>} : memref<32x128xf32, #tpu.memory_space<vmem>>, vector<1x16xf32>,
    %broadcast_in_dim3A_178 = arith.constant 0.000000e+00 : f32
    %broadcast_in_dim3A_179 = vector.broadcast %broadcast_in_dim3A_178 : f32 to vector<16xf32>
    %swap3A_180 = arith.constant 2 : i32
    %swap3A_181 = arith.index_cast %swap3A_180 : i32 to index
    %swap3A_182 = arith.constant 32 : index
    %swap3A_183 = tpu.vector_load %arg28[%swap3A_181, %swap3A_182] {strides = array<i32>} : memref<32x128xf32, #tpu.memory_space<vmem>>, vector<1x16xf32>,
    %swap3A_184 = vector.shape_cast %swap3A_183 : vector<1x16xf32> to vector<16xf32>
    %swap3A_185 = vector.shape_cast %broadcast_in_dim3A_179 : vector<16xf32> to vector<1x16xf32>
    tpu.vector_store %arg28[%swap3A_181, %swap3A_182], %swap3A_185 {strides = array<i32>} : memref<32x128xf32, #tpu.memory_space<vmem>>, vector<1x16xf32>,
    %broadcast_in_dim3A_186 = arith.constant 0.000000e+00 : f32
    %broadcast_in_dim3A_187 = vector.broadcast %broadcast_in_dim3A_186 : f32 to vector<16xf32>
    %swap3A_188 = arith.constant 2 : i32
    %swap3A_189 = arith.index_cast %swap3A_188 : i32 to index
    %swap3A_190 = arith.constant 48 : index
    %swap3A_191 = tpu.vector_load %arg28[%swap3A_189, %swap3A_190] {strides = array<i32>} : memref<32x128xf32, #tpu.memory_space<vmem>>, vector<1x16xf32>,
    %swap3A_192 = vector.shape_cast %swap3A_191 : vector<1x16xf32> to vector<16xf32>
    %swap3A_193 = vector.shape_cast %broadcast_in_dim3A_187 : vector<16xf32> to vector<1x16xf32>
    tpu.vector_store %arg28[%swap3A_189, %swap3A_190], %swap3A_193 {strides = array<i32>} : memref<32x128xf32, #tpu.memory_space<vmem>>, vector<1x16xf32>,
    %broadcast_in_dim3A_194 = arith.constant 0.000000e+00 : f32
    %broadcast_in_dim3A_195 = vector.broadcast %broadcast_in_dim3A_194 : f32 to vector<16xf32>
    %swap3A_196 = arith.constant 2 : i32
    %swap3A_197 = arith.index_cast %swap3A_196 : i32 to index
    %swap3A_198 = arith.constant 64 : index
    %swap3A_199 = tpu.vector_load %arg28[%swap3A_197, %swap3A_198] {strides = array<i32>} : memref<32x128xf32, #tpu.memory_space<vmem>>, vector<1x16xf32>,
    %swap3A_200 = vector.shape_cast %swap3A_199 : vector<1x16xf32> to vector<16xf32>
    %swap3A_201 = vector.shape_cast %broadcast_in_dim3A_195 : vector<16xf32> to vector<1x16xf32>
    tpu.vector_store %arg28[%swap3A_197, %swap3A_198], %swap3A_201 {strides = array<i32>} : memref<32x128xf32, #tpu.memory_space<vmem>>, vector<1x16xf32>,
    %broadcast_in_dim3A_202 = arith.constant 0.000000e+00 : f32
    %broadcast_in_dim3A_203 = vector.broadcast %broadcast_in_dim3A_202 : f32 to vector<16xf32>
    %swap3A_204 = arith.constant 2 : i32
    %swap3A_205 = arith.index_cast %swap3A_204 : i32 to index
    %swap3A_206 = arith.constant 80 : index
    %swap3A_207 = tpu.vector_load %arg28[%swap3A_205, %swap3A_206] {strides = array<i32>} : memref<32x128xf32, #tpu.memory_space<vmem>>, vector<1x16xf32>,
    %swap3A_208 = vector.shape_cast %swap3A_207 : vector<1x16xf32> to vector<16xf32>
    %swap3A_209 = vector.shape_cast %broadcast_in_dim3A_203 : vector<16xf32> to vector<1x16xf32>
    tpu.vector_store %arg28[%swap3A_205, %swap3A_206], %swap3A_209 {strides = array<i32>} : memref<32x128xf32, #tpu.memory_space<vmem>>, vector<1x16xf32>,
    %broadcast_in_dim3A_210 = arith.constant 0.000000e+00 : f32
    %broadcast_in_dim3A_211 = vector.broadcast %broadcast_in_dim3A_210 : f32 to vector<16xf32>
    %swap3A_212 = arith.constant 2 : i32
    %swap3A_213 = arith.index_cast %swap3A_212 : i32 to index
    %swap3A_214 = arith.constant 96 : index
    %swap3A_215 = tpu.vector_load %arg28[%swap3A_213, %swap3A_214] {strides = array<i32>} : memref<32x128xf32, #tpu.memory_space<vmem>>, vector<1x16xf32>,
    %swap3A_216 = vector.shape_cast %swap3A_215 : vector<1x16xf32> to vector<16xf32>
    %swap3A_217 = vector.shape_cast %broadcast_in_dim3A_211 : vector<16xf32> to vector<1x16xf32>
    tpu.vector_store %arg28[%swap3A_213, %swap3A_214], %swap3A_217 {strides = array<i32>} : memref<32x128xf32, #tpu.memory_space<vmem>>, vector<1x16xf32>,
    %broadcast_in_dim3A_218 = arith.constant 0.000000e+00 : f32
    %broadcast_in_dim3A_219 = vector.broadcast %broadcast_in_dim3A_218 : f32 to vector<16xf32>
    %swap3A_220 = arith.constant 2 : i32
    %swap3A_221 = arith.index_cast %swap3A_220 : i32 to index
    %swap3A_222 = arith.constant 112 : index
    %swap3A_223 = tpu.vector_load %arg28[%swap3A_221, %swap3A_222] {strides = array<i32>} : memref<32x128xf32, #tpu.memory_space<vmem>>, vector<1x16xf32>,
    %swap3A_224 = vector.shape_cast %swap3A_223 : vector<1x16xf32> to vector<16xf32>
    %swap3A_225 = vector.shape_cast %broadcast_in_dim3A_219 : vector<16xf32> to vector<1x16xf32>
    tpu.vector_store %arg28[%swap3A_221, %swap3A_222], %swap3A_225 {strides = array<i32>} : memref<32x128xf32, #tpu.memory_space<vmem>>, vector<1x16xf32>,
    %broadcast_in_dim3A_226 = arith.constant 0.000000e+00 : f32
    %broadcast_in_dim3A_227 = vector.broadcast %broadcast_in_dim3A_226 : f32 to vector<16xf32>
    %swap3A_228 = arith.constant 3 : i32
    %swap3A_229 = arith.index_cast %swap3A_228 : i32 to index
    %swap3A_230 = arith.constant 0 : index
    %swap3A_231 = tpu.vector_load %arg28[%swap3A_229, %swap3A_230] {strides = array<i32>} : memref<32x128xf32, #tpu.memory_space<vmem>>, vector<1x16xf32>,
    %swap3A_232 = vector.shape_cast %swap3A_231 : vector<1x16xf32> to vector<16xf32>
    %swap3A_233 = vector.shape_cast %broadcast_in_dim3A_227 : vector<16xf32> to vector<1x16xf32>
    tpu.vector_store %arg28[%swap3A_229, %swap3A_230], %swap3A_233 {strides = array<i32>} : memref<32x128xf32, #tpu.memory_space<vmem>>, vector<1x16xf32>,
    %broadcast_in_dim3A_234 = arith.constant 0.000000e+00 : f32
    %broadcast_in_dim3A_235 = vector.broadcast %broadcast_in_dim3A_234 : f32 to vector<16xf32>
    %swap3A_236 = arith.constant 3 : i32
    %swap3A_237 = arith.index_cast %swap3A_236 : i32 to index
    %swap3A_238 = arith.constant 16 : index
    %swap3A_239 = tpu.vector_load %arg28[%swap3A_237, %swap3A_238] {strides = array<i32>} : memref<32x128xf32, #tpu.memory_space<vmem>>, vector<1x16xf32>,
    %swap3A_240 = vector.shape_cast %swap3A_239 : vector<1x16xf32> to vector<16xf32>
    %swap3A_241 = vector.shape_cast %broadcast_in_dim3A_235 : vector<16xf32> to vector<1x16xf32>
    tpu.vector_store %arg28[%swap3A_237, %swap3A_238], %swap3A_241 {strides = array<i32>} : memref<32x128xf32, #tpu.memory_space<vmem>>, vector<1x16xf32>,
    %broadcast_in_dim3A_242 = arith.constant 0.000000e+00 : f32
    %broadcast_in_dim3A_243 = vector.broadcast %broadcast_in_dim3A_242 : f32 to vector<16xf32>
    %swap3A_244 = arith.constant 3 : i32
    %swap3A_245 = arith.index_cast %swap3A_244 : i32 to index
    %swap3A_246 = arith.constant 32 : index
    %swap3A_247 = tpu.vector_load %arg28[%swap3A_245, %swap3A_246] {strides = array<i32>} : memref<32x128xf32, #tpu.memory_space<vmem>>, vector<1x16xf32>,
    %swap3A_248 = vector.shape_cast %swap3A_247 : vector<1x16xf32> to vector<16xf32>
    %swap3A_249 = vector.shape_cast %broadcast_in_dim3A_243 : vector<16xf32> to vector<1x16xf32>
    tpu.vector_store %arg28[%swap3A_245, %swap3A_246], %swap3A_249 {strides = array<i32>} : memref<32x128xf32, #tpu.memory_space<vmem>>, vector<1x16xf32>,
    %broadcast_in_dim3A_250 = arith.constant 0.000000e+00 : f32
    %broadcast_in_dim3A_251 = vector.broadcast %broadcast_in_dim3A_250 : f32 to vector<16xf32>
    %swap3A_252 = arith.constant 3 : i32
    %swap3A_253 = arith.index_cast %swap3A_252 : i32 to index
    %swap3A_254 = arith.constant 48 : index
    %swap3A_255 = tpu.vector_load %arg28[%swap3A_253, %swap3A_254] {strides = array<i32>} : memref<32x128xf32, #tpu.memory_space<vmem>>, vector<1x16xf32>,
    %swap3A_256 = vector.shape_cast %swap3A_255 : vector<1x16xf32> to vector<16xf32>
    %swap3A_257 = vector.shape_cast %broadcast_in_dim3A_251 : vector<16xf32> to vector<1x16xf32>
    tpu.vector_store %arg28[%swap3A_253, %swap3A_254], %swap3A_257 {strides = array<i32>} : memref<32x128xf32, #tpu.memory_space<vmem>>, vector<1x16xf32>,
    %broadcast_in_dim3A_258 = arith.constant 0.000000e+00 : f32
    %broadcast_in_dim3A_259 = vector.broadcast %broadcast_in_dim3A_258 : f32 to vector<16xf32>
    %swap3A_260 = arith.constant 3 : i32
    %swap3A_261 = arith.index_cast %swap3A_260 : i32 to index
    %swap3A_262 = arith.constant 64 : index
    %swap3A_263 = tpu.vector_load %arg28[%swap3A_261, %swap3A_262] {strides = array<i32>} : memref<32x128xf32, #tpu.memory_space<vmem>>, vector<1x16xf32>,
    %swap3A_264 = vector.shape_cast %swap3A_263 : vector<1x16xf32> to vector<16xf32>
    %swap3A_265 = vector.shape_cast %broadcast_in_dim3A_259 : vector<16xf32> to vector<1x16xf32>
    tpu.vector_store %arg28[%swap3A_261, %swap3A_262], %swap3A_265 {strides = array<i32>} : memref<32x128xf32, #tpu.memory_space<vmem>>, vector<1x16xf32>,
    %broadcast_in_dim3A_266 = arith.constant 0.000000e+00 : f32
    %broadcast_in_dim3A_267 = vector.broadcast %broadcast_in_dim3A_266 : f32 to vector<16xf32>
    %swap3A_268 = arith.constant 3 : i32
    %swap3A_269 = arith.index_cast %swap3A_268 : i32 to index
    %swap3A_270 = arith.constant 80 : index
    %swap3A_271 = tpu.vector_load %arg28[%swap3A_269, %swap3A_270] {strides = array<i32>} : memref<32x128xf32, #tpu.memory_space<vmem>>, vector<1x16xf32>,
    %swap3A_272 = vector.shape_cast %swap3A_271 : vector<1x16xf32> to vector<16xf32>
    %swap3A_273 = vector.shape_cast %broadcast_in_dim3A_267 : vector<16xf32> to vector<1x16xf32>
    tpu.vector_store %arg28[%swap3A_269, %swap3A_270], %swap3A_273 {strides = array<i32>} : memref<32x128xf32, #tpu.memory_space<vmem>>, vector<1x16xf32>,
    %broadcast_in_dim3A_274 = arith.constant 0.000000e+00 : f32
    %broadcast_in_dim3A_275 = vector.broadcast %broadcast_in_dim3A_274 : f32 to vector<16xf32>
    %swap3A_276 = arith.constant 3 : i32
    %swap3A_277 = arith.index_cast %swap3A_276 : i32 to index
    %swap3A_278 = arith.constant 96 : index
    %swap3A_279 = tpu.vector_load %arg28[%swap3A_277, %swap3A_278] {strides = array<i32>} : memref<32x128xf32, #tpu.memory_space<vmem>>, vector<1x16xf32>,
    %swap3A_280 = vector.shape_cast %swap3A_279 : vector<1x16xf32> to vector<16xf32>
    %swap3A_281 = vector.shape_cast %broadcast_in_dim3A_275 : vector<16xf32> to vector<1x16xf32>
    tpu.vector_store %arg28[%swap3A_277, %swap3A_278], %swap3A_281 {strides = array<i32>} : memref<32x128xf32, #tpu.memory_space<vmem>>, vector<1x16xf32>,
    %broadcast_in_dim3A_282 = arith.constant 0.000000e+00 : f32
    %broadcast_in_dim3A_283 = vector.broadcast %broadcast_in_dim3A_282 : f32 to vector<16xf32>
    %swap3A_284 = arith.constant 3 : i32
    %swap3A_285 = arith.index_cast %swap3A_284 : i32 to index
    %swap3A_286 = arith.constant 112 : index
    %swap3A_287 = tpu.vector_load %arg28[%swap3A_285, %swap3A_286] {strides = array<i32>} : memref<32x128xf32, #tpu.memory_space<vmem>>, vector<1x16xf32>,
    %swap3A_288 = vector.shape_cast %swap3A_287 : vector<1x16xf32> to vector<16xf32>
    %swap3A_289 = vector.shape_cast %broadcast_in_dim3A_283 : vector<16xf32> to vector<1x16xf32>
    tpu.vector_store %arg28[%swap3A_285, %swap3A_286], %swap3A_289 {strides = array<i32>} : memref<32x128xf32, #tpu.memory_space<vmem>>, vector<1x16xf32>,
    %broadcast_in_dim3A_290 = arith.constant 0.000000e+00 : f32
    %broadcast_in_dim3A_291 = vector.broadcast %broadcast_in_dim3A_290 : f32 to vector<16xf32>
    %swap3A_292 = arith.constant 4 : i32
    %swap3A_293 = arith.index_cast %swap3A_292 : i32 to index
    %swap3A_294 = arith.constant 0 : index
    %swap3A_295 = tpu.vector_load %arg28[%swap3A_293, %swap3A_294] {strides = array<i32>} : memref<32x128xf32, #tpu.memory_space<vmem>>, vector<1x16xf32>,
    %swap3A_296 = vector.shape_cast %swap3A_295 : vector<1x16xf32> to vector<16xf32>
    %swap3A_297 = vector.shape_cast %broadcast_in_dim3A_291 : vector<16xf32> to vector<1x16xf32>
    tpu.vector_store %arg28[%swap3A_293, %swap3A_294], %swap3A_297 {strides = array<i32>} : memref<32x128xf32, #tpu.memory_space<vmem>>, vector<1x16xf32>,
    %broadcast_in_dim3A_298 = arith.constant 0.000000e+00 : f32
    %broadcast_in_dim3A_299 = vector.broadcast %broadcast_in_dim3A_298 : f32 to vector<16xf32>
    %swap3A_300 = arith.constant 4 : i32
    %swap3A_301 = arith.index_cast %swap3A_300 : i32 to index
    %swap3A_302 = arith.constant 16 : index
    %swap3A_303 = tpu.vector_load %arg28[%swap3A_301, %swap3A_302] {strides = array<i32>} : memref<32x128xf32, #tpu.memory_space<vmem>>, vector<1x16xf32>,
    %swap3A_304 = vector.shape_cast %swap3A_303 : vector<1x16xf32> to vector<16xf32>
    %swap3A_305 = vector.shape_cast %broadcast_in_dim3A_299 : vector<16xf32> to vector<1x16xf32>
    tpu.vector_store %arg28[%swap3A_301, %swap3A_302], %swap3A_305 {strides = array<i32>} : memref<32x128xf32, #tpu.memory_space<vmem>>, vector<1x16xf32>,
    %broadcast_in_dim3A_306 = arith.constant 0.000000e+00 : f32
    %broadcast_in_dim3A_307 = vector.broadcast %broadcast_in_dim3A_306 : f32 to vector<16xf32>
    %swap3A_308 = arith.constant 4 : i32
    %swap3A_309 = arith.index_cast %swap3A_308 : i32 to index
    %swap3A_310 = arith.constant 32 : index
    %swap3A_311 = tpu.vector_load %arg28[%swap3A_309, %swap3A_310] {strides = array<i32>} : memref<32x128xf32, #tpu.memory_space<vmem>>, vector<1x16xf32>,
    %swap3A_312 = vector.shape_cast %swap3A_311 : vector<1x16xf32> to vector<16xf32>
    %swap3A_313 = vector.shape_cast %broadcast_in_dim3A_307 : vector<16xf32> to vector<1x16xf32>
    tpu.vector_store %arg28[%swap3A_309, %swap3A_310], %swap3A_313 {strides = array<i32>} : memref<32x128xf32, #tpu.memory_space<vmem>>, vector<1x16xf32>,
    %broadcast_in_dim3A_314 = arith.constant 0.000000e+00 : f32
    %broadcast_in_dim3A_315 = vector.broadcast %broadcast_in_dim3A_314 : f32 to vector<16xf32>
    %swap3A_316 = arith.constant 4 : i32
    %swap3A_317 = arith.index_cast %swap3A_316 : i32 to index
    %swap3A_318 = arith.constant 48 : index
    %swap3A_319 = tpu.vector_load %arg28[%swap3A_317, %swap3A_318] {strides = array<i32>} : memref<32x128xf32, #tpu.memory_space<vmem>>, vector<1x16xf32>,
    %swap3A_320 = vector.shape_cast %swap3A_319 : vector<1x16xf32> to vector<16xf32>
    %swap3A_321 = vector.shape_cast %broadcast_in_dim3A_315 : vector<16xf32> to vector<1x16xf32>
    tpu.vector_store %arg28[%swap3A_317, %swap3A_318], %swap3A_321 {strides = array<i32>} : memref<32x128xf32, #tpu.memory_space<vmem>>, vector<1x16xf32>,
    %broadcast_in_dim3A_322 = arith.constant 0.000000e+00 : f32
    %broadcast_in_dim3A_323 = vector.broadcast %broadcast_in_dim3A_322 : f32 to vector<16xf32>
    %swap3A_324 = arith.constant 4 : i32
    %swap3A_325 = arith.index_cast %swap3A_324 : i32 to index
    %swap3A_326 = arith.constant 64 : index
    %swap3A_327 = tpu.vector_load %arg28[%swap3A_325, %swap3A_326] {strides = array<i32>} : memref<32x128xf32, #tpu.memory_space<vmem>>, vector<1x16xf32>,
    %swap3A_328 = vector.shape_cast %swap3A_327 : vector<1x16xf32> to vector<16xf32>
    %swap3A_329 = vector.shape_cast %broadcast_in_dim3A_323 : vector<16xf32> to vector<1x16xf32>
    tpu.vector_store %arg28[%swap3A_325, %swap3A_326], %swap3A_329 {strides = array<i32>} : memref<32x128xf32, #tpu.memory_space<vmem>>, vector<1x16xf32>,
    %broadcast_in_dim3A_330 = arith.constant 0.000000e+00 : f32
    %broadcast_in_dim3A_331 = vector.broadcast %broadcast_in_dim3A_330 : f32 to vector<16xf32>
    %swap3A_332 = arith.constant 4 : i32
    %swap3A_333 = arith.index_cast %swap3A_332 : i32 to index
    %swap3A_334 = arith.constant 80 : index
    %swap3A_335 = tpu.vector_load %arg28[%swap3A_333, %swap3A_334] {strides = array<i32>} : memref<32x128xf32, #tpu.memory_space<vmem>>, vector<1x16xf32>,
    %swap3A_336 = vector.shape_cast %swap3A_335 : vector<1x16xf32> to vector<16xf32>
    %swap3A_337 = vector.shape_cast %broadcast_in_dim3A_331 : vector<16xf32> to vector<1x16xf32>
    tpu.vector_store %arg28[%swap3A_333, %swap3A_334], %swap3A_337 {strides = array<i32>} : memref<32x128xf32, #tpu.memory_space<vmem>>, vector<1x16xf32>,
    %broadcast_in_dim3A_338 = arith.constant 0.000000e+00 : f32
    %broadcast_in_dim3A_339 = vector.broadcast %broadcast_in_dim3A_338 : f32 to vector<16xf32>
    %swap3A_340 = arith.constant 4 : i32
    %swap3A_341 = arith.index_cast %swap3A_340 : i32 to index
    %swap3A_342 = arith.constant 96 : index
    %swap3A_343 = tpu.vector_load %arg28[%swap3A_341, %swap3A_342] {strides = array<i32>} : memref<32x128xf32, #tpu.memory_space<vmem>>, vector<1x16xf32>,
    %swap3A_344 = vector.shape_cast %swap3A_343 : vector<1x16xf32> to vector<16xf32>
    %swap3A_345 = vector.shape_cast %broadcast_in_dim3A_339 : vector<16xf32> to vector<1x16xf32>
    tpu.vector_store %arg28[%swap3A_341, %swap3A_342], %swap3A_345 {strides = array<i32>} : memref<32x128xf32, #tpu.memory_space<vmem>>, vector<1x16xf32>,
    %broadcast_in_dim3A_346 = arith.constant 0.000000e+00 : f32
    %broadcast_in_dim3A_347 = vector.broadcast %broadcast_in_dim3A_346 : f32 to vector<16xf32>
    %swap3A_348 = arith.constant 4 : i32
    %swap3A_349 = arith.index_cast %swap3A_348 : i32 to index
    %swap3A_350 = arith.constant 112 : index
    %swap3A_351 = tpu.vector_load %arg28[%swap3A_349, %swap3A_350] {strides = array<i32>} : memref<32x128xf32, #tpu.memory_space<vmem>>, vector<1x16xf32>,
    %swap3A_352 = vector.shape_cast %swap3A_351 : vector<1x16xf32> to vector<16xf32>
    %swap3A_353 = vector.shape_cast %broadcast_in_dim3A_347 : vector<16xf32> to vector<1x16xf32>
    tpu.vector_store %arg28[%swap3A_349, %swap3A_350], %swap3A_353 {strides = array<i32>} : memref<32x128xf32, #tpu.memory_space<vmem>>, vector<1x16xf32>,
    %broadcast_in_dim3A_354 = arith.constant 0.000000e+00 : f32
    %broadcast_in_dim3A_355 = vector.broadcast %broadcast_in_dim3A_354 : f32 to vector<16xf32>
    %swap3A_356 = arith.constant 5 : i32
    %swap3A_357 = arith.index_cast %swap3A_356 : i32 to index
    %swap3A_358 = arith.constant 0 : index
    %swap3A_359 = tpu.vector_load %arg28[%swap3A_357, %swap3A_358] {strides = array<i32>} : memref<32x128xf32, #tpu.memory_space<vmem>>, vector<1x16xf32>,
    %swap3A_360 = vector.shape_cast %swap3A_359 : vector<1x16xf32> to vector<16xf32>
    %swap3A_361 = vector.shape_cast %broadcast_in_dim3A_355 : vector<16xf32> to vector<1x16xf32>
    tpu.vector_store %arg28[%swap3A_357, %swap3A_358], %swap3A_361 {strides = array<i32>} : memref<32x128xf32, #tpu.memory_space<vmem>>, vector<1x16xf32>,
    %broadcast_in_dim3A_362 = arith.constant 0.000000e+00 : f32
    %broadcast_in_dim3A_363 = vector.broadcast %broadcast_in_dim3A_362 : f32 to vector<16xf32>
    %swap3A_364 = arith.constant 5 : i32
    %swap3A_365 = arith.index_cast %swap3A_364 : i32 to index
    %swap3A_366 = arith.constant 16 : index
    %swap3A_367 = tpu.vector_load %arg28[%swap3A_365, %swap3A_366] {strides = array<i32>} : memref<32x128xf32, #tpu.memory_space<vmem>>, vector<1x16xf32>,
    %swap3A_368 = vector.shape_cast %swap3A_367 : vector<1x16xf32> to vector<16xf32>
    %swap3A_369 = vector.shape_cast %broadcast_in_dim3A_363 : vector<16xf32> to vector<1x16xf32>
    tpu.vector_store %arg28[%swap3A_365, %swap3A_366], %swap3A_369 {strides = array<i32>} : memref<32x128xf32, #tpu.memory_space<vmem>>, vector<1x16xf32>,
    %broadcast_in_dim3A_370 = arith.constant 0.000000e+00 : f32
    %broadcast_in_dim3A_371 = vector.broadcast %broadcast_in_dim3A_370 : f32 to vector<16xf32>
    %swap3A_372 = arith.constant 5 : i32
    %swap3A_373 = arith.index_cast %swap3A_372 : i32 to index
    %swap3A_374 = arith.constant 32 : index
    %swap3A_375 = tpu.vector_load %arg28[%swap3A_373, %swap3A_374] {strides = array<i32>} : memref<32x128xf32, #tpu.memory_space<vmem>>, vector<1x16xf32>,
    %swap3A_376 = vector.shape_cast %swap3A_375 : vector<1x16xf32> to vector<16xf32>
    %swap3A_377 = vector.shape_cast %broadcast_in_dim3A_371 : vector<16xf32> to vector<1x16xf32>
    tpu.vector_store %arg28[%swap3A_373, %swap3A_374], %swap3A_377 {strides = array<i32>} : memref<32x128xf32, #tpu.memory_space<vmem>>, vector<1x16xf32>,
    %broadcast_in_dim3A_378 = arith.constant 0.000000e+00 : f32
    %broadcast_in_dim3A_379 = vector.broadcast %broadcast_in_dim3A_378 : f32 to vector<16xf32>
    %swap3A_380 = arith.constant 5 : i32
    %swap3A_381 = arith.index_cast %swap3A_380 : i32 to index
    %swap3A_382 = arith.constant 48 : index
    %swap3A_383 = tpu.vector_load %arg28[%swap3A_381, %swap3A_382] {strides = array<i32>} : memref<32x128xf32, #tpu.memory_space<vmem>>, vector<1x16xf32>,
    %swap3A_384 = vector.shape_cast %swap3A_383 : vector<1x16xf32> to vector<16xf32>
    %swap3A_385 = vector.shape_cast %broadcast_in_dim3A_379 : vector<16xf32> to vector<1x16xf32>
    tpu.vector_store %arg28[%swap3A_381, %swap3A_382], %swap3A_385 {strides = array<i32>} : memref<32x128xf32, #tpu.memory_space<vmem>>, vector<1x16xf32>,
    %broadcast_in_dim3A_386 = arith.constant 0.000000e+00 : f32
    %broadcast_in_dim3A_387 = vector.broadcast %broadcast_in_dim3A_386 : f32 to vector<16xf32>
    %swap3A_388 = arith.constant 5 : i32
    %swap3A_389 = arith.index_cast %swap3A_388 : i32 to index
    %swap3A_390 = arith.constant 64 : index
    %swap3A_391 = tpu.vector_load %arg28[%swap3A_389, %swap3A_390] {strides = array<i32>} : memref<32x128xf32, #tpu.memory_space<vmem>>, vector<1x16xf32>,
    %swap3A_392 = vector.shape_cast %swap3A_391 : vector<1x16xf32> to vector<16xf32>
    %swap3A_393 = vector.shape_cast %broadcast_in_dim3A_387 : vector<16xf32> to vector<1x16xf32>
    tpu.vector_store %arg28[%swap3A_389, %swap3A_390], %swap3A_393 {strides = array<i32>} : memref<32x128xf32, #tpu.memory_space<vmem>>, vector<1x16xf32>,
    %broadcast_in_dim3A_394 = arith.constant 0.000000e+00 : f32
    %broadcast_in_dim3A_395 = vector.broadcast %broadcast_in_dim3A_394 : f32 to vector<16xf32>
    %swap3A_396 = arith.constant 5 : i32
    %swap3A_397 = arith.index_cast %swap3A_396 : i32 to index
    %swap3A_398 = arith.constant 80 : index
    %swap3A_399 = tpu.vector_load %arg28[%swap3A_397, %swap3A_398] {strides = array<i32>} : memref<32x128xf32, #tpu.memory_space<vmem>>, vector<1x16xf32>,
    %swap3A_400 = vector.shape_cast %swap3A_399 : vector<1x16xf32> to vector<16xf32>
    %swap3A_401 = vector.shape_cast %broadcast_in_dim3A_395 : vector<16xf32> to vector<1x16xf32>
    tpu.vector_store %arg28[%swap3A_397, %swap3A_398], %swap3A_401 {strides = array<i32>} : memref<32x128xf32, #tpu.memory_space<vmem>>, vector<1x16xf32>,
    %broadcast_in_dim3A_402 = arith.constant 0.000000e+00 : f32
    %broadcast_in_dim3A_403 = vector.broadcast %broadcast_in_dim3A_402 : f32 to vector<16xf32>
    %swap3A_404 = arith.constant 5 : i32
    %swap3A_405 = arith.index_cast %swap3A_404 : i32 to index
    %swap3A_406 = arith.constant 96 : index
    %swap3A_407 = tpu.vector_load %arg28[%swap3A_405, %swap3A_406] {strides = array<i32>} : memref<32x128xf32, #tpu.memory_space<vmem>>, vector<1x16xf32>,
    %swap3A_408 = vector.shape_cast %swap3A_407 : vector<1x16xf32> to vector<16xf32>
    %swap3A_409 = vector.shape_cast %broadcast_in_dim3A_403 : vector<16xf32> to vector<1x16xf32>
    tpu.vector_store %arg28[%swap3A_405, %swap3A_406], %swap3A_409 {strides = array<i32>} : memref<32x128xf32, #tpu.memory_space<vmem>>, vector<1x16xf32>,
    %broadcast_in_dim3A_410 = arith.constant 0.000000e+00 : f32
    %broadcast_in_dim3A_411 = vector.broadcast %broadcast_in_dim3A_410 : f32 to vector<16xf32>
    %swap3A_412 = arith.constant 5 : i32
    %swap3A_413 = arith.index_cast %swap3A_412 : i32 to index
    %swap3A_414 = arith.constant 112 : index
    %swap3A_415 = tpu.vector_load %arg28[%swap3A_413, %swap3A_414] {strides = array<i32>} : memref<32x128xf32, #tpu.memory_space<vmem>>, vector<1x16xf32>,
    %swap3A_416 = vector.shape_cast %swap3A_415 : vector<1x16xf32> to vector<16xf32>
    %swap3A_417 = vector.shape_cast %broadcast_in_dim3A_411 : vector<16xf32> to vector<1x16xf32>
    tpu.vector_store %arg28[%swap3A_413, %swap3A_414], %swap3A_417 {strides = array<i32>} : memref<32x128xf32, #tpu.memory_space<vmem>>, vector<1x16xf32>,
    %broadcast_in_dim3A_418 = arith.constant 0.000000e+00 : f32
    %broadcast_in_dim3A_419 = vector.broadcast %broadcast_in_dim3A_418 : f32 to vector<16xf32>
    %swap3A_420 = arith.constant 6 : i32
    %swap3A_421 = arith.index_cast %swap3A_420 : i32 to index
    %swap3A_422 = arith.constant 0 : index
    %swap3A_423 = tpu.vector_load %arg28[%swap3A_421, %swap3A_422] {strides = array<i32>} : memref<32x128xf32, #tpu.memory_space<vmem>>, vector<1x16xf32>,
    %swap3A_424 = vector.shape_cast %swap3A_423 : vector<1x16xf32> to vector<16xf32>
    %swap3A_425 = vector.shape_cast %broadcast_in_dim3A_419 : vector<16xf32> to vector<1x16xf32>
    tpu.vector_store %arg28[%swap3A_421, %swap3A_422], %swap3A_425 {strides = array<i32>} : memref<32x128xf32, #tpu.memory_space<vmem>>, vector<1x16xf32>,
    %broadcast_in_dim3A_426 = arith.constant 0.000000e+00 : f32
    %broadcast_in_dim3A_427 = vector.broadcast %broadcast_in_dim3A_426 : f32 to vector<16xf32>
    %swap3A_428 = arith.constant 6 : i32
    %swap3A_429 = arith.index_cast %swap3A_428 : i32 to index
    %swap3A_430 = arith.constant 16 : index
    %swap3A_431 = tpu.vector_load %arg28[%swap3A_429, %swap3A_430] {strides = array<i32>} : memref<32x128xf32, #tpu.memory_space<vmem>>, vector<1x16xf32>,
    %swap3A_432 = vector.shape_cast %swap3A_431 : vector<1x16xf32> to vector<16xf32>
    %swap3A_433 = vector.shape_cast %broadcast_in_dim3A_427 : vector<16xf32> to vector<1x16xf32>
    tpu.vector_store %arg28[%swap3A_429, %swap3A_430], %swap3A_433 {strides = array<i32>} : memref<32x128xf32, #tpu.memory_space<vmem>>, vector<1x16xf32>,
    %broadcast_in_dim3A_434 = arith.constant 0.000000e+00 : f32
    %broadcast_in_dim3A_435 = vector.broadcast %broadcast_in_dim3A_434 : f32 to vector<16xf32>
    %swap3A_436 = arith.constant 6 : i32
    %swap3A_437 = arith.index_cast %swap3A_436 : i32 to index
    %swap3A_438 = arith.constant 32 : index
    %swap3A_439 = tpu.vector_load %arg28[%swap3A_437, %swap3A_438] {strides = array<i32>} : memref<32x128xf32, #tpu.memory_space<vmem>>, vector<1x16xf32>,
    %swap3A_440 = vector.shape_cast %swap3A_439 : vector<1x16xf32> to vector<16xf32>
    %swap3A_441 = vector.shape_cast %broadcast_in_dim3A_435 : vector<16xf32> to vector<1x16xf32>
    tpu.vector_store %arg28[%swap3A_437, %swap3A_438], %swap3A_441 {strides = array<i32>} : memref<32x128xf32, #tpu.memory_space<vmem>>, vector<1x16xf32>,
    %broadcast_in_dim3A_442 = arith.constant 0.000000e+00 : f32
    %broadcast_in_dim3A_443 = vector.broadcast %broadcast_in_dim3A_442 : f32 to vector<16xf32>
    %swap3A_444 = arith.constant 6 : i32
    %swap3A_445 = arith.index_cast %swap3A_444 : i32 to index
    %swap3A_446 = arith.constant 48 : index
    %swap3A_447 = tpu.vector_load %arg28[%swap3A_445, %swap3A_446] {strides = array<i32>} : memref<32x128xf32, #tpu.memory_space<vmem>>, vector<1x16xf32>,
    %swap3A_448 = vector.shape_cast %swap3A_447 : vector<1x16xf32> to vector<16xf32>
    %swap3A_449 = vector.shape_cast %broadcast_in_dim3A_443 : vector<16xf32> to vector<1x16xf32>
    tpu.vector_store %arg28[%swap3A_445, %swap3A_446], %swap3A_449 {strides = array<i32>} : memref<32x128xf32, #tpu.memory_space<vmem>>, vector<1x16xf32>,
    %broadcast_in_dim3A_450 = arith.constant 0.000000e+00 : f32
    %broadcast_in_dim3A_451 = vector.broadcast %broadcast_in_dim3A_450 : f32 to vector<16xf32>
    %swap3A_452 = arith.constant 6 : i32
    %swap3A_453 = arith.index_cast %swap3A_452 : i32 to index
    %swap3A_454 = arith.constant 64 : index
    %swap3A_455 = tpu.vector_load %arg28[%swap3A_453, %swap3A_454] {strides = array<i32>} : memref<32x128xf32, #tpu.memory_space<vmem>>, vector<1x16xf32>,
    %swap3A_456 = vector.shape_cast %swap3A_455 : vector<1x16xf32> to vector<16xf32>
    %swap3A_457 = vector.shape_cast %broadcast_in_dim3A_451 : vector<16xf32> to vector<1x16xf32>
    tpu.vector_store %arg28[%swap3A_453, %swap3A_454], %swap3A_457 {strides = array<i32>} : memref<32x128xf32, #tpu.memory_space<vmem>>, vector<1x16xf32>,
    %broadcast_in_dim3A_458 = arith.constant 0.000000e+00 : f32
    %broadcast_in_dim3A_459 = vector.broadcast %broadcast_in_dim3A_458 : f32 to vector<16xf32>
    %swap3A_460 = arith.constant 6 : i32
    %swap3A_461 = arith.index_cast %swap3A_460 : i32 to index
    %swap3A_462 = arith.constant 80 : index
    %swap3A_463 = tpu.vector_load %arg28[%swap3A_461, %swap3A_462] {strides = array<i32>} : memref<32x128xf32, #tpu.memory_space<vmem>>, vector<1x16xf32>,
    %swap3A_464 = vector.shape_cast %swap3A_463 : vector<1x16xf32> to vector<16xf32>
    %swap3A_465 = vector.shape_cast %broadcast_in_dim3A_459 : vector<16xf32> to vector<1x16xf32>
    tpu.vector_store %arg28[%swap3A_461, %swap3A_462], %swap3A_465 {strides = array<i32>} : memref<32x128xf32, #tpu.memory_space<vmem>>, vector<1x16xf32>,
    %broadcast_in_dim3A_466 = arith.constant 0.000000e+00 : f32
    %broadcast_in_dim3A_467 = vector.broadcast %broadcast_in_dim3A_466 : f32 to vector<16xf32>
    %swap3A_468 = arith.constant 6 : i32
    %swap3A_469 = arith.index_cast %swap3A_468 : i32 to index
    %swap3A_470 = arith.constant 96 : index
    %swap3A_471 = tpu.vector_load %arg28[%swap3A_469, %swap3A_470] {strides = array<i32>} : memref<32x128xf32, #tpu.memory_space<vmem>>, vector<1x16xf32>,
    %swap3A_472 = vector.shape_cast %swap3A_471 : vector<1x16xf32> to vector<16xf32>
    %swap3A_473 = vector.shape_cast %broadcast_in_dim3A_467 : vector<16xf32> to vector<1x16xf32>
    tpu.vector_store %arg28[%swap3A_469, %swap3A_470], %swap3A_473 {strides = array<i32>} : memref<32x128xf32, #tpu.memory_space<vmem>>, vector<1x16xf32>,
    %broadcast_in_dim3A_474 = arith.constant 0.000000e+00 : f32
    %broadcast_in_dim3A_475 = vector.broadcast %broadcast_in_dim3A_474 : f32 to vector<16xf32>
    %swap3A_476 = arith.constant 6 : i32
    %swap3A_477 = arith.index_cast %swap3A_476 : i32 to index
    %swap3A_478 = arith.constant 112 : index
    %swap3A_479 = tpu.vector_load %arg28[%swap3A_477, %swap3A_478] {strides = array<i32>} : memref<32x128xf32, #tpu.memory_space<vmem>>, vector<1x16xf32>,
    %swap3A_480 = vector.shape_cast %swap3A_479 : vector<1x16xf32> to vector<16xf32>
    %swap3A_481 = vector.shape_cast %broadcast_in_dim3A_475 : vector<16xf32> to vector<1x16xf32>
    tpu.vector_store %arg28[%swap3A_477, %swap3A_478], %swap3A_481 {strides = array<i32>} : memref<32x128xf32, #tpu.memory_space<vmem>>, vector<1x16xf32>,
    %broadcast_in_dim3A_482 = arith.constant 0.000000e+00 : f32
    %broadcast_in_dim3A_483 = vector.broadcast %broadcast_in_dim3A_482 : f32 to vector<16xf32>
    %swap3A_484 = arith.constant 7 : i32
    %swap3A_485 = arith.index_cast %swap3A_484 : i32 to index
    %swap3A_486 = arith.constant 0 : index
    %swap3A_487 = tpu.vector_load %arg28[%swap3A_485, %swap3A_486] {strides = array<i32>} : memref<32x128xf32, #tpu.memory_space<vmem>>, vector<1x16xf32>,
    %swap3A_488 = vector.shape_cast %swap3A_487 : vector<1x16xf32> to vector<16xf32>
    %swap3A_489 = vector.shape_cast %broadcast_in_dim3A_483 : vector<16xf32> to vector<1x16xf32>
    tpu.vector_store %arg28[%swap3A_485, %swap3A_486], %swap3A_489 {strides = array<i32>} : memref<32x128xf32, #tpu.memory_space<vmem>>, vector<1x16xf32>,
    %broadcast_in_dim3A_490 = arith.constant 0.000000e+00 : f32
    %broadcast_in_dim3A_491 = vector.broadcast %broadcast_in_dim3A_490 : f32 to vector<16xf32>
    %swap3A_492 = arith.constant 7 : i32
    %swap3A_493 = arith.index_cast %swap3A_492 : i32 to index
    %swap3A_494 = arith.constant 16 : index
    %swap3A_495 = tpu.vector_load %arg28[%swap3A_493, %swap3A_494] {strides = array<i32>} : memref<32x128xf32, #tpu.memory_space<vmem>>, vector<1x16xf32>,
    %swap3A_496 = vector.shape_cast %swap3A_495 : vector<1x16xf32> to vector<16xf32>
    %swap3A_497 = vector.shape_cast %broadcast_in_dim3A_491 : vector<16xf32> to vector<1x16xf32>
    tpu.vector_store %arg28[%swap3A_493, %swap3A_494], %swap3A_497 {strides = array<i32>} : memref<32x128xf32, #tpu.memory_space<vmem>>, vector<1x16xf32>,
    %broadcast_in_dim3A_498 = arith.constant 0.000000e+00 : f32
    %broadcast_in_dim3A_499 = vector.broadcast %broadcast_in_dim3A_498 : f32 to vector<16xf32>
    %swap3A_500 = arith.constant 7 : i32
    %swap3A_501 = arith.index_cast %swap3A_500 : i32 to index
    %swap3A_502 = arith.constant 32 : index
    %swap3A_503 = tpu.vector_load %arg28[%swap3A_501, %swap3A_502] {strides = array<i32>} : memref<32x128xf32, #tpu.memory_space<vmem>>, vector<1x16xf32>,
    %swap3A_504 = vector.shape_cast %swap3A_503 : vector<1x16xf32> to vector<16xf32>
    %swap3A_505 = vector.shape_cast %broadcast_in_dim3A_499 : vector<16xf32> to vector<1x16xf32>
    tpu.vector_store %arg28[%swap3A_501, %swap3A_502], %swap3A_505 {strides = array<i32>} : memref<32x128xf32, #tpu.memory_space<vmem>>, vector<1x16xf32>,
    %broadcast_in_dim3A_506 = arith.constant 0.000000e+00 : f32
    %broadcast_in_dim3A_507 = vector.broadcast %broadcast_in_dim3A_506 : f32 to vector<16xf32>
    %swap3A_508 = arith.constant 7 : i32
    %swap3A_509 = arith.index_cast %swap3A_508 : i32 to index
    %swap3A_510 = arith.constant 48 : index
    %swap3A_511 = tpu.vector_load %arg28[%swap3A_509, %swap3A_510] {strides = array<i32>} : memref<32x128xf32, #tpu.memory_space<vmem>>, vector<1x16xf32>,
    %swap3A_512 = vector.shape_cast %swap3A_511 : vector<1x16xf32> to vector<16xf32>
    %swap3A_513 = vector.shape_cast %broadcast_in_dim3A_507 : vector<16xf32> to vector<1x16xf32>
    tpu.vector_store %arg28[%swap3A_509, %swap3A_510], %swap3A_513 {strides = array<i32>} : memref<32x128xf32, #tpu.memory_space<vmem>>, vector<1x16xf32>,
    %broadcast_in_dim3A_514 = arith.constant 0.000000e+00 : f32
    %broadcast_in_dim3A_515 = vector.broadcast %broadcast_in_dim3A_514 : f32 to vector<16xf32>
    %swap3A_516 = arith.constant 7 : i32
    %swap3A_517 = arith.index_cast %swap3A_516 : i32 to index
    %swap3A_518 = arith.constant 64 : index
    %swap3A_519 = tpu.vector_load %arg28[%swap3A_517, %swap3A_518] {strides = array<i32>} : memref<32x128xf32, #tpu.memory_space<vmem>>, vector<1x16xf32>,
    %swap3A_520 = vector.shape_cast %swap3A_519 : vector<1x16xf32> to vector<16xf32>
    %swap3A_521 = vector.shape_cast %broadcast_in_dim3A_515 : vector<16xf32> to vector<1x16xf32>
    tpu.vector_store %arg28[%swap3A_517, %swap3A_518], %swap3A_521 {strides = array<i32>} : memref<32x128xf32, #tpu.memory_space<vmem>>, vector<1x16xf32>,
    %broadcast_in_dim3A_522 = arith.constant 0.000000e+00 : f32
    %broadcast_in_dim3A_523 = vector.broadcast %broadcast_in_dim3A_522 : f32 to vector<16xf32>
    %swap3A_524 = arith.constant 7 : i32
    %swap3A_525 = arith.index_cast %swap3A_524 : i32 to index
    %swap3A_526 = arith.constant 80 : index
    %swap3A_527 = tpu.vector_load %arg28[%swap3A_525, %swap3A_526] {strides = array<i32>} : memref<32x128xf32, #tpu.memory_space<vmem>>, vector<1x16xf32>,
    %swap3A_528 = vector.shape_cast %swap3A_527 : vector<1x16xf32> to vector<16xf32>
    %swap3A_529 = vector.shape_cast %broadcast_in_dim3A_523 : vector<16xf32> to vector<1x16xf32>
    tpu.vector_store %arg28[%swap3A_525, %swap3A_526], %swap3A_529 {strides = array<i32>} : memref<32x128xf32, #tpu.memory_space<vmem>>, vector<1x16xf32>,
    %broadcast_in_dim3A_530 = arith.constant 0.000000e+00 : f32
    %broadcast_in_dim3A_531 = vector.broadcast %broadcast_in_dim3A_530 : f32 to vector<16xf32>
    %swap3A_532 = arith.constant 7 : i32
    %swap3A_533 = arith.index_cast %swap3A_532 : i32 to index
    %swap3A_534 = arith.constant 96 : index
    %swap3A_535 = tpu.vector_load %arg28[%swap3A_533, %swap3A_534] {strides = array<i32>} : memref<32x128xf32, #tpu.memory_space<vmem>>, vector<1x16xf32>,
    %swap3A_536 = vector.shape_cast %swap3A_535 : vector<1x16xf32> to vector<16xf32>
    %swap3A_537 = vector.shape_cast %broadcast_in_dim3A_531 : vector<16xf32> to vector<1x16xf32>
    tpu.vector_store %arg28[%swap3A_533, %swap3A_534], %swap3A_537 {strides = array<i32>} : memref<32x128xf32, #tpu.memory_space<vmem>>, vector<1x16xf32>,
    %broadcast_in_dim3A_538 = arith.constant 0.000000e+00 : f32
    %broadcast_in_dim3A_539 = vector.broadcast %broadcast_in_dim3A_538 : f32 to vector<16xf32>
    %swap3A_540 = arith.constant 7 : i32
    %swap3A_541 = arith.index_cast %swap3A_540 : i32 to index
    %swap3A_542 = arith.constant 112 : index
    %swap3A_543 = tpu.vector_load %arg28[%swap3A_541, %swap3A_542] {strides = array<i32>} : memref<32x128xf32, #tpu.memory_space<vmem>>, vector<1x16xf32>,
    %swap3A_544 = vector.shape_cast %swap3A_543 : vector<1x16xf32> to vector<16xf32>
    %swap3A_545 = vector.shape_cast %broadcast_in_dim3A_539 : vector<16xf32> to vector<1x16xf32>
    tpu.vector_store %arg28[%swap3A_541, %swap3A_542], %swap3A_545 {strides = array<i32>} : memref<32x128xf32, #tpu.memory_space<vmem>>, vector<1x16xf32>,
    %broadcast_in_dim3A_546 = arith.constant 0.000000e+00 : f32
    %broadcast_in_dim3A_547 = vector.broadcast %broadcast_in_dim3A_546 : f32 to vector<16xf32>
    %swap3A_548 = arith.constant 8 : i32
    %swap3A_549 = arith.index_cast %swap3A_548 : i32 to index
    %swap3A_550 = arith.constant 0 : index
    %swap3A_551 = tpu.vector_load %arg28[%swap3A_549, %swap3A_550] {strides = array<i32>} : memref<32x128xf32, #tpu.memory_space<vmem>>, vector<1x16xf32>,
    %swap3A_552 = vector.shape_cast %swap3A_551 : vector<1x16xf32> to vector<16xf32>
    %swap3A_553 = vector.shape_cast %broadcast_in_dim3A_547 : vector<16xf32> to vector<1x16xf32>
    tpu.vector_store %arg28[%swap3A_549, %swap3A_550], %swap3A_553 {strides = array<i32>} : memref<32x128xf32, #tpu.memory_space<vmem>>, vector<1x16xf32>,
    %broadcast_in_dim3A_554 = arith.constant 0.000000e+00 : f32
    %broadcast_in_dim3A_555 = vector.broadcast %broadcast_in_dim3A_554 : f32 to vector<16xf32>
    %swap3A_556 = arith.constant 8 : i32
    %swap3A_557 = arith.index_cast %swap3A_556 : i32 to index
    %swap3A_558 = arith.constant 16 : index
    %swap3A_559 = tpu.vector_load %arg28[%swap3A_557, %swap3A_558] {strides = array<i32>} : memref<32x128xf32, #tpu.memory_space<vmem>>, vector<1x16xf32>,
    %swap3A_560 = vector.shape_cast %swap3A_559 : vector<1x16xf32> to vector<16xf32>
    %swap3A_561 = vector.shape_cast %broadcast_in_dim3A_555 : vector<16xf32> to vector<1x16xf32>
    tpu.vector_store %arg28[%swap3A_557, %swap3A_558], %swap3A_561 {strides = array<i32>} : memref<32x128xf32, #tpu.memory_space<vmem>>, vector<1x16xf32>,
    %broadcast_in_dim3A_562 = arith.constant 0.000000e+00 : f32
    %broadcast_in_dim3A_563 = vector.broadcast %broadcast_in_dim3A_562 : f32 to vector<16xf32>
    %swap3A_564 = arith.constant 8 : i32
    %swap3A_565 = arith.index_cast %swap3A_564 : i32 to index
    %swap3A_566 = arith.constant 32 : index
    %swap3A_567 = tpu.vector_load %arg28[%swap3A_565, %swap3A_566] {strides = array<i32>} : memref<32x128xf32, #tpu.memory_space<vmem>>, vector<1x16xf32>,
    %swap3A_568 = vector.shape_cast %swap3A_567 : vector<1x16xf32> to vector<16xf32>
    %swap3A_569 = vector.shape_cast %broadcast_in_dim3A_563 : vector<16xf32> to vector<1x16xf32>
    tpu.vector_store %arg28[%swap3A_565, %swap3A_566], %swap3A_569 {strides = array<i32>} : memref<32x128xf32, #tpu.memory_space<vmem>>, vector<1x16xf32>,
    %broadcast_in_dim3A_570 = arith.constant 0.000000e+00 : f32
    %broadcast_in_dim3A_571 = vector.broadcast %broadcast_in_dim3A_570 : f32 to vector<16xf32>
    %swap3A_572 = arith.constant 8 : i32
    %swap3A_573 = arith.index_cast %swap3A_572 : i32 to index
    %swap3A_574 = arith.constant 48 : index
    %swap3A_575 = tpu.vector_load %arg28[%swap3A_573, %swap3A_574] {strides = array<i32>} : memref<32x128xf32, #tpu.memory_space<vmem>>, vector<1x16xf32>,
    %swap3A_576 = vector.shape_cast %swap3A_575 : vector<1x16xf32> to vector<16xf32>
    %swap3A_577 = vector.shape_cast %broadcast_in_dim3A_571 : vector<16xf32> to vector<1x16xf32>
    tpu.vector_store %arg28[%swap3A_573, %swap3A_574], %swap3A_577 {strides = array<i32>} : memref<32x128xf32, #tpu.memory_space<vmem>>, vector<1x16xf32>,
    %broadcast_in_dim3A_578 = arith.constant 0.000000e+00 : f32
    %broadcast_in_dim3A_579 = vector.broadcast %broadcast_in_dim3A_578 : f32 to vector<16xf32>
    %swap3A_580 = arith.constant 8 : i32
    %swap3A_581 = arith.index_cast %swap3A_580 : i32 to index
    %swap3A_582 = arith.constant 64 : index
    %swap3A_583 = tpu.vector_load %arg28[%swap3A_581, %swap3A_582] {strides = array<i32>} : memref<32x128xf32, #tpu.memory_space<vmem>>, vector<1x16xf32>,
    %swap3A_584 = vector.shape_cast %swap3A_583 : vector<1x16xf32> to vector<16xf32>
    %swap3A_585 = vector.shape_cast %broadcast_in_dim3A_579 : vector<16xf32> to vector<1x16xf32>
    tpu.vector_store %arg28[%swap3A_581, %swap3A_582], %swap3A_585 {strides = array<i32>} : memref<32x128xf32, #tpu.memory_space<vmem>>, vector<1x16xf32>,
    %broadcast_in_dim3A_586 = arith.constant 0.000000e+00 : f32
    %broadcast_in_dim3A_587 = vector.broadcast %broadcast_in_dim3A_586 : f32 to vector<16xf32>
    %swap3A_588 = arith.constant 8 : i32
    %swap3A_589 = arith.index_cast %swap3A_588 : i32 to index
    %swap3A_590 = arith.constant 80 : index
    %swap3A_591 = tpu.vector_load %arg28[%swap3A_589, %swap3A_590] {strides = array<i32>} : memref<32x128xf32, #tpu.memory_space<vmem>>, vector<1x16xf32>,
    %swap3A_592 = vector.shape_cast %swap3A_591 : vector<1x16xf32> to vector<16xf32>
    %swap3A_593 = vector.shape_cast %broadcast_in_dim3A_587 : vector<16xf32> to vector<1x16xf32>
    tpu.vector_store %arg28[%swap3A_589, %swap3A_590], %swap3A_593 {strides = array<i32>} : memref<32x128xf32, #tpu.memory_space<vmem>>, vector<1x16xf32>,
    %broadcast_in_dim3A_594 = arith.constant 0.000000e+00 : f32
    %broadcast_in_dim3A_595 = vector.broadcast %broadcast_in_dim3A_594 : f32 to vector<16xf32>
    %swap3A_596 = arith.constant 8 : i32
    %swap3A_597 = arith.index_cast %swap3A_596 : i32 to index
    %swap3A_598 = arith.constant 96 : index
    %swap3A_599 = tpu.vector_load %arg28[%swap3A_597, %swap3A_598] {strides = array<i32>} : memref<32x128xf32, #tpu.memory_space<vmem>>, vector<1x16xf32>,
    %swap3A_600 = vector.shape_cast %swap3A_599 : vector<1x16xf32> to vector<16xf32>
    %swap3A_601 = vector.shape_cast %broadcast_in_dim3A_595 : vector<16xf32> to vector<1x16xf32>
    tpu.vector_store %arg28[%swap3A_597, %swap3A_598], %swap3A_601 {strides = array<i32>} : memref<32x128xf32, #tpu.memory_space<vmem>>, vector<1x16xf32>,
    %broadcast_in_dim3A_602 = arith.constant 0.000000e+00 : f32
    %broadcast_in_dim3A_603 = vector.broadcast %broadcast_in_dim3A_602 : f32 to vector<16xf32>
    %swap3A_604 = arith.constant 8 : i32
    %swap3A_605 = arith.index_cast %swap3A_604 : i32 to index
    %swap3A_606 = arith.constant 112 : index
    %swap3A_607 = tpu.vector_load %arg28[%swap3A_605, %swap3A_606] {strides = array<i32>} : memref<32x128xf32, #tpu.memory_space<vmem>>, vector<1x16xf32>,
    %swap3A_608 = vector.shape_cast %swap3A_607 : vector<1x16xf32> to vector<16xf32>
    %swap3A_609 = vector.shape_cast %broadcast_in_dim3A_603 : vector<16xf32> to vector<1x16xf32>
    tpu.vector_store %arg28[%swap3A_605, %swap3A_606], %swap3A_609 {strides = array<i32>} : memref<32x128xf32, #tpu.memory_space<vmem>>, vector<1x16xf32>,
    %broadcast_in_dim3A_610 = arith.constant 0.000000e+00 : f32
    %broadcast_in_dim3A_611 = vector.broadcast %broadcast_in_dim3A_610 : f32 to vector<16xf32>
    %swap3A_612 = arith.constant 9 : i32
    %swap3A_613 = arith.index_cast %swap3A_612 : i32 to index
    %swap3A_614 = arith.constant 0 : index
    %swap3A_615 = tpu.vector_load %arg28[%swap3A_613, %swap3A_614] {strides = array<i32>} : memref<32x128xf32, #tpu.memory_space<vmem>>, vector<1x16xf32>,
    %swap3A_616 = vector.shape_cast %swap3A_615 : vector<1x16xf32> to vector<16xf32>
    %swap3A_617 = vector.shape_cast %broadcast_in_dim3A_611 : vector<16xf32> to vector<1x16xf32>
    tpu.vector_store %arg28[%swap3A_613, %swap3A_614], %swap3A_617 {strides = array<i32>} : memref<32x128xf32, #tpu.memory_space<vmem>>, vector<1x16xf32>,
    %broadcast_in_dim3A_618 = arith.constant 0.000000e+00 : f32
    %broadcast_in_dim3A_619 = vector.broadcast %broadcast_in_dim3A_618 : f32 to vector<16xf32>
    %swap3A_620 = arith.constant 9 : i32
    %swap3A_621 = arith.index_cast %swap3A_620 : i32 to index
    %swap3A_622 = arith.constant 16 : index
    %swap3A_623 = tpu.vector_load %arg28[%swap3A_621, %swap3A_622] {strides = array<i32>} : memref<32x128xf32, #tpu.memory_space<vmem>>, vector<1x16xf32>,
    %swap3A_624 = vector.shape_cast %swap3A_623 : vector<1x16xf32> to vector<16xf32>
    %swap3A_625 = vector.shape_cast %broadcast_in_dim3A_619 : vector<16xf32> to vector<1x16xf32>
    tpu.vector_store %arg28[%swap3A_621, %swap3A_622], %swap3A_625 {strides = array<i32>} : memref<32x128xf32, #tpu.memory_space<vmem>>, vector<1x16xf32>,
    %broadcast_in_dim3A_626 = arith.constant 0.000000e+00 : f32
    %broadcast_in_dim3A_627 = vector.broadcast %broadcast_in_dim3A_626 : f32 to vector<16xf32>
    %swap3A_628 = arith.constant 9 : i32
    %swap3A_629 = arith.index_cast %swap3A_628 : i32 to index
    %swap3A_630 = arith.constant 32 : index
    %swap3A_631 = tpu.vector_load %arg28[%swap3A_629, %swap3A_630] {strides = array<i32>} : memref<32x128xf32, #tpu.memory_space<vmem>>, vector<1x16xf32>,
    %swap3A_632 = vector.shape_cast %swap3A_631 : vector<1x16xf32> to vector<16xf32>
    %swap3A_633 = vector.shape_cast %broadcast_in_dim3A_627 : vector<16xf32> to vector<1x16xf32>
    tpu.vector_store %arg28[%swap3A_629, %swap3A_630], %swap3A_633 {strides = array<i32>} : memref<32x128xf32, #tpu.memory_space<vmem>>, vector<1x16xf32>,
    %broadcast_in_dim3A_634 = arith.constant 0.000000e+00 : f32
    %broadcast_in_dim3A_635 = vector.broadcast %broadcast_in_dim3A_634 : f32 to vector<16xf32>
    %swap3A_636 = arith.constant 9 : i32
    %swap3A_637 = arith.index_cast %swap3A_636 : i32 to index
    %swap3A_638 = arith.constant 48 : index
    %swap3A_639 = tpu.vector_load %arg28[%swap3A_637, %swap3A_638] {strides = array<i32>} : memref<32x128xf32, #tpu.memory_space<vmem>>, vector<1x16xf32>,
    %swap3A_640 = vector.shape_cast %swap3A_639 : vector<1x16xf32> to vector<16xf32>
    %swap3A_641 = vector.shape_cast %broadcast_in_dim3A_635 : vector<16xf32> to vector<1x16xf32>
    tpu.vector_store %arg28[%swap3A_637, %swap3A_638], %swap3A_641 {strides = array<i32>} : memref<32x128xf32, #tpu.memory_space<vmem>>, vector<1x16xf32>,
    %broadcast_in_dim3A_642 = arith.constant 0.000000e+00 : f32
    %broadcast_in_dim3A_643 = vector.broadcast %broadcast_in_dim3A_642 : f32 to vector<16xf32>
    %swap3A_644 = arith.constant 9 : i32
    %swap3A_645 = arith.index_cast %swap3A_644 : i32 to index
    %swap3A_646 = arith.constant 64 : index
    %swap3A_647 = tpu.vector_load %arg28[%swap3A_645, %swap3A_646] {strides = array<i32>} : memref<32x128xf32, #tpu.memory_space<vmem>>, vector<1x16xf32>,
    %swap3A_648 = vector.shape_cast %swap3A_647 : vector<1x16xf32> to vector<16xf32>
    %swap3A_649 = vector.shape_cast %broadcast_in_dim3A_643 : vector<16xf32> to vector<1x16xf32>
    tpu.vector_store %arg28[%swap3A_645, %swap3A_646], %swap3A_649 {strides = array<i32>} : memref<32x128xf32, #tpu.memory_space<vmem>>, vector<1x16xf32>,
    %broadcast_in_dim3A_650 = arith.constant 0.000000e+00 : f32
    %broadcast_in_dim3A_651 = vector.broadcast %broadcast_in_dim3A_650 : f32 to vector<16xf32>
    %swap3A_652 = arith.constant 9 : i32
    %swap3A_653 = arith.index_cast %swap3A_652 : i32 to index
    %swap3A_654 = arith.constant 80 : index
    %swap3A_655 = tpu.vector_load %arg28[%swap3A_653, %swap3A_654] {strides = array<i32>} : memref<32x128xf32, #tpu.memory_space<vmem>>, vector<1x16xf32>,
    %swap3A_656 = vector.shape_cast %swap3A_655 : vector<1x16xf32> to vector<16xf32>
    %swap3A_657 = vector.shape_cast %broadcast_in_dim3A_651 : vector<16xf32> to vector<1x16xf32>
    tpu.vector_store %arg28[%swap3A_653, %swap3A_654], %swap3A_657 {strides = array<i32>} : memref<32x128xf32, #tpu.memory_space<vmem>>, vector<1x16xf32>,
    %broadcast_in_dim3A_658 = arith.constant 0.000000e+00 : f32
    %broadcast_in_dim3A_659 = vector.broadcast %broadcast_in_dim3A_658 : f32 to vector<16xf32>
    %swap3A_660 = arith.constant 9 : i32
    %swap3A_661 = arith.index_cast %swap3A_660 : i32 to index
    %swap3A_662 = arith.constant 96 : index
    %swap3A_663 = tpu.vector_load %arg28[%swap3A_661, %swap3A_662] {strides = array<i32>} : memref<32x128xf32, #tpu.memory_space<vmem>>, vector<1x16xf32>,
    %swap3A_664 = vector.shape_cast %swap3A_663 : vector<1x16xf32> to vector<16xf32>
    %swap3A_665 = vector.shape_cast %broadcast_in_dim3A_659 : vector<16xf32> to vector<1x16xf32>
    tpu.vector_store %arg28[%swap3A_661, %swap3A_662], %swap3A_665 {strides = array<i32>} : memref<32x128xf32, #tpu.memory_space<vmem>>, vector<1x16xf32>,
    %broadcast_in_dim3A_666 = arith.constant 0.000000e+00 : f32
    %broadcast_in_dim3A_667 = vector.broadcast %broadcast_in_dim3A_666 : f32 to vector<16xf32>
    %swap3A_668 = arith.constant 9 : i32
    %swap3A_669 = arith.index_cast %swap3A_668 : i32 to index
    %swap3A_670 = arith.constant 112 : index
    %swap3A_671 = tpu.vector_load %arg28[%swap3A_669, %swap3A_670] {strides = array<i32>} : memref<32x128xf32, #tpu.memory_space<vmem>>, vector<1x16xf32>,
    %swap3A_672 = vector.shape_cast %swap3A_671 : vector<1x16xf32> to vector<16xf32>
    %swap3A_673 = vector.shape_cast %broadcast_in_dim3A_667 : vector<16xf32> to vector<1x16xf32>
    tpu.vector_store %arg28[%swap3A_669, %swap3A_670], %swap3A_673 {strides = array<i32>} : memref<32x128xf32, #tpu.memory_space<vmem>>, vector<1x16xf32>,
    %broadcast_in_dim3A_674 = arith.constant 0.000000e+00 : f32
    %broadcast_in_dim3A_675 = vector.broadcast %broadcast_in_dim3A_674 : f32 to vector<16xf32>
    %swap3A_676 = arith.constant 10 : i32
    %swap3A_677 = arith.index_cast %swap3A_676 : i32 to index
    %swap3A_678 = arith.constant 0 : index
    %swap3A_679 = tpu.vector_load %arg28[%swap3A_677, %swap3A_678] {strides = array<i32>} : memref<32x128xf32, #tpu.memory_space<vmem>>, vector<1x16xf32>,
    %swap3A_680 = vector.shape_cast %swap3A_679 : vector<1x16xf32> to vector<16xf32>
    %swap3A_681 = vector.shape_cast %broadcast_in_dim3A_675 : vector<16xf32> to vector<1x16xf32>
    tpu.vector_store %arg28[%swap3A_677, %swap3A_678], %swap3A_681 {strides = array<i32>} : memref<32x128xf32, #tpu.memory_space<vmem>>, vector<1x16xf32>,
    %broadcast_in_dim3A_682 = arith.constant 0.000000e+00 : f32
    %broadcast_in_dim3A_683 = vector.broadcast %broadcast_in_dim3A_682 : f32 to vector<16xf32>
    %swap3A_684 = arith.constant 10 : i32
    %swap3A_685 = arith.index_cast %swap3A_684 : i32 to index
    %swap3A_686 = arith.constant 16 : index
    %swap3A_687 = tpu.vector_load %arg28[%swap3A_685, %swap3A_686] {strides = array<i32>} : memref<32x128xf32, #tpu.memory_space<vmem>>, vector<1x16xf32>,
    %swap3A_688 = vector.shape_cast %swap3A_687 : vector<1x16xf32> to vector<16xf32>
    %swap3A_689 = vector.shape_cast %broadcast_in_dim3A_683 : vector<16xf32> to vector<1x16xf32>
    tpu.vector_store %arg28[%swap3A_685, %swap3A_686], %swap3A_689 {strides = array<i32>} : memref<32x128xf32, #tpu.memory_space<vmem>>, vector<1x16xf32>,
    %broadcast_in_dim3A_690 = arith.constant 0.000000e+00 : f32
    %broadcast_in_dim3A_691 = vector.broadcast %broadcast_in_dim3A_690 : f32 to vector<16xf32>
    %swap3A_692 = arith.constant 10 : i32
    %swap3A_693 = arith.index_cast %swap3A_692 : i32 to index
    %swap3A_694 = arith.constant 32 : index
    %swap3A_695 = tpu.vector_load %arg28[%swap3A_693, %swap3A_694] {strides = array<i32>} : memref<32x128xf32, #tpu.memory_space<vmem>>, vector<1x16xf32>,
    %swap3A_696 = vector.shape_cast %swap3A_695 : vector<1x16xf32> to vector<16xf32>
    %swap3A_697 = vector.shape_cast %broadcast_in_dim3A_691 : vector<16xf32> to vector<1x16xf32>
    tpu.vector_store %arg28[%swap3A_693, %swap3A_694], %swap3A_697 {strides = array<i32>} : memref<32x128xf32, #tpu.memory_space<vmem>>, vector<1x16xf32>,
    %broadcast_in_dim3A_698 = arith.constant 0.000000e+00 : f32
    %broadcast_in_dim3A_699 = vector.broadcast %broadcast_in_dim3A_698 : f32 to vector<16xf32>
    %swap3A_700 = arith.constant 10 : i32
    %swap3A_701 = arith.index_cast %swap3A_700 : i32 to index
    %swap3A_702 = arith.constant 48 : index
    %swap3A_703 = tpu.vector_load %arg28[%swap3A_701, %swap3A_702] {strides = array<i32>} : memref<32x128xf32, #tpu.memory_space<vmem>>, vector<1x16xf32>,
    %swap3A_704 = vector.shape_cast %swap3A_703 : vector<1x16xf32> to vector<16xf32>
    %swap3A_705 = vector.shape_cast %broadcast_in_dim3A_699 : vector<16xf32> to vector<1x16xf32>
    tpu.vector_store %arg28[%swap3A_701, %swap3A_702], %swap3A_705 {strides = array<i32>} : memref<32x128xf32, #tpu.memory_space<vmem>>, vector<1x16xf32>,
    %broadcast_in_dim3A_706 = arith.constant 0.000000e+00 : f32
    %broadcast_in_dim3A_707 = vector.broadcast %broadcast_in_dim3A_706 : f32 to vector<16xf32>
    %swap3A_708 = arith.constant 10 : i32
    %swap3A_709 = arith.index_cast %swap3A_708 : i32 to index
    %swap3A_710 = arith.constant 64 : index
    %swap3A_711 = tpu.vector_load %arg28[%swap3A_709, %swap3A_710] {strides = array<i32>} : memref<32x128xf32, #tpu.memory_space<vmem>>, vector<1x16xf32>,
    %swap3A_712 = vector.shape_cast %swap3A_711 : vector<1x16xf32> to vector<16xf32>
    %swap3A_713 = vector.shape_cast %broadcast_in_dim3A_707 : vector<16xf32> to vector<1x16xf32>
    tpu.vector_store %arg28[%swap3A_709, %swap3A_710], %swap3A_713 {strides = array<i32>} : memref<32x128xf32, #tpu.memory_space<vmem>>, vector<1x16xf32>,
    %broadcast_in_dim3A_714 = arith.constant 0.000000e+00 : f32
    %broadcast_in_dim3A_715 = vector.broadcast %broadcast_in_dim3A_714 : f32 to vector<16xf32>
    %swap3A_716 = arith.constant 10 : i32
    %swap3A_717 = arith.index_cast %swap3A_716 : i32 to index
    %swap3A_718 = arith.constant 80 : index
    %swap3A_719 = tpu.vector_load %arg28[%swap3A_717, %swap3A_718] {strides = array<i32>} : memref<32x128xf32, #tpu.memory_space<vmem>>, vector<1x16xf32>,
    %swap3A_720 = vector.shape_cast %swap3A_719 : vector<1x16xf32> to vector<16xf32>
    %swap3A_721 = vector.shape_cast %broadcast_in_dim3A_715 : vector<16xf32> to vector<1x16xf32>
    tpu.vector_store %arg28[%swap3A_717, %swap3A_718], %swap3A_721 {strides = array<i32>} : memref<32x128xf32, #tpu.memory_space<vmem>>, vector<1x16xf32>,
    %broadcast_in_dim3A_722 = arith.constant 0.000000e+00 : f32
    %broadcast_in_dim3A_723 = vector.broadcast %broadcast_in_dim3A_722 : f32 to vector<16xf32>
    %swap3A_724 = arith.constant 10 : i32
    %swap3A_725 = arith.index_cast %swap3A_724 : i32 to index
    %swap3A_726 = arith.constant 96 : index
    %swap3A_727 = tpu.vector_load %arg28[%swap3A_725, %swap3A_726] {strides = array<i32>} : memref<32x128xf32, #tpu.memory_space<vmem>>, vector<1x16xf32>,
    %swap3A_728 = vector.shape_cast %swap3A_727 : vector<1x16xf32> to vector<16xf32>
    %swap3A_729 = vector.shape_cast %broadcast_in_dim3A_723 : vector<16xf32> to vector<1x16xf32>
    tpu.vector_store %arg28[%swap3A_725, %swap3A_726], %swap3A_729 {strides = array<i32>} : memref<32x128xf32, #tpu.memory_space<vmem>>, vector<1x16xf32>,
    %broadcast_in_dim3A_730 = arith.constant 0.000000e+00 : f32
    %broadcast_in_dim3A_731 = vector.broadcast %broadcast_in_dim3A_730 : f32 to vector<16xf32>
    %swap3A_732 = arith.constant 10 : i32
    %swap3A_733 = arith.index_cast %swap3A_732 : i32 to index
    %swap3A_734 = arith.constant 112 : index
    %swap3A_735 = tpu.vector_load %arg28[%swap3A_733, %swap3A_734] {strides = array<i32>} : memref<32x128xf32, #tpu.memory_space<vmem>>, vector<1x16xf32>,
    %swap3A_736 = vector.shape_cast %swap3A_735 : vector<1x16xf32> to vector<16xf32>
    %swap3A_737 = vector.shape_cast %broadcast_in_dim3A_731 : vector<16xf32> to vector<1x16xf32>
    tpu.vector_store %arg28[%swap3A_733, %swap3A_734], %swap3A_737 {strides = array<i32>} : memref<32x128xf32, #tpu.memory_space<vmem>>, vector<1x16xf32>,
    %broadcast_in_dim3A_738 = arith.constant 0.000000e+00 : f32
    %broadcast_in_dim3A_739 = vector.broadcast %broadcast_in_dim3A_738 : f32 to vector<16xf32>
    %swap3A_740 = arith.constant 11 : i32
    %swap3A_741 = arith.index_cast %swap3A_740 : i32 to index
    %swap3A_742 = arith.constant 0 : index
    %swap3A_743 = tpu.vector_load %arg28[%swap3A_741, %swap3A_742] {strides = array<i32>} : memref<32x128xf32, #tpu.memory_space<vmem>>, vector<1x16xf32>,
    %swap3A_744 = vector.shape_cast %swap3A_743 : vector<1x16xf32> to vector<16xf32>
    %swap3A_745 = vector.shape_cast %broadcast_in_dim3A_739 : vector<16xf32> to vector<1x16xf32>
    tpu.vector_store %arg28[%swap3A_741, %swap3A_742], %swap3A_745 {strides = array<i32>} : memref<32x128xf32, #tpu.memory_space<vmem>>, vector<1x16xf32>,
    %broadcast_in_dim3A_746 = arith.constant 0.000000e+00 : f32
    %broadcast_in_dim3A_747 = vector.broadcast %broadcast_in_dim3A_746 : f32 to vector<16xf32>
    %swap3A_748 = arith.constant 11 : i32
    %swap3A_749 = arith.index_cast %swap3A_748 : i32 to index
    %swap3A_750 = arith.constant 16 : index
    %swap3A_751 = tpu.vector_load %arg28[%swap3A_749, %swap3A_750] {strides = array<i32>} : memref<32x128xf32, #tpu.memory_space<vmem>>, vector<1x16xf32>,
    %swap3A_752 = vector.shape_cast %swap3A_751 : vector<1x16xf32> to vector<16xf32>
    %swap3A_753 = vector.shape_cast %broadcast_in_dim3A_747 : vector<16xf32> to vector<1x16xf32>
    tpu.vector_store %arg28[%swap3A_749, %swap3A_750], %swap3A_753 {strides = array<i32>} : memref<32x128xf32, #tpu.memory_space<vmem>>, vector<1x16xf32>,
    %broadcast_in_dim3A_754 = arith.constant 0.000000e+00 : f32
    %broadcast_in_dim3A_755 = vector.broadcast %broadcast_in_dim3A_754 : f32 to vector<16xf32>
    %swap3A_756 = arith.constant 11 : i32
    %swap3A_757 = arith.index_cast %swap3A_756 : i32 to index
    %swap3A_758 = arith.constant 32 : index
    %swap3A_759 = tpu.vector_load %arg28[%swap3A_757, %swap3A_758] {strides = array<i32>} : memref<32x128xf32, #tpu.memory_space<vmem>>, vector<1x16xf32>,
    %swap3A_760 = vector.shape_cast %swap3A_759 : vector<1x16xf32> to vector<16xf32>
    %swap3A_761 = vector.shape_cast %broadcast_in_dim3A_755 : vector<16xf32> to vector<1x16xf32>
    tpu.vector_store %arg28[%swap3A_757, %swap3A_758], %swap3A_761 {strides = array<i32>} : memref<32x128xf32, #tpu.memory_space<vmem>>, vector<1x16xf32>,
    %broadcast_in_dim3A_762 = arith.constant 0.000000e+00 : f32
    %broadcast_in_dim3A_763 = vector.broadcast %broadcast_in_dim3A_762 : f32 to vector<16xf32>
    %swap3A_764 = arith.constant 11 : i32
    %swap3A_765 = arith.index_cast %swap3A_764 : i32 to index
    %swap3A_766 = arith.constant 48 : index
    %swap3A_767 = tpu.vector_load %arg28[%swap3A_765, %swap3A_766] {strides = array<i32>} : memref<32x128xf32, #tpu.memory_space<vmem>>, vector<1x16xf32>,
    %swap3A_768 = vector.shape_cast %swap3A_767 : vector<1x16xf32> to vector<16xf32>
    %swap3A_769 = vector.shape_cast %broadcast_in_dim3A_763 : vector<16xf32> to vector<1x16xf32>
    tpu.vector_store %arg28[%swap3A_765, %swap3A_766], %swap3A_769 {strides = array<i32>} : memref<32x128xf32, #tpu.memory_space<vmem>>, vector<1x16xf32>,
    %broadcast_in_dim3A_770 = arith.constant 0.000000e+00 : f32
    %broadcast_in_dim3A_771 = vector.broadcast %broadcast_in_dim3A_770 : f32 to vector<16xf32>
    %swap3A_772 = arith.constant 11 : i32
    %swap3A_773 = arith.index_cast %swap3A_772 : i32 to index
    %swap3A_774 = arith.constant 64 : index
    %swap3A_775 = tpu.vector_load %arg28[%swap3A_773, %swap3A_774] {strides = array<i32>} : memref<32x128xf32, #tpu.memory_space<vmem>>, vector<1x16xf32>,
    %swap3A_776 = vector.shape_cast %swap3A_775 : vector<1x16xf32> to vector<16xf32>
    %swap3A_777 = vector.shape_cast %broadcast_in_dim3A_771 : vector<16xf32> to vector<1x16xf32>
    tpu.vector_store %arg28[%swap3A_773, %swap3A_774], %swap3A_777 {strides = array<i32>} : memref<32x128xf32, #tpu.memory_space<vmem>>, vector<1x16xf32>,
    %broadcast_in_dim3A_778 = arith.constant 0.000000e+00 : f32
    %broadcast_in_dim3A_779 = vector.broadcast %broadcast_in_dim3A_778 : f32 to vector<16xf32>
    %swap3A_780 = arith.constant 11 : i32
    %swap3A_781 = arith.index_cast %swap3A_780 : i32 to index
    %swap3A_782 = arith.constant 80 : index
    %swap3A_783 = tpu.vector_load %arg28[%swap3A_781, %swap3A_782] {strides = array<i32>} : memref<32x128xf32, #tpu.memory_space<vmem>>, vector<1x16xf32>,
    %swap3A_784 = vector.shape_cast %swap3A_783 : vector<1x16xf32> to vector<16xf32>
    %swap3A_785 = vector.shape_cast %broadcast_in_dim3A_779 : vector<16xf32> to vector<1x16xf32>
    tpu.vector_store %arg28[%swap3A_781, %swap3A_782], %swap3A_785 {strides = array<i32>} : memref<32x128xf32, #tpu.memory_space<vmem>>, vector<1x16xf32>,
    %broadcast_in_dim3A_786 = arith.constant 0.000000e+00 : f32
    %broadcast_in_dim3A_787 = vector.broadcast %broadcast_in_dim3A_786 : f32 to vector<16xf32>
    %swap3A_788 = arith.constant 11 : i32
    %swap3A_789 = arith.index_cast %swap3A_788 : i32 to index
    %swap3A_790 = arith.constant 96 : index
    %swap3A_791 = tpu.vector_load %arg28[%swap3A_789, %swap3A_790] {strides = array<i32>} : memref<32x128xf32, #tpu.memory_space<vmem>>, vector<1x16xf32>,
    %swap3A_792 = vector.shape_cast %swap3A_791 : vector<1x16xf32> to vector<16xf32>
    %swap3A_793 = vector.shape_cast %broadcast_in_dim3A_787 : vector<16xf32> to vector<1x16xf32>
    tpu.vector_store %arg28[%swap3A_789, %swap3A_790], %swap3A_793 {strides = array<i32>} : memref<32x128xf32, #tpu.memory_space<vmem>>, vector<1x16xf32>,
    %broadcast_in_dim3A_794 = arith.constant 0.000000e+00 : f32
    %broadcast_in_dim3A_795 = vector.broadcast %broadcast_in_dim3A_794 : f32 to vector<16xf32>
    %swap3A_796 = arith.constant 11 : i32
    %swap3A_797 = arith.index_cast %swap3A_796 : i32 to index
    %swap3A_798 = arith.constant 112 : index
    %swap3A_799 = tpu.vector_load %arg28[%swap3A_797, %swap3A_798] {strides = array<i32>} : memref<32x128xf32, #tpu.memory_space<vmem>>, vector<1x16xf32>,
    %swap3A_800 = vector.shape_cast %swap3A_799 : vector<1x16xf32> to vector<16xf32>
    %swap3A_801 = vector.shape_cast %broadcast_in_dim3A_795 : vector<16xf32> to vector<1x16xf32>
    tpu.vector_store %arg28[%swap3A_797, %swap3A_798], %swap3A_801 {strides = array<i32>} : memref<32x128xf32, #tpu.memory_space<vmem>>, vector<1x16xf32>,
    %broadcast_in_dim3A_802 = arith.constant 0.000000e+00 : f32
    %broadcast_in_dim3A_803 = vector.broadcast %broadcast_in_dim3A_802 : f32 to vector<16xf32>
    %swap3A_804 = arith.constant 12 : i32
    %swap3A_805 = arith.index_cast %swap3A_804 : i32 to index
    %swap3A_806 = arith.constant 0 : index
    %swap3A_807 = tpu.vector_load %arg28[%swap3A_805, %swap3A_806] {strides = array<i32>} : memref<32x128xf32, #tpu.memory_space<vmem>>, vector<1x16xf32>,
    %swap3A_808 = vector.shape_cast %swap3A_807 : vector<1x16xf32> to vector<16xf32>
    %swap3A_809 = vector.shape_cast %broadcast_in_dim3A_803 : vector<16xf32> to vector<1x16xf32>
    tpu.vector_store %arg28[%swap3A_805, %swap3A_806], %swap3A_809 {strides = array<i32>} : memref<32x128xf32, #tpu.memory_space<vmem>>, vector<1x16xf32>,
    %broadcast_in_dim3A_810 = arith.constant 0.000000e+00 : f32
    %broadcast_in_dim3A_811 = vector.broadcast %broadcast_in_dim3A_810 : f32 to vector<16xf32>
    %swap3A_812 = arith.constant 12 : i32
    %swap3A_813 = arith.index_cast %swap3A_812 : i32 to index
    %swap3A_814 = arith.constant 16 : index
    %swap3A_815 = tpu.vector_load %arg28[%swap3A_813, %swap3A_814] {strides = array<i32>} : memref<32x128xf32, #tpu.memory_space<vmem>>, vector<1x16xf32>,
    %swap3A_816 = vector.shape_cast %swap3A_815 : vector<1x16xf32> to vector<16xf32>
    %swap3A_817 = vector.shape_cast %broadcast_in_dim3A_811 : vector<16xf32> to vector<1x16xf32>
    tpu.vector_store %arg28[%swap3A_813, %swap3A_814], %swap3A_817 {strides = array<i32>} : memref<32x128xf32, #tpu.memory_space<vmem>>, vector<1x16xf32>,
    %broadcast_in_dim3A_818 = arith.constant 0.000000e+00 : f32
    %broadcast_in_dim3A_819 = vector.broadcast %broadcast_in_dim3A_818 : f32 to vector<16xf32>
    %swap3A_820 = arith.constant 12 : i32
    %swap3A_821 = arith.index_cast %swap3A_820 : i32 to index
    %swap3A_822 = arith.constant 32 : index
    %swap3A_823 = tpu.vector_load %arg28[%swap3A_821, %swap3A_822] {strides = array<i32>} : memref<32x128xf32, #tpu.memory_space<vmem>>, vector<1x16xf32>,
    %swap3A_824 = vector.shape_cast %swap3A_823 : vector<1x16xf32> to vector<16xf32>
    %swap3A_825 = vector.shape_cast %broadcast_in_dim3A_819 : vector<16xf32> to vector<1x16xf32>
    tpu.vector_store %arg28[%swap3A_821, %swap3A_822], %swap3A_825 {strides = array<i32>} : memref<32x128xf32, #tpu.memory_space<vmem>>, vector<1x16xf32>,
    %broadcast_in_dim3A_826 = arith.constant 0.000000e+00 : f32
    %broadcast_in_dim3A_827 = vector.broadcast %broadcast_in_dim3A_826 : f32 to vector<16xf32>
    %swap3A_828 = arith.constant 12 : i32
    %swap3A_829 = arith.index_cast %swap3A_828 : i32 to index
    %swap3A_830 = arith.constant 48 : index
    %swap3A_831 = tpu.vector_load %arg28[%swap3A_829, %swap3A_830] {strides = array<i32>} : memref<32x128xf32, #tpu.memory_space<vmem>>, vector<1x16xf32>,
    %swap3A_832 = vector.shape_cast %swap3A_831 : vector<1x16xf32> to vector<16xf32>
    %swap3A_833 = vector.shape_cast %broadcast_in_dim3A_827 : vector<16xf32> to vector<1x16xf32>
    tpu.vector_store %arg28[%swap3A_829, %swap3A_830], %swap3A_833 {strides = array<i32>} : memref<32x128xf32, #tpu.memory_space<vmem>>, vector<1x16xf32>,
    %broadcast_in_dim3A_834 = arith.constant 0.000000e+00 : f32
    %broadcast_in_dim3A_835 = vector.broadcast %broadcast_in_dim3A_834 : f32 to vector<16xf32>
    %swap3A_836 = arith.constant 12 : i32
    %swap3A_837 = arith.index_cast %swap3A_836 : i32 to index
    %swap3A_838 = arith.constant 64 : index
    %swap3A_839 = tpu.vector_load %arg28[%swap3A_837, %swap3A_838] {strides = array<i32>} : memref<32x128xf32, #tpu.memory_space<vmem>>, vector<1x16xf32>,
    %swap3A_840 = vector.shape_cast %swap3A_839 : vector<1x16xf32> to vector<16xf32>
    %swap3A_841 = vector.shape_cast %broadcast_in_dim3A_835 : vector<16xf32> to vector<1x16xf32>
    tpu.vector_store %arg28[%swap3A_837, %swap3A_838], %swap3A_841 {strides = array<i32>} : memref<32x128xf32, #tpu.memory_space<vmem>>, vector<1x16xf32>,
    %broadcast_in_dim3A_842 = arith.constant 0.000000e+00 : f32
    %broadcast_in_dim3A_843 = vector.broadcast %broadcast_in_dim3A_842 : f32 to vector<16xf32>
    %swap3A_844 = arith.constant 12 : i32
    %swap3A_845 = arith.index_cast %swap3A_844 : i32 to index
    %swap3A_846 = arith.constant 80 : index
    %swap3A_847 = tpu.vector_load %arg28[%swap3A_845, %swap3A_846] {strides = array<i32>} : memref<32x128xf32, #tpu.memory_space<vmem>>, vector<1x16xf32>,
    %swap3A_848 = vector.shape_cast %swap3A_847 : vector<1x16xf32> to vector<16xf32>
    %swap3A_849 = vector.shape_cast %broadcast_in_dim3A_843 : vector<16xf32> to vector<1x16xf32>
    tpu.vector_store %arg28[%swap3A_845, %swap3A_846], %swap3A_849 {strides = array<i32>} : memref<32x128xf32, #tpu.memory_space<vmem>>, vector<1x16xf32>,
    %broadcast_in_dim3A_850 = arith.constant 0.000000e+00 : f32
    %broadcast_in_dim3A_851 = vector.broadcast %broadcast_in_dim3A_850 : f32 to vector<16xf32>
    %swap3A_852 = arith.constant 12 : i32
    %swap3A_853 = arith.index_cast %swap3A_852 : i32 to index
    %swap3A_854 = arith.constant 96 : index
    %swap3A_855 = tpu.vector_load %arg28[%swap3A_853, %swap3A_854] {strides = array<i32>} : memref<32x128xf32, #tpu.memory_space<vmem>>, vector<1x16xf32>,
    %swap3A_856 = vector.shape_cast %swap3A_855 : vector<1x16xf32> to vector<16xf32>
    %swap3A_857 = vector.shape_cast %broadcast_in_dim3A_851 : vector<16xf32> to vector<1x16xf32>
    tpu.vector_store %arg28[%swap3A_853, %swap3A_854], %swap3A_857 {strides = array<i32>} : memref<32x128xf32, #tpu.memory_space<vmem>>, vector<1x16xf32>,
    %broadcast_in_dim3A_858 = arith.constant 0.000000e+00 : f32
    %broadcast_in_dim3A_859 = vector.broadcast %broadcast_in_dim3A_858 : f32 to vector<16xf32>
    %swap3A_860 = arith.constant 12 : i32
    %swap3A_861 = arith.index_cast %swap3A_860 : i32 to index
    %swap3A_862 = arith.constant 112 : index
    %swap3A_863 = tpu.vector_load %arg28[%swap3A_861, %swap3A_862] {strides = array<i32>} : memref<32x128xf32, #tpu.memory_space<vmem>>, vector<1x16xf32>,
    %swap3A_864 = vector.shape_cast %swap3A_863 : vector<1x16xf32> to vector<16xf32>
    %swap3A_865 = vector.shape_cast %broadcast_in_dim3A_859 : vector<16xf32> to vector<1x16xf32>
    tpu.vector_store %arg28[%swap3A_861, %swap3A_862], %swap3A_865 {strides = array<i32>} : memref<32x128xf32, #tpu.memory_space<vmem>>, vector<1x16xf32>,
    %broadcast_in_dim3A_866 = arith.constant 0.000000e+00 : f32
    %broadcast_in_dim3A_867 = vector.broadcast %broadcast_in_dim3A_866 : f32 to vector<16xf32>
    %swap3A_868 = arith.constant 13 : i32
    %swap3A_869 = arith.index_cast %swap3A_868 : i32 to index
    %swap3A_870 = arith.constant 0 : index
    %swap3A_871 = tpu.vector_load %arg28[%swap3A_869, %swap3A_870] {strides = array<i32>} : memref<32x128xf32, #tpu.memory_space<vmem>>, vector<1x16xf32>,
    %swap3A_872 = vector.shape_cast %swap3A_871 : vector<1x16xf32> to vector<16xf32>
    %swap3A_873 = vector.shape_cast %broadcast_in_dim3A_867 : vector<16xf32> to vector<1x16xf32>
    tpu.vector_store %arg28[%swap3A_869, %swap3A_870], %swap3A_873 {strides = array<i32>} : memref<32x128xf32, #tpu.memory_space<vmem>>, vector<1x16xf32>,
    %broadcast_in_dim3A_874 = arith.constant 0.000000e+00 : f32
    %broadcast_in_dim3A_875 = vector.broadcast %broadcast_in_dim3A_874 : f32 to vector<16xf32>
    %swap3A_876 = arith.constant 13 : i32
    %swap3A_877 = arith.index_cast %swap3A_876 : i32 to index
    %swap3A_878 = arith.constant 16 : index
    %swap3A_879 = tpu.vector_load %arg28[%swap3A_877, %swap3A_878] {strides = array<i32>} : memref<32x128xf32, #tpu.memory_space<vmem>>, vector<1x16xf32>,
    %swap3A_880 = vector.shape_cast %swap3A_879 : vector<1x16xf32> to vector<16xf32>
    %swap3A_881 = vector.shape_cast %broadcast_in_dim3A_875 : vector<16xf32> to vector<1x16xf32>
    tpu.vector_store %arg28[%swap3A_877, %swap3A_878], %swap3A_881 {strides = array<i32>} : memref<32x128xf32, #tpu.memory_space<vmem>>, vector<1x16xf32>,
    %broadcast_in_dim3A_882 = arith.constant 0.000000e+00 : f32
    %broadcast_in_dim3A_883 = vector.broadcast %broadcast_in_dim3A_882 : f32 to vector<16xf32>
    %swap3A_884 = arith.constant 13 : i32
    %swap3A_885 = arith.index_cast %swap3A_884 : i32 to index
    %swap3A_886 = arith.constant 32 : index
    %swap3A_887 = tpu.vector_load %arg28[%swap3A_885, %swap3A_886] {strides = array<i32>} : memref<32x128xf32, #tpu.memory_space<vmem>>, vector<1x16xf32>,
    %swap3A_888 = vector.shape_cast %swap3A_887 : vector<1x16xf32> to vector<16xf32>
    %swap3A_889 = vector.shape_cast %broadcast_in_dim3A_883 : vector<16xf32> to vector<1x16xf32>
    tpu.vector_store %arg28[%swap3A_885, %swap3A_886], %swap3A_889 {strides = array<i32>} : memref<32x128xf32, #tpu.memory_space<vmem>>, vector<1x16xf32>,
    %broadcast_in_dim3A_890 = arith.constant 0.000000e+00 : f32
    %broadcast_in_dim3A_891 = vector.broadcast %broadcast_in_dim3A_890 : f32 to vector<16xf32>
    %swap3A_892 = arith.constant 13 : i32
    %swap3A_893 = arith.index_cast %swap3A_892 : i32 to index
    %swap3A_894 = arith.constant 48 : index
    %swap3A_895 = tpu.vector_load %arg28[%swap3A_893, %swap3A_894] {strides = array<i32>} : memref<32x128xf32, #tpu.memory_space<vmem>>, vector<1x16xf32>,
    %swap3A_896 = vector.shape_cast %swap3A_895 : vector<1x16xf32> to vector<16xf32>
    %swap3A_897 = vector.shape_cast %broadcast_in_dim3A_891 : vector<16xf32> to vector<1x16xf32>
    tpu.vector_store %arg28[%swap3A_893, %swap3A_894], %swap3A_897 {strides = array<i32>} : memref<32x128xf32, #tpu.memory_space<vmem>>, vector<1x16xf32>,
    %broadcast_in_dim3A_898 = arith.constant 0.000000e+00 : f32
    %broadcast_in_dim3A_899 = vector.broadcast %broadcast_in_dim3A_898 : f32 to vector<16xf32>
    %swap3A_900 = arith.constant 13 : i32
    %swap3A_901 = arith.index_cast %swap3A_900 : i32 to index
    %swap3A_902 = arith.constant 64 : index
    %swap3A_903 = tpu.vector_load %arg28[%swap3A_901, %swap3A_902] {strides = array<i32>} : memref<32x128xf32, #tpu.memory_space<vmem>>, vector<1x16xf32>,
    %swap3A_904 = vector.shape_cast %swap3A_903 : vector<1x16xf32> to vector<16xf32>
    %swap3A_905 = vector.shape_cast %broadcast_in_dim3A_899 : vector<16xf32> to vector<1x16xf32>
    tpu.vector_store %arg28[%swap3A_901, %swap3A_902], %swap3A_905 {strides = array<i32>} : memref<32x128xf32, #tpu.memory_space<vmem>>, vector<1x16xf32>,
    %broadcast_in_dim3A_906 = arith.constant 0.000000e+00 : f32
    %broadcast_in_dim3A_907 = vector.broadcast %broadcast_in_dim3A_906 : f32 to vector<16xf32>
    %swap3A_908 = arith.constant 13 : i32
    %swap3A_909 = arith.index_cast %swap3A_908 : i32 to index
    %swap3A_910 = arith.constant 80 : index
    %swap3A_911 = tpu.vector_load %arg28[%swap3A_909, %swap3A_910] {strides = array<i32>} : memref<32x128xf32, #tpu.memory_space<vmem>>, vector<1x16xf32>,
    %swap3A_912 = vector.shape_cast %swap3A_911 : vector<1x16xf32> to vector<16xf32>
    %swap3A_913 = vector.shape_cast %broadcast_in_dim3A_907 : vector<16xf32> to vector<1x16xf32>
    tpu.vector_store %arg28[%swap3A_909, %swap3A_910], %swap3A_913 {strides = array<i32>} : memref<32x128xf32, #tpu.memory_space<vmem>>, vector<1x16xf32>,
    %broadcast_in_dim3A_914 = arith.constant 0.000000e+00 : f32
    %broadcast_in_dim3A_915 = vector.broadcast %broadcast_in_dim3A_914 : f32 to vector<16xf32>
    %swap3A_916 = arith.constant 13 : i32
    %swap3A_917 = arith.index_cast %swap3A_916 : i32 to index
    %swap3A_918 = arith.constant 96 : index
    %swap3A_919 = tpu.vector_load %arg28[%swap3A_917, %swap3A_918] {strides = array<i32>} : memref<32x128xf32, #tpu.memory_space<vmem>>, vector<1x16xf32>,
    %swap3A_920 = vector.shape_cast %swap3A_919 : vector<1x16xf32> to vector<16xf32>
    %swap3A_921 = vector.shape_cast %broadcast_in_dim3A_915 : vector<16xf32> to vector<1x16xf32>
    tpu.vector_store %arg28[%swap3A_917, %swap3A_918], %swap3A_921 {strides = array<i32>} : memref<32x128xf32, #tpu.memory_space<vmem>>, vector<1x16xf32>,
    %broadcast_in_dim3A_922 = arith.constant 0.000000e+00 : f32
    %broadcast_in_dim3A_923 = vector.broadcast %broadcast_in_dim3A_922 : f32 to vector<16xf32>
    %swap3A_924 = arith.constant 13 : i32
    %swap3A_925 = arith.index_cast %swap3A_924 : i32 to index
    %swap3A_926 = arith.constant 112 : index
    %swap3A_927 = tpu.vector_load %arg28[%swap3A_925, %swap3A_926] {strides = array<i32>} : memref<32x128xf32, #tpu.memory_space<vmem>>, vector<1x16xf32>,
    %swap3A_928 = vector.shape_cast %swap3A_927 : vector<1x16xf32> to vector<16xf32>
    %swap3A_929 = vector.shape_cast %broadcast_in_dim3A_923 : vector<16xf32> to vector<1x16xf32>
    tpu.vector_store %arg28[%swap3A_925, %swap3A_926], %swap3A_929 {strides = array<i32>} : memref<32x128xf32, #tpu.memory_space<vmem>>, vector<1x16xf32>,
    %broadcast_in_dim3A_930 = arith.constant 0.000000e+00 : f32
    %broadcast_in_dim3A_931 = vector.broadcast %broadcast_in_dim3A_930 : f32 to vector<16xf32>
    %swap3A_932 = arith.constant 14 : i32
    %swap3A_933 = arith.index_cast %swap3A_932 : i32 to index
    %swap3A_934 = arith.constant 0 : index
    %swap3A_935 = tpu.vector_load %arg28[%swap3A_933, %swap3A_934] {strides = array<i32>} : memref<32x128xf32, #tpu.memory_space<vmem>>, vector<1x16xf32>,
    %swap3A_936 = vector.shape_cast %swap3A_935 : vector<1x16xf32> to vector<16xf32>
    %swap3A_937 = vector.shape_cast %broadcast_in_dim3A_931 : vector<16xf32> to vector<1x16xf32>
    tpu.vector_store %arg28[%swap3A_933, %swap3A_934], %swap3A_937 {strides = array<i32>} : memref<32x128xf32, #tpu.memory_space<vmem>>, vector<1x16xf32>,
    %broadcast_in_dim3A_938 = arith.constant 0.000000e+00 : f32
    %broadcast_in_dim3A_939 = vector.broadcast %broadcast_in_dim3A_938 : f32 to vector<16xf32>
    %swap3A_940 = arith.constant 14 : i32
    %swap3A_941 = arith.index_cast %swap3A_940 : i32 to index
    %swap3A_942 = arith.constant 16 : index
    %swap3A_943 = tpu.vector_load %arg28[%swap3A_941, %swap3A_942] {strides = array<i32>} : memref<32x128xf32, #tpu.memory_space<vmem>>, vector<1x16xf32>,
    %swap3A_944 = vector.shape_cast %swap3A_943 : vector<1x16xf32> to vector<16xf32>
    %swap3A_945 = vector.shape_cast %broadcast_in_dim3A_939 : vector<16xf32> to vector<1x16xf32>
    tpu.vector_store %arg28[%swap3A_941, %swap3A_942], %swap3A_945 {strides = array<i32>} : memref<32x128xf32, #tpu.memory_space<vmem>>, vector<1x16xf32>,
    %broadcast_in_dim3A_946 = arith.constant 0.000000e+00 : f32
    %broadcast_in_dim3A_947 = vector.broadcast %broadcast_in_dim3A_946 : f32 to vector<16xf32>
    %swap3A_948 = arith.constant 14 : i32
    %swap3A_949 = arith.index_cast %swap3A_948 : i32 to index
    %swap3A_950 = arith.constant 32 : index
    %swap3A_951 = tpu.vector_load %arg28[%swap3A_949, %swap3A_950] {strides = array<i32>} : memref<32x128xf32, #tpu.memory_space<vmem>>, vector<1x16xf32>,
    %swap3A_952 = vector.shape_cast %swap3A_951 : vector<1x16xf32> to vector<16xf32>
    %swap3A_953 = vector.shape_cast %broadcast_in_dim3A_947 : vector<16xf32> to vector<1x16xf32>
    tpu.vector_store %arg28[%swap3A_949, %swap3A_950], %swap3A_953 {strides = array<i32>} : memref<32x128xf32, #tpu.memory_space<vmem>>, vector<1x16xf32>,
    %broadcast_in_dim3A_954 = arith.constant 0.000000e+00 : f32
    %broadcast_in_dim3A_955 = vector.broadcast %broadcast_in_dim3A_954 : f32 to vector<16xf32>
    %swap3A_956 = arith.constant 14 : i32
    %swap3A_957 = arith.index_cast %swap3A_956 : i32 to index
    %swap3A_958 = arith.constant 48 : index
    %swap3A_959 = tpu.vector_load %arg28[%swap3A_957, %swap3A_958] {strides = array<i32>} : memref<32x128xf32, #tpu.memory_space<vmem>>, vector<1x16xf32>,
    %swap3A_960 = vector.shape_cast %swap3A_959 : vector<1x16xf32> to vector<16xf32>
    %swap3A_961 = vector.shape_cast %broadcast_in_dim3A_955 : vector<16xf32> to vector<1x16xf32>
    tpu.vector_store %arg28[%swap3A_957, %swap3A_958], %swap3A_961 {strides = array<i32>} : memref<32x128xf32, #tpu.memory_space<vmem>>, vector<1x16xf32>,
    %broadcast_in_dim3A_962 = arith.constant 0.000000e+00 : f32
    %broadcast_in_dim3A_963 = vector.broadcast %broadcast_in_dim3A_962 : f32 to vector<16xf32>
    %swap3A_964 = arith.constant 14 : i32
    %swap3A_965 = arith.index_cast %swap3A_964 : i32 to index
    %swap3A_966 = arith.constant 64 : index
    %swap3A_967 = tpu.vector_load %arg28[%swap3A_965, %swap3A_966] {strides = array<i32>} : memref<32x128xf32, #tpu.memory_space<vmem>>, vector<1x16xf32>,
    %swap3A_968 = vector.shape_cast %swap3A_967 : vector<1x16xf32> to vector<16xf32>
    %swap3A_969 = vector.shape_cast %broadcast_in_dim3A_963 : vector<16xf32> to vector<1x16xf32>
    tpu.vector_store %arg28[%swap3A_965, %swap3A_966], %swap3A_969 {strides = array<i32>} : memref<32x128xf32, #tpu.memory_space<vmem>>, vector<1x16xf32>,
    %broadcast_in_dim3A_970 = arith.constant 0.000000e+00 : f32
    %broadcast_in_dim3A_971 = vector.broadcast %broadcast_in_dim3A_970 : f32 to vector<16xf32>
    %swap3A_972 = arith.constant 14 : i32
    %swap3A_973 = arith.index_cast %swap3A_972 : i32 to index
    %swap3A_974 = arith.constant 80 : index
    %swap3A_975 = tpu.vector_load %arg28[%swap3A_973, %swap3A_974] {strides = array<i32>} : memref<32x128xf32, #tpu.memory_space<vmem>>, vector<1x16xf32>,
    %swap3A_976 = vector.shape_cast %swap3A_975 : vector<1x16xf32> to vector<16xf32>
    %swap3A_977 = vector.shape_cast %broadcast_in_dim3A_971 : vector<16xf32> to vector<1x16xf32>
    tpu.vector_store %arg28[%swap3A_973, %swap3A_974], %swap3A_977 {strides = array<i32>} : memref<32x128xf32, #tpu.memory_space<vmem>>, vector<1x16xf32>,
    %broadcast_in_dim3A_978 = arith.constant 0.000000e+00 : f32
    %broadcast_in_dim3A_979 = vector.broadcast %broadcast_in_dim3A_978 : f32 to vector<16xf32>
    %swap3A_980 = arith.constant 14 : i32
    %swap3A_981 = arith.index_cast %swap3A_980 : i32 to index
    %swap3A_982 = arith.constant 96 : index
    %swap3A_983 = tpu.vector_load %arg28[%swap3A_981, %swap3A_982] {strides = array<i32>} : memref<32x128xf32, #tpu.memory_space<vmem>>, vector<1x16xf32>,
    %swap3A_984 = vector.shape_cast %swap3A_983 : vector<1x16xf32> to vector<16xf32>
    %swap3A_985 = vector.shape_cast %broadcast_in_dim3A_979 : vector<16xf32> to vector<1x16xf32>
    tpu.vector_store %arg28[%swap3A_981, %swap3A_982], %swap3A_985 {strides = array<i32>} : memref<32x128xf32, #tpu.memory_space<vmem>>, vector<1x16xf32>,
    %broadcast_in_dim3A_986 = arith.constant 0.000000e+00 : f32
    %broadcast_in_dim3A_987 = vector.broadcast %broadcast_in_dim3A_986 : f32 to vector<16xf32>
    %swap3A_988 = arith.constant 14 : i32
    %swap3A_989 = arith.index_cast %swap3A_988 : i32 to index
    %swap3A_990 = arith.constant 112 : index
    %swap3A_991 = tpu.vector_load %arg28[%swap3A_989, %swap3A_990] {strides = array<i32>} : memref<32x128xf32, #tpu.memory_space<vmem>>, vector<1x16xf32>,
    %swap3A_992 = vector.shape_cast %swap3A_991 : vector<1x16xf32> to vector<16xf32>
    %swap3A_993 = vector.shape_cast %broadcast_in_dim3A_987 : vector<16xf32> to vector<1x16xf32>
    tpu.vector_store %arg28[%swap3A_989, %swap3A_990], %swap3A_993 {strides = array<i32>} : memref<32x128xf32, #tpu.memory_space<vmem>>, vector<1x16xf32>,
    %broadcast_in_dim3A_994 = arith.constant 0.000000e+00 : f32
    %broadcast_in_dim3A_995 = vector.broadcast %broadcast_in_dim3A_994 : f32 to vector<16xf32>
    %swap3A_996 = arith.constant 15 : i32
    %swap3A_997 = arith.index_cast %swap3A_996 : i32 to index
    %swap3A_998 = arith.constant 0 : index
    %swap3A_999 = tpu.vector_load %arg28[%swap3A_997, %swap3A_998] {strides = array<i32>} : memref<32x128xf32, #tpu.memory_space<vmem>>, vector<1x16xf32>,
    %swap3A_1000 = vector.shape_cast %swap3A_999 : vector<1x16xf32> to vector<16xf32>
    %swap3A_1001 = vector.shape_cast %broadcast_in_dim3A_995 : vector<16xf32> to vector<1x16xf32>
    tpu.vector_store %arg28[%swap3A_997, %swap3A_998], %swap3A_1001 {strides = array<i32>} : memref<32x128xf32, #tpu.memory_space<vmem>>, vector<1x16xf32>,
    %broadcast_in_dim3A_1002 = arith.constant 0.000000e+00 : f32
    %broadcast_in_dim3A_1003 = vector.broadcast %broadcast_in_dim3A_1002 : f32 to vector<16xf32>
    %swap3A_1004 = arith.constant 15 : i32
    %swap3A_1005 = arith.index_cast %swap3A_1004 : i32 to index
    %swap3A_1006 = arith.constant 16 : index
    %swap3A_1007 = tpu.vector_load %arg28[%swap3A_1005, %swap3A_1006] {strides = array<i32>} : memref<32x128xf32, #tpu.memory_space<vmem>>, vector<1x16xf32>,
    %swap3A_1008 = vector.shape_cast %swap3A_1007 : vector<1x16xf32> to vector<16xf32>
    %swap3A_1009 = vector.shape_cast %broadcast_in_dim3A_1003 : vector<16xf32> to vector<1x16xf32>
    tpu.vector_store %arg28[%swap3A_1005, %swap3A_1006], %swap3A_1009 {strides = array<i32>} : memref<32x128xf32, #tpu.memory_space<vmem>>, vector<1x16xf32>,
    %broadcast_in_dim3A_1010 = arith.constant 0.000000e+00 : f32
    %broadcast_in_dim3A_1011 = vector.broadcast %broadcast_in_dim3A_1010 : f32 to vector<16xf32>
    %swap3A_1012 = arith.constant 15 : i32
    %swap3A_1013 = arith.index_cast %swap3A_1012 : i32 to index
    %swap3A_1014 = arith.constant 32 : index
    %swap3A_1015 = tpu.vector_load %arg28[%swap3A_1013, %swap3A_1014] {strides = array<i32>} : memref<32x128xf32, #tpu.memory_space<vmem>>, vector<1x16xf32>,
    %swap3A_1016 = vector.shape_cast %swap3A_1015 : vector<1x16xf32> to vector<16xf32>
    %swap3A_1017 = vector.shape_cast %broadcast_in_dim3A_1011 : vector<16xf32> to vector<1x16xf32>
    tpu.vector_store %arg28[%swap3A_1013, %swap3A_1014], %swap3A_1017 {strides = array<i32>} : memref<32x128xf32, #tpu.memory_space<vmem>>, vector<1x16xf32>,
    %broadcast_in_dim3A_1018 = arith.constant 0.000000e+00 : f32
    %broadcast_in_dim3A_1019 = vector.broadcast %broadcast_in_dim3A_1018 : f32 to vector<16xf32>
    %swap3A_1020 = arith.constant 15 : i32
    %swap3A_1021 = arith.index_cast %swap3A_1020 : i32 to index
    %swap3A_1022 = arith.constant 48 : index
    %swap3A_1023 = tpu.vector_load %arg28[%swap3A_1021, %swap3A_1022] {strides = array<i32>} : memref<32x128xf32, #tpu.memory_space<vmem>>, vector<1x16xf32>,
    %swap3A_1024 = vector.shape_cast %swap3A_1023 : vector<1x16xf32> to vector<16xf32>
    %swap3A_1025 = vector.shape_cast %broadcast_in_dim3A_1019 : vector<16xf32> to vector<1x16xf32>
    tpu.vector_store %arg28[%swap3A_1021, %swap3A_1022], %swap3A_1025 {strides = array<i32>} : memref<32x128xf32, #tpu.memory_space<vmem>>, vector<1x16xf32>,
    %broadcast_in_dim3A_1026 = arith.constant 0.000000e+00 : f32
    %broadcast_in_dim3A_1027 = vector.broadcast %broadcast_in_dim3A_1026 : f32 to vector<16xf32>
    %swap3A_1028 = arith.constant 15 : i32
    %swap3A_1029 = arith.index_cast %swap3A_1028 : i32 to index
    %swap3A_1030 = arith.constant 64 : index
    %swap3A_1031 = tpu.vector_load %arg28[%swap3A_1029, %swap3A_1030] {strides = array<i32>} : memref<32x128xf32, #tpu.memory_space<vmem>>, vector<1x16xf32>,
    %swap3A_1032 = vector.shape_cast %swap3A_1031 : vector<1x16xf32> to vector<16xf32>
    %swap3A_1033 = vector.shape_cast %broadcast_in_dim3A_1027 : vector<16xf32> to vector<1x16xf32>
    tpu.vector_store %arg28[%swap3A_1029, %swap3A_1030], %swap3A_1033 {strides = array<i32>} : memref<32x128xf32, #tpu.memory_space<vmem>>, vector<1x16xf32>,
    %broadcast_in_dim3A_1034 = arith.constant 0.000000e+00 : f32
    %broadcast_in_dim3A_1035 = vector.broadcast %broadcast_in_dim3A_1034 : f32 to vector<16xf32>
    %swap3A_1036 = arith.constant 15 : i32
    %swap3A_1037 = arith.index_cast %swap3A_1036 : i32 to index
    %swap3A_1038 = arith.constant 80 : index
    %swap3A_1039 = tpu.vector_load %arg28[%swap3A_1037, %swap3A_1038] {strides = array<i32>} : memref<32x128xf32, #tpu.memory_space<vmem>>, vector<1x16xf32>,
    %swap3A_1040 = vector.shape_cast %swap3A_1039 : vector<1x16xf32> to vector<16xf32>
    %swap3A_1041 = vector.shape_cast %broadcast_in_dim3A_1035 : vector<16xf32> to vector<1x16xf32>
    tpu.vector_store %arg28[%swap3A_1037, %swap3A_1038], %swap3A_1041 {strides = array<i32>} : memref<32x128xf32, #tpu.memory_space<vmem>>, vector<1x16xf32>,
    %broadcast_in_dim3A_1042 = arith.constant 0.000000e+00 : f32
    %broadcast_in_dim3A_1043 = vector.broadcast %broadcast_in_dim3A_1042 : f32 to vector<16xf32>
    %swap3A_1044 = arith.constant 15 : i32
    %swap3A_1045 = arith.index_cast %swap3A_1044 : i32 to index
    %swap3A_1046 = arith.constant 96 : index
    %swap3A_1047 = tpu.vector_load %arg28[%swap3A_1045, %swap3A_1046] {strides = array<i32>} : memref<32x128xf32, #tpu.memory_space<vmem>>, vector<1x16xf32>,
    %swap3A_1048 = vector.shape_cast %swap3A_1047 : vector<1x16xf32> to vector<16xf32>
    %swap3A_1049 = vector.shape_cast %broadcast_in_dim3A_1043 : vector<16xf32> to vector<1x16xf32>
    tpu.vector_store %arg28[%swap3A_1045, %swap3A_1046], %swap3A_1049 {strides = array<i32>} : memref<32x128xf32, #tpu.memory_space<vmem>>, vector<1x16xf32>,
    %broadcast_in_dim3A_1050 = arith.constant 0.000000e+00 : f32
    %broadcast_in_dim3A_1051 = vector.broadcast %broadcast_in_dim3A_1050 : f32 to vector<16xf32>
    %swap3A_1052 = arith.constant 15 : i32
    %swap3A_1053 = arith.index_cast %swap3A_1052 : i32 to index
    %swap3A_1054 = arith.constant 112 : index
    %swap3A_1055 = tpu.vector_load %arg28[%swap3A_1053, %swap3A_1054] {strides = array<i32>} : memref<32x128xf32, #tpu.memory_space<vmem>>, vector<1x16xf32>,
    %swap3A_1056 = vector.shape_cast %swap3A_1055 : vector<1x16xf32> to vector<16xf32>
    %swap3A_1057 = vector.shape_cast %broadcast_in_dim3A_1051 : vector<16xf32> to vector<1x16xf32>
    tpu.vector_store %arg28[%swap3A_1053, %swap3A_1054], %swap3A_1057 {strides = array<i32>} : memref<32x128xf32, #tpu.memory_space<vmem>>, vector<1x16xf32>,
    %broadcast_in_dim3A_1058 = arith.constant 0.000000e+00 : f32
    %broadcast_in_dim3A_1059 = vector.broadcast %broadcast_in_dim3A_1058 : f32 to vector<16xf32>
    %swap3A_1060 = arith.constant 16 : i32
    %swap3A_1061 = arith.index_cast %swap3A_1060 : i32 to index
    %swap3A_1062 = arith.constant 0 : index
    %swap3A_1063 = tpu.vector_load %arg28[%swap3A_1061, %swap3A_1062] {strides = array<i32>} : memref<32x128xf32, #tpu.memory_space<vmem>>, vector<1x16xf32>,
    %swap3A_1064 = vector.shape_cast %swap3A_1063 : vector<1x16xf32> to vector<16xf32>
    %swap3A_1065 = vector.shape_cast %broadcast_in_dim3A_1059 : vector<16xf32> to vector<1x16xf32>
    tpu.vector_store %arg28[%swap3A_1061, %swap3A_1062], %swap3A_1065 {strides = array<i32>} : memref<32x128xf32, #tpu.memory_space<vmem>>, vector<1x16xf32>,
    %broadcast_in_dim3A_1066 = arith.constant 0.000000e+00 : f32
    %broadcast_in_dim3A_1067 = vector.broadcast %broadcast_in_dim3A_1066 : f32 to vector<16xf32>
    %swap3A_1068 = arith.constant 16 : i32
    %swap3A_1069 = arith.index_cast %swap3A_1068 : i32 to index
    %swap3A_1070 = arith.constant 16 : index
    %swap3A_1071 = tpu.vector_load %arg28[%swap3A_1069, %swap3A_1070] {strides = array<i32>} : memref<32x128xf32, #tpu.memory_space<vmem>>, vector<1x16xf32>,
    %swap3A_1072 = vector.shape_cast %swap3A_1071 : vector<1x16xf32> to vector<16xf32>
    %swap3A_1073 = vector.shape_cast %broadcast_in_dim3A_1067 : vector<16xf32> to vector<1x16xf32>
    tpu.vector_store %arg28[%swap3A_1069, %swap3A_1070], %swap3A_1073 {strides = array<i32>} : memref<32x128xf32, #tpu.memory_space<vmem>>, vector<1x16xf32>,
    %broadcast_in_dim3A_1074 = arith.constant 0.000000e+00 : f32
    %broadcast_in_dim3A_1075 = vector.broadcast %broadcast_in_dim3A_1074 : f32 to vector<16xf32>
    %swap3A_1076 = arith.constant 16 : i32
    %swap3A_1077 = arith.index_cast %swap3A_1076 : i32 to index
    %swap3A_1078 = arith.constant 32 : index
    %swap3A_1079 = tpu.vector_load %arg28[%swap3A_1077, %swap3A_1078] {strides = array<i32>} : memref<32x128xf32, #tpu.memory_space<vmem>>, vector<1x16xf32>,
    %swap3A_1080 = vector.shape_cast %swap3A_1079 : vector<1x16xf32> to vector<16xf32>
    %swap3A_1081 = vector.shape_cast %broadcast_in_dim3A_1075 : vector<16xf32> to vector<1x16xf32>
    tpu.vector_store %arg28[%swap3A_1077, %swap3A_1078], %swap3A_1081 {strides = array<i32>} : memref<32x128xf32, #tpu.memory_space<vmem>>, vector<1x16xf32>,
    %broadcast_in_dim3A_1082 = arith.constant 0.000000e+00 : f32
    %broadcast_in_dim3A_1083 = vector.broadcast %broadcast_in_dim3A_1082 : f32 to vector<16xf32>
    %swap3A_1084 = arith.constant 16 : i32
    %swap3A_1085 = arith.index_cast %swap3A_1084 : i32 to index
    %swap3A_1086 = arith.constant 48 : index
    %swap3A_1087 = tpu.vector_load %arg28[%swap3A_1085, %swap3A_1086] {strides = array<i32>} : memref<32x128xf32, #tpu.memory_space<vmem>>, vector<1x16xf32>,
    %swap3A_1088 = vector.shape_cast %swap3A_1087 : vector<1x16xf32> to vector<16xf32>
    %swap3A_1089 = vector.shape_cast %broadcast_in_dim3A_1083 : vector<16xf32> to vector<1x16xf32>
    tpu.vector_store %arg28[%swap3A_1085, %swap3A_1086], %swap3A_1089 {strides = array<i32>} : memref<32x128xf32, #tpu.memory_space<vmem>>, vector<1x16xf32>,
    %broadcast_in_dim3A_1090 = arith.constant 0.000000e+00 : f32
    %broadcast_in_dim3A_1091 = vector.broadcast %broadcast_in_dim3A_1090 : f32 to vector<16xf32>
    %swap3A_1092 = arith.constant 16 : i32
    %swap3A_1093 = arith.index_cast %swap3A_1092 : i32 to index
    %swap3A_1094 = arith.constant 64 : index
    %swap3A_1095 = tpu.vector_load %arg28[%swap3A_1093, %swap3A_1094] {strides = array<i32>} : memref<32x128xf32, #tpu.memory_space<vmem>>, vector<1x16xf32>,
    %swap3A_1096 = vector.shape_cast %swap3A_1095 : vector<1x16xf32> to vector<16xf32>
    %swap3A_1097 = vector.shape_cast %broadcast_in_dim3A_1091 : vector<16xf32> to vector<1x16xf32>
    tpu.vector_store %arg28[%swap3A_1093, %swap3A_1094], %swap3A_1097 {strides = array<i32>} : memref<32x128xf32, #tpu.memory_space<vmem>>, vector<1x16xf32>,
    %broadcast_in_dim3A_1098 = arith.constant 0.000000e+00 : f32
    %broadcast_in_dim3A_1099 = vector.broadcast %broadcast_in_dim3A_1098 : f32 to vector<16xf32>
    %swap3A_1100 = arith.constant 16 : i32
    %swap3A_1101 = arith.index_cast %swap3A_1100 : i32 to index
    %swap3A_1102 = arith.constant 80 : index
    %swap3A_1103 = tpu.vector_load %arg28[%swap3A_1101, %swap3A_1102] {strides = array<i32>} : memref<32x128xf32, #tpu.memory_space<vmem>>, vector<1x16xf32>,
    %swap3A_1104 = vector.shape_cast %swap3A_1103 : vector<1x16xf32> to vector<16xf32>
    %swap3A_1105 = vector.shape_cast %broadcast_in_dim3A_1099 : vector<16xf32> to vector<1x16xf32>
    tpu.vector_store %arg28[%swap3A_1101, %swap3A_1102], %swap3A_1105 {strides = array<i32>} : memref<32x128xf32, #tpu.memory_space<vmem>>, vector<1x16xf32>,
    %broadcast_in_dim3A_1106 = arith.constant 0.000000e+00 : f32
    %broadcast_in_dim3A_1107 = vector.broadcast %broadcast_in_dim3A_1106 : f32 to vector<16xf32>
    %swap3A_1108 = arith.constant 16 : i32
    %swap3A_1109 = arith.index_cast %swap3A_1108 : i32 to index
    %swap3A_1110 = arith.constant 96 : index
    %swap3A_1111 = tpu.vector_load %arg28[%swap3A_1109, %swap3A_1110] {strides = array<i32>} : memref<32x128xf32, #tpu.memory_space<vmem>>, vector<1x16xf32>,
    %swap3A_1112 = vector.shape_cast %swap3A_1111 : vector<1x16xf32> to vector<16xf32>
    %swap3A_1113 = vector.shape_cast %broadcast_in_dim3A_1107 : vector<16xf32> to vector<1x16xf32>
    tpu.vector_store %arg28[%swap3A_1109, %swap3A_1110], %swap3A_1113 {strides = array<i32>} : memref<32x128xf32, #tpu.memory_space<vmem>>, vector<1x16xf32>,
    %broadcast_in_dim3A_1114 = arith.constant 0.000000e+00 : f32
    %broadcast_in_dim3A_1115 = vector.broadcast %broadcast_in_dim3A_1114 : f32 to vector<16xf32>
    %swap3A_1116 = arith.constant 16 : i32
    %swap3A_1117 = arith.index_cast %swap3A_1116 : i32 to index
    %swap3A_1118 = arith.constant 112 : index
    %swap3A_1119 = tpu.vector_load %arg28[%swap3A_1117, %swap3A_1118] {strides = array<i32>} : memref<32x128xf32, #tpu.memory_space<vmem>>, vector<1x16xf32>,
    %swap3A_1120 = vector.shape_cast %swap3A_1119 : vector<1x16xf32> to vector<16xf32>
    %swap3A_1121 = vector.shape_cast %broadcast_in_dim3A_1115 : vector<16xf32> to vector<1x16xf32>
    tpu.vector_store %arg28[%swap3A_1117, %swap3A_1118], %swap3A_1121 {strides = array<i32>} : memref<32x128xf32, #tpu.memory_space<vmem>>, vector<1x16xf32>,
    %broadcast_in_dim3A_1122 = arith.constant 0.000000e+00 : f32
    %broadcast_in_dim3A_1123 = vector.broadcast %broadcast_in_dim3A_1122 : f32 to vector<16xf32>
    %swap3A_1124 = arith.constant 17 : i32
    %swap3A_1125 = arith.index_cast %swap3A_1124 : i32 to index
    %swap3A_1126 = arith.constant 0 : index
    %swap3A_1127 = tpu.vector_load %arg28[%swap3A_1125, %swap3A_1126] {strides = array<i32>} : memref<32x128xf32, #tpu.memory_space<vmem>>, vector<1x16xf32>,
    %swap3A_1128 = vector.shape_cast %swap3A_1127 : vector<1x16xf32> to vector<16xf32>
    %swap3A_1129 = vector.shape_cast %broadcast_in_dim3A_1123 : vector<16xf32> to vector<1x16xf32>
    tpu.vector_store %arg28[%swap3A_1125, %swap3A_1126], %swap3A_1129 {strides = array<i32>} : memref<32x128xf32, #tpu.memory_space<vmem>>, vector<1x16xf32>,
    %broadcast_in_dim3A_1130 = arith.constant 0.000000e+00 : f32
    %broadcast_in_dim3A_1131 = vector.broadcast %broadcast_in_dim3A_1130 : f32 to vector<16xf32>
    %swap3A_1132 = arith.constant 17 : i32
    %swap3A_1133 = arith.index_cast %swap3A_1132 : i32 to index
    %swap3A_1134 = arith.constant 16 : index
    %swap3A_1135 = tpu.vector_load %arg28[%swap3A_1133, %swap3A_1134] {strides = array<i32>} : memref<32x128xf32, #tpu.memory_space<vmem>>, vector<1x16xf32>,
    %swap3A_1136 = vector.shape_cast %swap3A_1135 : vector<1x16xf32> to vector<16xf32>
    %swap3A_1137 = vector.shape_cast %broadcast_in_dim3A_1131 : vector<16xf32> to vector<1x16xf32>
    tpu.vector_store %arg28[%swap3A_1133, %swap3A_1134], %swap3A_1137 {strides = array<i32>} : memref<32x128xf32, #tpu.memory_space<vmem>>, vector<1x16xf32>,
    %broadcast_in_dim3A_1138 = arith.constant 0.000000e+00 : f32
    %broadcast_in_dim3A_1139 = vector.broadcast %broadcast_in_dim3A_1138 : f32 to vector<16xf32>
    %swap3A_1140 = arith.constant 17 : i32
    %swap3A_1141 = arith.index_cast %swap3A_1140 : i32 to index
    %swap3A_1142 = arith.constant 32 : index
    %swap3A_1143 = tpu.vector_load %arg28[%swap3A_1141, %swap3A_1142] {strides = array<i32>} : memref<32x128xf32, #tpu.memory_space<vmem>>, vector<1x16xf32>,
    %swap3A_1144 = vector.shape_cast %swap3A_1143 : vector<1x16xf32> to vector<16xf32>
    %swap3A_1145 = vector.shape_cast %broadcast_in_dim3A_1139 : vector<16xf32> to vector<1x16xf32>
    tpu.vector_store %arg28[%swap3A_1141, %swap3A_1142], %swap3A_1145 {strides = array<i32>} : memref<32x128xf32, #tpu.memory_space<vmem>>, vector<1x16xf32>,
    %broadcast_in_dim3A_1146 = arith.constant 0.000000e+00 : f32
    %broadcast_in_dim3A_1147 = vector.broadcast %broadcast_in_dim3A_1146 : f32 to vector<16xf32>
    %swap3A_1148 = arith.constant 17 : i32
    %swap3A_1149 = arith.index_cast %swap3A_1148 : i32 to index
    %swap3A_1150 = arith.constant 48 : index
    %swap3A_1151 = tpu.vector_load %arg28[%swap3A_1149, %swap3A_1150] {strides = array<i32>} : memref<32x128xf32, #tpu.memory_space<vmem>>, vector<1x16xf32>,
    %swap3A_1152 = vector.shape_cast %swap3A_1151 : vector<1x16xf32> to vector<16xf32>
    %swap3A_1153 = vector.shape_cast %broadcast_in_dim3A_1147 : vector<16xf32> to vector<1x16xf32>
    tpu.vector_store %arg28[%swap3A_1149, %swap3A_1150], %swap3A_1153 {strides = array<i32>} : memref<32x128xf32, #tpu.memory_space<vmem>>, vector<1x16xf32>,
    %broadcast_in_dim3A_1154 = arith.constant 0.000000e+00 : f32
    %broadcast_in_dim3A_1155 = vector.broadcast %broadcast_in_dim3A_1154 : f32 to vector<16xf32>
    %swap3A_1156 = arith.constant 17 : i32
    %swap3A_1157 = arith.index_cast %swap3A_1156 : i32 to index
    %swap3A_1158 = arith.constant 64 : index
    %swap3A_1159 = tpu.vector_load %arg28[%swap3A_1157, %swap3A_1158] {strides = array<i32>} : memref<32x128xf32, #tpu.memory_space<vmem>>, vector<1x16xf32>,
    %swap3A_1160 = vector.shape_cast %swap3A_1159 : vector<1x16xf32> to vector<16xf32>
    %swap3A_1161 = vector.shape_cast %broadcast_in_dim3A_1155 : vector<16xf32> to vector<1x16xf32>
    tpu.vector_store %arg28[%swap3A_1157, %swap3A_1158], %swap3A_1161 {strides = array<i32>} : memref<32x128xf32, #tpu.memory_space<vmem>>, vector<1x16xf32>,
    %broadcast_in_dim3A_1162 = arith.constant 0.000000e+00 : f32
    %broadcast_in_dim3A_1163 = vector.broadcast %broadcast_in_dim3A_1162 : f32 to vector<16xf32>
    %swap3A_1164 = arith.constant 17 : i32
    %swap3A_1165 = arith.index_cast %swap3A_1164 : i32 to index
    %swap3A_1166 = arith.constant 80 : index
    %swap3A_1167 = tpu.vector_load %arg28[%swap3A_1165, %swap3A_1166] {strides = array<i32>} : memref<32x128xf32, #tpu.memory_space<vmem>>, vector<1x16xf32>,
    %swap3A_1168 = vector.shape_cast %swap3A_1167 : vector<1x16xf32> to vector<16xf32>
    %swap3A_1169 = vector.shape_cast %broadcast_in_dim3A_1163 : vector<16xf32> to vector<1x16xf32>
    tpu.vector_store %arg28[%swap3A_1165, %swap3A_1166], %swap3A_1169 {strides = array<i32>} : memref<32x128xf32, #tpu.memory_space<vmem>>, vector<1x16xf32>,
    %broadcast_in_dim3A_1170 = arith.constant 0.000000e+00 : f32
    %broadcast_in_dim3A_1171 = vector.broadcast %broadcast_in_dim3A_1170 : f32 to vector<16xf32>
    %swap3A_1172 = arith.constant 17 : i32
    %swap3A_1173 = arith.index_cast %swap3A_1172 : i32 to index
    %swap3A_1174 = arith.constant 96 : index
    %swap3A_1175 = tpu.vector_load %arg28[%swap3A_1173, %swap3A_1174] {strides = array<i32>} : memref<32x128xf32, #tpu.memory_space<vmem>>, vector<1x16xf32>,
    %swap3A_1176 = vector.shape_cast %swap3A_1175 : vector<1x16xf32> to vector<16xf32>
    %swap3A_1177 = vector.shape_cast %broadcast_in_dim3A_1171 : vector<16xf32> to vector<1x16xf32>
    tpu.vector_store %arg28[%swap3A_1173, %swap3A_1174], %swap3A_1177 {strides = array<i32>} : memref<32x128xf32, #tpu.memory_space<vmem>>, vector<1x16xf32>,
    %broadcast_in_dim3A_1178 = arith.constant 0.000000e+00 : f32
    %broadcast_in_dim3A_1179 = vector.broadcast %broadcast_in_dim3A_1178 : f32 to vector<16xf32>
    %swap3A_1180 = arith.constant 17 : i32
    %swap3A_1181 = arith.index_cast %swap3A_1180 : i32 to index
    %swap3A_1182 = arith.constant 112 : index
    %swap3A_1183 = tpu.vector_load %arg28[%swap3A_1181, %swap3A_1182] {strides = array<i32>} : memref<32x128xf32, #tpu.memory_space<vmem>>, vector<1x16xf32>,
    %swap3A_1184 = vector.shape_cast %swap3A_1183 : vector<1x16xf32> to vector<16xf32>
    %swap3A_1185 = vector.shape_cast %broadcast_in_dim3A_1179 : vector<16xf32> to vector<1x16xf32>
    tpu.vector_store %arg28[%swap3A_1181, %swap3A_1182], %swap3A_1185 {strides = array<i32>} : memref<32x128xf32, #tpu.memory_space<vmem>>, vector<1x16xf32>,
    %broadcast_in_dim3A_1186 = arith.constant 0.000000e+00 : f32
    %broadcast_in_dim3A_1187 = vector.broadcast %broadcast_in_dim3A_1186 : f32 to vector<16xf32>
    %swap3A_1188 = arith.constant 18 : i32
    %swap3A_1189 = arith.index_cast %swap3A_1188 : i32 to index
    %swap3A_1190 = arith.constant 0 : index
    %swap3A_1191 = tpu.vector_load %arg28[%swap3A_1189, %swap3A_1190] {strides = array<i32>} : memref<32x128xf32, #tpu.memory_space<vmem>>, vector<1x16xf32>,
    %swap3A_1192 = vector.shape_cast %swap3A_1191 : vector<1x16xf32> to vector<16xf32>
    %swap3A_1193 = vector.shape_cast %broadcast_in_dim3A_1187 : vector<16xf32> to vector<1x16xf32>
    tpu.vector_store %arg28[%swap3A_1189, %swap3A_1190], %swap3A_1193 {strides = array<i32>} : memref<32x128xf32, #tpu.memory_space<vmem>>, vector<1x16xf32>,
    %broadcast_in_dim3A_1194 = arith.constant 0.000000e+00 : f32
    %broadcast_in_dim3A_1195 = vector.broadcast %broadcast_in_dim3A_1194 : f32 to vector<16xf32>
    %swap3A_1196 = arith.constant 18 : i32
    %swap3A_1197 = arith.index_cast %swap3A_1196 : i32 to index
    %swap3A_1198 = arith.constant 16 : index
    %swap3A_1199 = tpu.vector_load %arg28[%swap3A_1197, %swap3A_1198] {strides = array<i32>} : memref<32x128xf32, #tpu.memory_space<vmem>>, vector<1x16xf32>,
    %swap3A_1200 = vector.shape_cast %swap3A_1199 : vector<1x16xf32> to vector<16xf32>
    %swap3A_1201 = vector.shape_cast %broadcast_in_dim3A_1195 : vector<16xf32> to vector<1x16xf32>
    tpu.vector_store %arg28[%swap3A_1197, %swap3A_1198], %swap3A_1201 {strides = array<i32>} : memref<32x128xf32, #tpu.memory_space<vmem>>, vector<1x16xf32>,
    %broadcast_in_dim3A_1202 = arith.constant 0.000000e+00 : f32
    %broadcast_in_dim3A_1203 = vector.broadcast %broadcast_in_dim3A_1202 : f32 to vector<16xf32>
    %swap3A_1204 = arith.constant 18 : i32
    %swap3A_1205 = arith.index_cast %swap3A_1204 : i32 to index
    %swap3A_1206 = arith.constant 32 : index
    %swap3A_1207 = tpu.vector_load %arg28[%swap3A_1205, %swap3A_1206] {strides = array<i32>} : memref<32x128xf32, #tpu.memory_space<vmem>>, vector<1x16xf32>,
    %swap3A_1208 = vector.shape_cast %swap3A_1207 : vector<1x16xf32> to vector<16xf32>
    %swap3A_1209 = vector.shape_cast %broadcast_in_dim3A_1203 : vector<16xf32> to vector<1x16xf32>
    tpu.vector_store %arg28[%swap3A_1205, %swap3A_1206], %swap3A_1209 {strides = array<i32>} : memref<32x128xf32, #tpu.memory_space<vmem>>, vector<1x16xf32>,
    %broadcast_in_dim3A_1210 = arith.constant 0.000000e+00 : f32
    %broadcast_in_dim3A_1211 = vector.broadcast %broadcast_in_dim3A_1210 : f32 to vector<16xf32>
    %swap3A_1212 = arith.constant 18 : i32
    %swap3A_1213 = arith.index_cast %swap3A_1212 : i32 to index
    %swap3A_1214 = arith.constant 48 : index
    %swap3A_1215 = tpu.vector_load %arg28[%swap3A_1213, %swap3A_1214] {strides = array<i32>} : memref<32x128xf32, #tpu.memory_space<vmem>>, vector<1x16xf32>,
    %swap3A_1216 = vector.shape_cast %swap3A_1215 : vector<1x16xf32> to vector<16xf32>
    %swap3A_1217 = vector.shape_cast %broadcast_in_dim3A_1211 : vector<16xf32> to vector<1x16xf32>
    tpu.vector_store %arg28[%swap3A_1213, %swap3A_1214], %swap3A_1217 {strides = array<i32>} : memref<32x128xf32, #tpu.memory_space<vmem>>, vector<1x16xf32>,
    %broadcast_in_dim3A_1218 = arith.constant 0.000000e+00 : f32
    %broadcast_in_dim3A_1219 = vector.broadcast %broadcast_in_dim3A_1218 : f32 to vector<16xf32>
    %swap3A_1220 = arith.constant 18 : i32
    %swap3A_1221 = arith.index_cast %swap3A_1220 : i32 to index
    %swap3A_1222 = arith.constant 64 : index
    %swap3A_1223 = tpu.vector_load %arg28[%swap3A_1221, %swap3A_1222] {strides = array<i32>} : memref<32x128xf32, #tpu.memory_space<vmem>>, vector<1x16xf32>,
    %swap3A_1224 = vector.shape_cast %swap3A_1223 : vector<1x16xf32> to vector<16xf32>
    %swap3A_1225 = vector.shape_cast %broadcast_in_dim3A_1219 : vector<16xf32> to vector<1x16xf32>
    tpu.vector_store %arg28[%swap3A_1221, %swap3A_1222], %swap3A_1225 {strides = array<i32>} : memref<32x128xf32, #tpu.memory_space<vmem>>, vector<1x16xf32>,
    %broadcast_in_dim3A_1226 = arith.constant 0.000000e+00 : f32
    %broadcast_in_dim3A_1227 = vector.broadcast %broadcast_in_dim3A_1226 : f32 to vector<16xf32>
    %swap3A_1228 = arith.constant 18 : i32
    %swap3A_1229 = arith.index_cast %swap3A_1228 : i32 to index
    %swap3A_1230 = arith.constant 80 : index
    %swap3A_1231 = tpu.vector_load %arg28[%swap3A_1229, %swap3A_1230] {strides = array<i32>} : memref<32x128xf32, #tpu.memory_space<vmem>>, vector<1x16xf32>,
    %swap3A_1232 = vector.shape_cast %swap3A_1231 : vector<1x16xf32> to vector<16xf32>
    %swap3A_1233 = vector.shape_cast %broadcast_in_dim3A_1227 : vector<16xf32> to vector<1x16xf32>
    tpu.vector_store %arg28[%swap3A_1229, %swap3A_1230], %swap3A_1233 {strides = array<i32>} : memref<32x128xf32, #tpu.memory_space<vmem>>, vector<1x16xf32>,
    %broadcast_in_dim3A_1234 = arith.constant 0.000000e+00 : f32
    %broadcast_in_dim3A_1235 = vector.broadcast %broadcast_in_dim3A_1234 : f32 to vector<16xf32>
    %swap3A_1236 = arith.constant 18 : i32
    %swap3A_1237 = arith.index_cast %swap3A_1236 : i32 to index
    %swap3A_1238 = arith.constant 96 : index
    %swap3A_1239 = tpu.vector_load %arg28[%swap3A_1237, %swap3A_1238] {strides = array<i32>} : memref<32x128xf32, #tpu.memory_space<vmem>>, vector<1x16xf32>,
    %swap3A_1240 = vector.shape_cast %swap3A_1239 : vector<1x16xf32> to vector<16xf32>
    %swap3A_1241 = vector.shape_cast %broadcast_in_dim3A_1235 : vector<16xf32> to vector<1x16xf32>
    tpu.vector_store %arg28[%swap3A_1237, %swap3A_1238], %swap3A_1241 {strides = array<i32>} : memref<32x128xf32, #tpu.memory_space<vmem>>, vector<1x16xf32>,
    %broadcast_in_dim3A_1242 = arith.constant 0.000000e+00 : f32
    %broadcast_in_dim3A_1243 = vector.broadcast %broadcast_in_dim3A_1242 : f32 to vector<16xf32>
    %swap3A_1244 = arith.constant 18 : i32
    %swap3A_1245 = arith.index_cast %swap3A_1244 : i32 to index
    %swap3A_1246 = arith.constant 112 : index
    %swap3A_1247 = tpu.vector_load %arg28[%swap3A_1245, %swap3A_1246] {strides = array<i32>} : memref<32x128xf32, #tpu.memory_space<vmem>>, vector<1x16xf32>,
    %swap3A_1248 = vector.shape_cast %swap3A_1247 : vector<1x16xf32> to vector<16xf32>
    %swap3A_1249 = vector.shape_cast %broadcast_in_dim3A_1243 : vector<16xf32> to vector<1x16xf32>
    tpu.vector_store %arg28[%swap3A_1245, %swap3A_1246], %swap3A_1249 {strides = array<i32>} : memref<32x128xf32, #tpu.memory_space<vmem>>, vector<1x16xf32>,
    %broadcast_in_dim3A_1250 = arith.constant 0.000000e+00 : f32
    %broadcast_in_dim3A_1251 = vector.broadcast %broadcast_in_dim3A_1250 : f32 to vector<16xf32>
    %swap3A_1252 = arith.constant 19 : i32
    %swap3A_1253 = arith.index_cast %swap3A_1252 : i32 to index
    %swap3A_1254 = arith.constant 0 : index
    %swap3A_1255 = tpu.vector_load %arg28[%swap3A_1253, %swap3A_1254] {strides = array<i32>} : memref<32x128xf32, #tpu.memory_space<vmem>>, vector<1x16xf32>,
    %swap3A_1256 = vector.shape_cast %swap3A_1255 : vector<1x16xf32> to vector<16xf32>
    %swap3A_1257 = vector.shape_cast %broadcast_in_dim3A_1251 : vector<16xf32> to vector<1x16xf32>
    tpu.vector_store %arg28[%swap3A_1253, %swap3A_1254], %swap3A_1257 {strides = array<i32>} : memref<32x128xf32, #tpu.memory_space<vmem>>, vector<1x16xf32>,
    %broadcast_in_dim3A_1258 = arith.constant 0.000000e+00 : f32
    %broadcast_in_dim3A_1259 = vector.broadcast %broadcast_in_dim3A_1258 : f32 to vector<16xf32>
    %swap3A_1260 = arith.constant 19 : i32
    %swap3A_1261 = arith.index_cast %swap3A_1260 : i32 to index
    %swap3A_1262 = arith.constant 16 : index
    %swap3A_1263 = tpu.vector_load %arg28[%swap3A_1261, %swap3A_1262] {strides = array<i32>} : memref<32x128xf32, #tpu.memory_space<vmem>>, vector<1x16xf32>,
    %swap3A_1264 = vector.shape_cast %swap3A_1263 : vector<1x16xf32> to vector<16xf32>
    %swap3A_1265 = vector.shape_cast %broadcast_in_dim3A_1259 : vector<16xf32> to vector<1x16xf32>
    tpu.vector_store %arg28[%swap3A_1261, %swap3A_1262], %swap3A_1265 {strides = array<i32>} : memref<32x128xf32, #tpu.memory_space<vmem>>, vector<1x16xf32>,
    %broadcast_in_dim3A_1266 = arith.constant 0.000000e+00 : f32
    %broadcast_in_dim3A_1267 = vector.broadcast %broadcast_in_dim3A_1266 : f32 to vector<16xf32>
    %swap3A_1268 = arith.constant 19 : i32
    %swap3A_1269 = arith.index_cast %swap3A_1268 : i32 to index
    %swap3A_1270 = arith.constant 32 : index
    %swap3A_1271 = tpu.vector_load %arg28[%swap3A_1269, %swap3A_1270] {strides = array<i32>} : memref<32x128xf32, #tpu.memory_space<vmem>>, vector<1x16xf32>,
    %swap3A_1272 = vector.shape_cast %swap3A_1271 : vector<1x16xf32> to vector<16xf32>
    %swap3A_1273 = vector.shape_cast %broadcast_in_dim3A_1267 : vector<16xf32> to vector<1x16xf32>
    tpu.vector_store %arg28[%swap3A_1269, %swap3A_1270], %swap3A_1273 {strides = array<i32>} : memref<32x128xf32, #tpu.memory_space<vmem>>, vector<1x16xf32>,
    %broadcast_in_dim3A_1274 = arith.constant 0.000000e+00 : f32
    %broadcast_in_dim3A_1275 = vector.broadcast %broadcast_in_dim3A_1274 : f32 to vector<16xf32>
    %swap3A_1276 = arith.constant 19 : i32
    %swap3A_1277 = arith.index_cast %swap3A_1276 : i32 to index
    %swap3A_1278 = arith.constant 48 : index
    %swap3A_1279 = tpu.vector_load %arg28[%swap3A_1277, %swap3A_1278] {strides = array<i32>} : memref<32x128xf32, #tpu.memory_space<vmem>>, vector<1x16xf32>,
    %swap3A_1280 = vector.shape_cast %swap3A_1279 : vector<1x16xf32> to vector<16xf32>
    %swap3A_1281 = vector.shape_cast %broadcast_in_dim3A_1275 : vector<16xf32> to vector<1x16xf32>
    tpu.vector_store %arg28[%swap3A_1277, %swap3A_1278], %swap3A_1281 {strides = array<i32>} : memref<32x128xf32, #tpu.memory_space<vmem>>, vector<1x16xf32>,
    %broadcast_in_dim3A_1282 = arith.constant 0.000000e+00 : f32
    %broadcast_in_dim3A_1283 = vector.broadcast %broadcast_in_dim3A_1282 : f32 to vector<16xf32>
    %swap3A_1284 = arith.constant 19 : i32
    %swap3A_1285 = arith.index_cast %swap3A_1284 : i32 to index
    %swap3A_1286 = arith.constant 64 : index
    %swap3A_1287 = tpu.vector_load %arg28[%swap3A_1285, %swap3A_1286] {strides = array<i32>} : memref<32x128xf32, #tpu.memory_space<vmem>>, vector<1x16xf32>,
    %swap3A_1288 = vector.shape_cast %swap3A_1287 : vector<1x16xf32> to vector<16xf32>
    %swap3A_1289 = vector.shape_cast %broadcast_in_dim3A_1283 : vector<16xf32> to vector<1x16xf32>
    tpu.vector_store %arg28[%swap3A_1285, %swap3A_1286], %swap3A_1289 {strides = array<i32>} : memref<32x128xf32, #tpu.memory_space<vmem>>, vector<1x16xf32>,
    %broadcast_in_dim3A_1290 = arith.constant 0.000000e+00 : f32
    %broadcast_in_dim3A_1291 = vector.broadcast %broadcast_in_dim3A_1290 : f32 to vector<16xf32>
    %swap3A_1292 = arith.constant 19 : i32
    %swap3A_1293 = arith.index_cast %swap3A_1292 : i32 to index
    %swap3A_1294 = arith.constant 80 : index
    %swap3A_1295 = tpu.vector_load %arg28[%swap3A_1293, %swap3A_1294] {strides = array<i32>} : memref<32x128xf32, #tpu.memory_space<vmem>>, vector<1x16xf32>,
    %swap3A_1296 = vector.shape_cast %swap3A_1295 : vector<1x16xf32> to vector<16xf32>
    %swap3A_1297 = vector.shape_cast %broadcast_in_dim3A_1291 : vector<16xf32> to vector<1x16xf32>
    tpu.vector_store %arg28[%swap3A_1293, %swap3A_1294], %swap3A_1297 {strides = array<i32>} : memref<32x128xf32, #tpu.memory_space<vmem>>, vector<1x16xf32>,
    %broadcast_in_dim3A_1298 = arith.constant 0.000000e+00 : f32
    %broadcast_in_dim3A_1299 = vector.broadcast %broadcast_in_dim3A_1298 : f32 to vector<16xf32>
    %swap3A_1300 = arith.constant 19 : i32
    %swap3A_1301 = arith.index_cast %swap3A_1300 : i32 to index
    %swap3A_1302 = arith.constant 96 : index
    %swap3A_1303 = tpu.vector_load %arg28[%swap3A_1301, %swap3A_1302] {strides = array<i32>} : memref<32x128xf32, #tpu.memory_space<vmem>>, vector<1x16xf32>,
    %swap3A_1304 = vector.shape_cast %swap3A_1303 : vector<1x16xf32> to vector<16xf32>
    %swap3A_1305 = vector.shape_cast %broadcast_in_dim3A_1299 : vector<16xf32> to vector<1x16xf32>
    tpu.vector_store %arg28[%swap3A_1301, %swap3A_1302], %swap3A_1305 {strides = array<i32>} : memref<32x128xf32, #tpu.memory_space<vmem>>, vector<1x16xf32>,
    %broadcast_in_dim3A_1306 = arith.constant 0.000000e+00 : f32
    %broadcast_in_dim3A_1307 = vector.broadcast %broadcast_in_dim3A_1306 : f32 to vector<16xf32>
    %swap3A_1308 = arith.constant 19 : i32
    %swap3A_1309 = arith.index_cast %swap3A_1308 : i32 to index
    %swap3A_1310 = arith.constant 112 : index
    %swap3A_1311 = tpu.vector_load %arg28[%swap3A_1309, %swap3A_1310] {strides = array<i32>} : memref<32x128xf32, #tpu.memory_space<vmem>>, vector<1x16xf32>,
    %swap3A_1312 = vector.shape_cast %swap3A_1311 : vector<1x16xf32> to vector<16xf32>
    %swap3A_1313 = vector.shape_cast %broadcast_in_dim3A_1307 : vector<16xf32> to vector<1x16xf32>
    tpu.vector_store %arg28[%swap3A_1309, %swap3A_1310], %swap3A_1313 {strides = array<i32>} : memref<32x128xf32, #tpu.memory_space<vmem>>, vector<1x16xf32>,
    %broadcast_in_dim3A_1314 = arith.constant 0.000000e+00 : f32
    %broadcast_in_dim3A_1315 = vector.broadcast %broadcast_in_dim3A_1314 : f32 to vector<16xf32>
    %swap3A_1316 = arith.constant 20 : i32
    %swap3A_1317 = arith.index_cast %swap3A_1316 : i32 to index
    %swap3A_1318 = arith.constant 0 : index
    %swap3A_1319 = tpu.vector_load %arg28[%swap3A_1317, %swap3A_1318] {strides = array<i32>} : memref<32x128xf32, #tpu.memory_space<vmem>>, vector<1x16xf32>,
    %swap3A_1320 = vector.shape_cast %swap3A_1319 : vector<1x16xf32> to vector<16xf32>
    %swap3A_1321 = vector.shape_cast %broadcast_in_dim3A_1315 : vector<16xf32> to vector<1x16xf32>
    tpu.vector_store %arg28[%swap3A_1317, %swap3A_1318], %swap3A_1321 {strides = array<i32>} : memref<32x128xf32, #tpu.memory_space<vmem>>, vector<1x16xf32>,
    %broadcast_in_dim3A_1322 = arith.constant 0.000000e+00 : f32
    %broadcast_in_dim3A_1323 = vector.broadcast %broadcast_in_dim3A_1322 : f32 to vector<16xf32>
    %swap3A_1324 = arith.constant 20 : i32
    %swap3A_1325 = arith.index_cast %swap3A_1324 : i32 to index
    %swap3A_1326 = arith.constant 16 : index
    %swap3A_1327 = tpu.vector_load %arg28[%swap3A_1325, %swap3A_1326] {strides = array<i32>} : memref<32x128xf32, #tpu.memory_space<vmem>>, vector<1x16xf32>,
    %swap3A_1328 = vector.shape_cast %swap3A_1327 : vector<1x16xf32> to vector<16xf32>
    %swap3A_1329 = vector.shape_cast %broadcast_in_dim3A_1323 : vector<16xf32> to vector<1x16xf32>
    tpu.vector_store %arg28[%swap3A_1325, %swap3A_1326], %swap3A_1329 {strides = array<i32>} : memref<32x128xf32, #tpu.memory_space<vmem>>, vector<1x16xf32>,
    %broadcast_in_dim3A_1330 = arith.constant 0.000000e+00 : f32
    %broadcast_in_dim3A_1331 = vector.broadcast %broadcast_in_dim3A_1330 : f32 to vector<16xf32>
    %swap3A_1332 = arith.constant 20 : i32
    %swap3A_1333 = arith.index_cast %swap3A_1332 : i32 to index
    %swap3A_1334 = arith.constant 32 : index
    %swap3A_1335 = tpu.vector_load %arg28[%swap3A_1333, %swap3A_1334] {strides = array<i32>} : memref<32x128xf32, #tpu.memory_space<vmem>>, vector<1x16xf32>,
    %swap3A_1336 = vector.shape_cast %swap3A_1335 : vector<1x16xf32> to vector<16xf32>
    %swap3A_1337 = vector.shape_cast %broadcast_in_dim3A_1331 : vector<16xf32> to vector<1x16xf32>
    tpu.vector_store %arg28[%swap3A_1333, %swap3A_1334], %swap3A_1337 {strides = array<i32>} : memref<32x128xf32, #tpu.memory_space<vmem>>, vector<1x16xf32>,
    %broadcast_in_dim3A_1338 = arith.constant 0.000000e+00 : f32
    %broadcast_in_dim3A_1339 = vector.broadcast %broadcast_in_dim3A_1338 : f32 to vector<16xf32>
    %swap3A_1340 = arith.constant 20 : i32
    %swap3A_1341 = arith.index_cast %swap3A_1340 : i32 to index
    %swap3A_1342 = arith.constant 48 : index
    %swap3A_1343 = tpu.vector_load %arg28[%swap3A_1341, %swap3A_1342] {strides = array<i32>} : memref<32x128xf32, #tpu.memory_space<vmem>>, vector<1x16xf32>,
    %swap3A_1344 = vector.shape_cast %swap3A_1343 : vector<1x16xf32> to vector<16xf32>
    %swap3A_1345 = vector.shape_cast %broadcast_in_dim3A_1339 : vector<16xf32> to vector<1x16xf32>
    tpu.vector_store %arg28[%swap3A_1341, %swap3A_1342], %swap3A_1345 {strides = array<i32>} : memref<32x128xf32, #tpu.memory_space<vmem>>, vector<1x16xf32>,
    %broadcast_in_dim3A_1346 = arith.constant 0.000000e+00 : f32
    %broadcast_in_dim3A_1347 = vector.broadcast %broadcast_in_dim3A_1346 : f32 to vector<16xf32>
    %swap3A_1348 = arith.constant 20 : i32
    %swap3A_1349 = arith.index_cast %swap3A_1348 : i32 to index
    %swap3A_1350 = arith.constant 64 : index
    %swap3A_1351 = tpu.vector_load %arg28[%swap3A_1349, %swap3A_1350] {strides = array<i32>} : memref<32x128xf32, #tpu.memory_space<vmem>>, vector<1x16xf32>,
    %swap3A_1352 = vector.shape_cast %swap3A_1351 : vector<1x16xf32> to vector<16xf32>
    %swap3A_1353 = vector.shape_cast %broadcast_in_dim3A_1347 : vector<16xf32> to vector<1x16xf32>
    tpu.vector_store %arg28[%swap3A_1349, %swap3A_1350], %swap3A_1353 {strides = array<i32>} : memref<32x128xf32, #tpu.memory_space<vmem>>, vector<1x16xf32>,
    %broadcast_in_dim3A_1354 = arith.constant 0.000000e+00 : f32
    %broadcast_in_dim3A_1355 = vector.broadcast %broadcast_in_dim3A_1354 : f32 to vector<16xf32>
    %swap3A_1356 = arith.constant 20 : i32
    %swap3A_1357 = arith.index_cast %swap3A_1356 : i32 to index
    %swap3A_1358 = arith.constant 80 : index
    %swap3A_1359 = tpu.vector_load %arg28[%swap3A_1357, %swap3A_1358] {strides = array<i32>} : memref<32x128xf32, #tpu.memory_space<vmem>>, vector<1x16xf32>,
    %swap3A_1360 = vector.shape_cast %swap3A_1359 : vector<1x16xf32> to vector<16xf32>
    %swap3A_1361 = vector.shape_cast %broadcast_in_dim3A_1355 : vector<16xf32> to vector<1x16xf32>
    tpu.vector_store %arg28[%swap3A_1357, %swap3A_1358], %swap3A_1361 {strides = array<i32>} : memref<32x128xf32, #tpu.memory_space<vmem>>, vector<1x16xf32>,
    %broadcast_in_dim3A_1362 = arith.constant 0.000000e+00 : f32
    %broadcast_in_dim3A_1363 = vector.broadcast %broadcast_in_dim3A_1362 : f32 to vector<16xf32>
    %swap3A_1364 = arith.constant 20 : i32
    %swap3A_1365 = arith.index_cast %swap3A_1364 : i32 to index
    %swap3A_1366 = arith.constant 96 : index
    %swap3A_1367 = tpu.vector_load %arg28[%swap3A_1365, %swap3A_1366] {strides = array<i32>} : memref<32x128xf32, #tpu.memory_space<vmem>>, vector<1x16xf32>,
    %swap3A_1368 = vector.shape_cast %swap3A_1367 : vector<1x16xf32> to vector<16xf32>
    %swap3A_1369 = vector.shape_cast %broadcast_in_dim3A_1363 : vector<16xf32> to vector<1x16xf32>
    tpu.vector_store %arg28[%swap3A_1365, %swap3A_1366], %swap3A_1369 {strides = array<i32>} : memref<32x128xf32, #tpu.memory_space<vmem>>, vector<1x16xf32>,
    %broadcast_in_dim3A_1370 = arith.constant 0.000000e+00 : f32
    %broadcast_in_dim3A_1371 = vector.broadcast %broadcast_in_dim3A_1370 : f32 to vector<16xf32>
    %swap3A_1372 = arith.constant 20 : i32
    %swap3A_1373 = arith.index_cast %swap3A_1372 : i32 to index
    %swap3A_1374 = arith.constant 112 : index
    %swap3A_1375 = tpu.vector_load %arg28[%swap3A_1373, %swap3A_1374] {strides = array<i32>} : memref<32x128xf32, #tpu.memory_space<vmem>>, vector<1x16xf32>,
    %swap3A_1376 = vector.shape_cast %swap3A_1375 : vector<1x16xf32> to vector<16xf32>
    %swap3A_1377 = vector.shape_cast %broadcast_in_dim3A_1371 : vector<16xf32> to vector<1x16xf32>
    tpu.vector_store %arg28[%swap3A_1373, %swap3A_1374], %swap3A_1377 {strides = array<i32>} : memref<32x128xf32, #tpu.memory_space<vmem>>, vector<1x16xf32>,
    %broadcast_in_dim3A_1378 = arith.constant 0.000000e+00 : f32
    %broadcast_in_dim3A_1379 = vector.broadcast %broadcast_in_dim3A_1378 : f32 to vector<16xf32>
    %swap3A_1380 = arith.constant 21 : i32
    %swap3A_1381 = arith.index_cast %swap3A_1380 : i32 to index
    %swap3A_1382 = arith.constant 0 : index
    %swap3A_1383 = tpu.vector_load %arg28[%swap3A_1381, %swap3A_1382] {strides = array<i32>} : memref<32x128xf32, #tpu.memory_space<vmem>>, vector<1x16xf32>,
    %swap3A_1384 = vector.shape_cast %swap3A_1383 : vector<1x16xf32> to vector<16xf32>
    %swap3A_1385 = vector.shape_cast %broadcast_in_dim3A_1379 : vector<16xf32> to vector<1x16xf32>
    tpu.vector_store %arg28[%swap3A_1381, %swap3A_1382], %swap3A_1385 {strides = array<i32>} : memref<32x128xf32, #tpu.memory_space<vmem>>, vector<1x16xf32>,
    %broadcast_in_dim3A_1386 = arith.constant 0.000000e+00 : f32
    %broadcast_in_dim3A_1387 = vector.broadcast %broadcast_in_dim3A_1386 : f32 to vector<16xf32>
    %swap3A_1388 = arith.constant 21 : i32
    %swap3A_1389 = arith.index_cast %swap3A_1388 : i32 to index
    %swap3A_1390 = arith.constant 16 : index
    %swap3A_1391 = tpu.vector_load %arg28[%swap3A_1389, %swap3A_1390] {strides = array<i32>} : memref<32x128xf32, #tpu.memory_space<vmem>>, vector<1x16xf32>,
    %swap3A_1392 = vector.shape_cast %swap3A_1391 : vector<1x16xf32> to vector<16xf32>
    %swap3A_1393 = vector.shape_cast %broadcast_in_dim3A_1387 : vector<16xf32> to vector<1x16xf32>
    tpu.vector_store %arg28[%swap3A_1389, %swap3A_1390], %swap3A_1393 {strides = array<i32>} : memref<32x128xf32, #tpu.memory_space<vmem>>, vector<1x16xf32>,
    %broadcast_in_dim3A_1394 = arith.constant 0.000000e+00 : f32
    %broadcast_in_dim3A_1395 = vector.broadcast %broadcast_in_dim3A_1394 : f32 to vector<16xf32>
    %swap3A_1396 = arith.constant 21 : i32
    %swap3A_1397 = arith.index_cast %swap3A_1396 : i32 to index
    %swap3A_1398 = arith.constant 32 : index
    %swap3A_1399 = tpu.vector_load %arg28[%swap3A_1397, %swap3A_1398] {strides = array<i32>} : memref<32x128xf32, #tpu.memory_space<vmem>>, vector<1x16xf32>,
    %swap3A_1400 = vector.shape_cast %swap3A_1399 : vector<1x16xf32> to vector<16xf32>
    %swap3A_1401 = vector.shape_cast %broadcast_in_dim3A_1395 : vector<16xf32> to vector<1x16xf32>
    tpu.vector_store %arg28[%swap3A_1397, %swap3A_1398], %swap3A_1401 {strides = array<i32>} : memref<32x128xf32, #tpu.memory_space<vmem>>, vector<1x16xf32>,
    %broadcast_in_dim3A_1402 = arith.constant 0.000000e+00 : f32
    %broadcast_in_dim3A_1403 = vector.broadcast %broadcast_in_dim3A_1402 : f32 to vector<16xf32>
    %swap3A_1404 = arith.constant 21 : i32
    %swap3A_1405 = arith.index_cast %swap3A_1404 : i32 to index
    %swap3A_1406 = arith.constant 48 : index
    %swap3A_1407 = tpu.vector_load %arg28[%swap3A_1405, %swap3A_1406] {strides = array<i32>} : memref<32x128xf32, #tpu.memory_space<vmem>>, vector<1x16xf32>,
    %swap3A_1408 = vector.shape_cast %swap3A_1407 : vector<1x16xf32> to vector<16xf32>
    %swap3A_1409 = vector.shape_cast %broadcast_in_dim3A_1403 : vector<16xf32> to vector<1x16xf32>
    tpu.vector_store %arg28[%swap3A_1405, %swap3A_1406], %swap3A_1409 {strides = array<i32>} : memref<32x128xf32, #tpu.memory_space<vmem>>, vector<1x16xf32>,
    %broadcast_in_dim3A_1410 = arith.constant 0.000000e+00 : f32
    %broadcast_in_dim3A_1411 = vector.broadcast %broadcast_in_dim3A_1410 : f32 to vector<16xf32>
    %swap3A_1412 = arith.constant 21 : i32
    %swap3A_1413 = arith.index_cast %swap3A_1412 : i32 to index
    %swap3A_1414 = arith.constant 64 : index
    %swap3A_1415 = tpu.vector_load %arg28[%swap3A_1413, %swap3A_1414] {strides = array<i32>} : memref<32x128xf32, #tpu.memory_space<vmem>>, vector<1x16xf32>,
    %swap3A_1416 = vector.shape_cast %swap3A_1415 : vector<1x16xf32> to vector<16xf32>
    %swap3A_1417 = vector.shape_cast %broadcast_in_dim3A_1411 : vector<16xf32> to vector<1x16xf32>
    tpu.vector_store %arg28[%swap3A_1413, %swap3A_1414], %swap3A_1417 {strides = array<i32>} : memref<32x128xf32, #tpu.memory_space<vmem>>, vector<1x16xf32>,
    %broadcast_in_dim3A_1418 = arith.constant 0.000000e+00 : f32
    %broadcast_in_dim3A_1419 = vector.broadcast %broadcast_in_dim3A_1418 : f32 to vector<16xf32>
    %swap3A_1420 = arith.constant 21 : i32
    %swap3A_1421 = arith.index_cast %swap3A_1420 : i32 to index
    %swap3A_1422 = arith.constant 80 : index
    %swap3A_1423 = tpu.vector_load %arg28[%swap3A_1421, %swap3A_1422] {strides = array<i32>} : memref<32x128xf32, #tpu.memory_space<vmem>>, vector<1x16xf32>,
    %swap3A_1424 = vector.shape_cast %swap3A_1423 : vector<1x16xf32> to vector<16xf32>
    %swap3A_1425 = vector.shape_cast %broadcast_in_dim3A_1419 : vector<16xf32> to vector<1x16xf32>
    tpu.vector_store %arg28[%swap3A_1421, %swap3A_1422], %swap3A_1425 {strides = array<i32>} : memref<32x128xf32, #tpu.memory_space<vmem>>, vector<1x16xf32>,
    %broadcast_in_dim3A_1426 = arith.constant 0.000000e+00 : f32
    %broadcast_in_dim3A_1427 = vector.broadcast %broadcast_in_dim3A_1426 : f32 to vector<16xf32>
    %swap3A_1428 = arith.constant 21 : i32
    %swap3A_1429 = arith.index_cast %swap3A_1428 : i32 to index
    %swap3A_1430 = arith.constant 96 : index
    %swap3A_1431 = tpu.vector_load %arg28[%swap3A_1429, %swap3A_1430] {strides = array<i32>} : memref<32x128xf32, #tpu.memory_space<vmem>>, vector<1x16xf32>,
    %swap3A_1432 = vector.shape_cast %swap3A_1431 : vector<1x16xf32> to vector<16xf32>
    %swap3A_1433 = vector.shape_cast %broadcast_in_dim3A_1427 : vector<16xf32> to vector<1x16xf32>
    tpu.vector_store %arg28[%swap3A_1429, %swap3A_1430], %swap3A_1433 {strides = array<i32>} : memref<32x128xf32, #tpu.memory_space<vmem>>, vector<1x16xf32>,
    %broadcast_in_dim3A_1434 = arith.constant 0.000000e+00 : f32
    %broadcast_in_dim3A_1435 = vector.broadcast %broadcast_in_dim3A_1434 : f32 to vector<16xf32>
    %swap3A_1436 = arith.constant 21 : i32
    %swap3A_1437 = arith.index_cast %swap3A_1436 : i32 to index
    %swap3A_1438 = arith.constant 112 : index
    %swap3A_1439 = tpu.vector_load %arg28[%swap3A_1437, %swap3A_1438] {strides = array<i32>} : memref<32x128xf32, #tpu.memory_space<vmem>>, vector<1x16xf32>,
    %swap3A_1440 = vector.shape_cast %swap3A_1439 : vector<1x16xf32> to vector<16xf32>
    %swap3A_1441 = vector.shape_cast %broadcast_in_dim3A_1435 : vector<16xf32> to vector<1x16xf32>
    tpu.vector_store %arg28[%swap3A_1437, %swap3A_1438], %swap3A_1441 {strides = array<i32>} : memref<32x128xf32, #tpu.memory_space<vmem>>, vector<1x16xf32>,
    %broadcast_in_dim3A_1442 = arith.constant 0.000000e+00 : f32
    %broadcast_in_dim3A_1443 = vector.broadcast %broadcast_in_dim3A_1442 : f32 to vector<16xf32>
    %swap3A_1444 = arith.constant 22 : i32
    %swap3A_1445 = arith.index_cast %swap3A_1444 : i32 to index
    %swap3A_1446 = arith.constant 0 : index
    %swap3A_1447 = tpu.vector_load %arg28[%swap3A_1445, %swap3A_1446] {strides = array<i32>} : memref<32x128xf32, #tpu.memory_space<vmem>>, vector<1x16xf32>,
    %swap3A_1448 = vector.shape_cast %swap3A_1447 : vector<1x16xf32> to vector<16xf32>
    %swap3A_1449 = vector.shape_cast %broadcast_in_dim3A_1443 : vector<16xf32> to vector<1x16xf32>
    tpu.vector_store %arg28[%swap3A_1445, %swap3A_1446], %swap3A_1449 {strides = array<i32>} : memref<32x128xf32, #tpu.memory_space<vmem>>, vector<1x16xf32>,
    %broadcast_in_dim3A_1450 = arith.constant 0.000000e+00 : f32
    %broadcast_in_dim3A_1451 = vector.broadcast %broadcast_in_dim3A_1450 : f32 to vector<16xf32>
    %swap3A_1452 = arith.constant 22 : i32
    %swap3A_1453 = arith.index_cast %swap3A_1452 : i32 to index
    %swap3A_1454 = arith.constant 16 : index
    %swap3A_1455 = tpu.vector_load %arg28[%swap3A_1453, %swap3A_1454] {strides = array<i32>} : memref<32x128xf32, #tpu.memory_space<vmem>>, vector<1x16xf32>,
    %swap3A_1456 = vector.shape_cast %swap3A_1455 : vector<1x16xf32> to vector<16xf32>
    %swap3A_1457 = vector.shape_cast %broadcast_in_dim3A_1451 : vector<16xf32> to vector<1x16xf32>
    tpu.vector_store %arg28[%swap3A_1453, %swap3A_1454], %swap3A_1457 {strides = array<i32>} : memref<32x128xf32, #tpu.memory_space<vmem>>, vector<1x16xf32>,
    %broadcast_in_dim3A_1458 = arith.constant 0.000000e+00 : f32
    %broadcast_in_dim3A_1459 = vector.broadcast %broadcast_in_dim3A_1458 : f32 to vector<16xf32>
    %swap3A_1460 = arith.constant 22 : i32
    %swap3A_1461 = arith.index_cast %swap3A_1460 : i32 to index
    %swap3A_1462 = arith.constant 32 : index
    %swap3A_1463 = tpu.vector_load %arg28[%swap3A_1461, %swap3A_1462] {strides = array<i32>} : memref<32x128xf32, #tpu.memory_space<vmem>>, vector<1x16xf32>,
    %swap3A_1464 = vector.shape_cast %swap3A_1463 : vector<1x16xf32> to vector<16xf32>
    %swap3A_1465 = vector.shape_cast %broadcast_in_dim3A_1459 : vector<16xf32> to vector<1x16xf32>
    tpu.vector_store %arg28[%swap3A_1461, %swap3A_1462], %swap3A_1465 {strides = array<i32>} : memref<32x128xf32, #tpu.memory_space<vmem>>, vector<1x16xf32>,
    %broadcast_in_dim3A_1466 = arith.constant 0.000000e+00 : f32
    %broadcast_in_dim3A_1467 = vector.broadcast %broadcast_in_dim3A_1466 : f32 to vector<16xf32>
    %swap3A_1468 = arith.constant 22 : i32
    %swap3A_1469 = arith.index_cast %swap3A_1468 : i32 to index
    %swap3A_1470 = arith.constant 48 : index
    %swap3A_1471 = tpu.vector_load %arg28[%swap3A_1469, %swap3A_1470] {strides = array<i32>} : memref<32x128xf32, #tpu.memory_space<vmem>>, vector<1x16xf32>,
    %swap3A_1472 = vector.shape_cast %swap3A_1471 : vector<1x16xf32> to vector<16xf32>
    %swap3A_1473 = vector.shape_cast %broadcast_in_dim3A_1467 : vector<16xf32> to vector<1x16xf32>
    tpu.vector_store %arg28[%swap3A_1469, %swap3A_1470], %swap3A_1473 {strides = array<i32>} : memref<32x128xf32, #tpu.memory_space<vmem>>, vector<1x16xf32>,
    %broadcast_in_dim3A_1474 = arith.constant 0.000000e+00 : f32
    %broadcast_in_dim3A_1475 = vector.broadcast %broadcast_in_dim3A_1474 : f32 to vector<16xf32>
    %swap3A_1476 = arith.constant 22 : i32
    %swap3A_1477 = arith.index_cast %swap3A_1476 : i32 to index
    %swap3A_1478 = arith.constant 64 : index
    %swap3A_1479 = tpu.vector_load %arg28[%swap3A_1477, %swap3A_1478] {strides = array<i32>} : memref<32x128xf32, #tpu.memory_space<vmem>>, vector<1x16xf32>,
    %swap3A_1480 = vector.shape_cast %swap3A_1479 : vector<1x16xf32> to vector<16xf32>
    %swap3A_1481 = vector.shape_cast %broadcast_in_dim3A_1475 : vector<16xf32> to vector<1x16xf32>
    tpu.vector_store %arg28[%swap3A_1477, %swap3A_1478], %swap3A_1481 {strides = array<i32>} : memref<32x128xf32, #tpu.memory_space<vmem>>, vector<1x16xf32>,
    %broadcast_in_dim3A_1482 = arith.constant 0.000000e+00 : f32
    %broadcast_in_dim3A_1483 = vector.broadcast %broadcast_in_dim3A_1482 : f32 to vector<16xf32>
    %swap3A_1484 = arith.constant 22 : i32
    %swap3A_1485 = arith.index_cast %swap3A_1484 : i32 to index
    %swap3A_1486 = arith.constant 80 : index
    %swap3A_1487 = tpu.vector_load %arg28[%swap3A_1485, %swap3A_1486] {strides = array<i32>} : memref<32x128xf32, #tpu.memory_space<vmem>>, vector<1x16xf32>,
    %swap3A_1488 = vector.shape_cast %swap3A_1487 : vector<1x16xf32> to vector<16xf32>
    %swap3A_1489 = vector.shape_cast %broadcast_in_dim3A_1483 : vector<16xf32> to vector<1x16xf32>
    tpu.vector_store %arg28[%swap3A_1485, %swap3A_1486], %swap3A_1489 {strides = array<i32>} : memref<32x128xf32, #tpu.memory_space<vmem>>, vector<1x16xf32>,
    %broadcast_in_dim3A_1490 = arith.constant 0.000000e+00 : f32
    %broadcast_in_dim3A_1491 = vector.broadcast %broadcast_in_dim3A_1490 : f32 to vector<16xf32>
    %swap3A_1492 = arith.constant 22 : i32
    %swap3A_1493 = arith.index_cast %swap3A_1492 : i32 to index
    %swap3A_1494 = arith.constant 96 : index
    %swap3A_1495 = tpu.vector_load %arg28[%swap3A_1493, %swap3A_1494] {strides = array<i32>} : memref<32x128xf32, #tpu.memory_space<vmem>>, vector<1x16xf32>,
    %swap3A_1496 = vector.shape_cast %swap3A_1495 : vector<1x16xf32> to vector<16xf32>
    %swap3A_1497 = vector.shape_cast %broadcast_in_dim3A_1491 : vector<16xf32> to vector<1x16xf32>
    tpu.vector_store %arg28[%swap3A_1493, %swap3A_1494], %swap3A_1497 {strides = array<i32>} : memref<32x128xf32, #tpu.memory_space<vmem>>, vector<1x16xf32>,
    %broadcast_in_dim3A_1498 = arith.constant 0.000000e+00 : f32
    %broadcast_in_dim3A_1499 = vector.broadcast %broadcast_in_dim3A_1498 : f32 to vector<16xf32>
    %swap3A_1500 = arith.constant 22 : i32
    %swap3A_1501 = arith.index_cast %swap3A_1500 : i32 to index
    %swap3A_1502 = arith.constant 112 : index
    %swap3A_1503 = tpu.vector_load %arg28[%swap3A_1501, %swap3A_1502] {strides = array<i32>} : memref<32x128xf32, #tpu.memory_space<vmem>>, vector<1x16xf32>,
    %swap3A_1504 = vector.shape_cast %swap3A_1503 : vector<1x16xf32> to vector<16xf32>
    %swap3A_1505 = vector.shape_cast %broadcast_in_dim3A_1499 : vector<16xf32> to vector<1x16xf32>
    tpu.vector_store %arg28[%swap3A_1501, %swap3A_1502], %swap3A_1505 {strides = array<i32>} : memref<32x128xf32, #tpu.memory_space<vmem>>, vector<1x16xf32>,
    %broadcast_in_dim3A_1506 = arith.constant 0.000000e+00 : f32
    %broadcast_in_dim3A_1507 = vector.broadcast %broadcast_in_dim3A_1506 : f32 to vector<16xf32>
    %swap3A_1508 = arith.constant 23 : i32
    %swap3A_1509 = arith.index_cast %swap3A_1508 : i32 to index
    %swap3A_1510 = arith.constant 0 : index
    %swap3A_1511 = tpu.vector_load %arg28[%swap3A_1509, %swap3A_1510] {strides = array<i32>} : memref<32x128xf32, #tpu.memory_space<vmem>>, vector<1x16xf32>,
    %swap3A_1512 = vector.shape_cast %swap3A_1511 : vector<1x16xf32> to vector<16xf32>
    %swap3A_1513 = vector.shape_cast %broadcast_in_dim3A_1507 : vector<16xf32> to vector<1x16xf32>
    tpu.vector_store %arg28[%swap3A_1509, %swap3A_1510], %swap3A_1513 {strides = array<i32>} : memref<32x128xf32, #tpu.memory_space<vmem>>, vector<1x16xf32>,
    %broadcast_in_dim3A_1514 = arith.constant 0.000000e+00 : f32
    %broadcast_in_dim3A_1515 = vector.broadcast %broadcast_in_dim3A_1514 : f32 to vector<16xf32>
    %swap3A_1516 = arith.constant 23 : i32
    %swap3A_1517 = arith.index_cast %swap3A_1516 : i32 to index
    %swap3A_1518 = arith.constant 16 : index
    %swap3A_1519 = tpu.vector_load %arg28[%swap3A_1517, %swap3A_1518] {strides = array<i32>} : memref<32x128xf32, #tpu.memory_space<vmem>>, vector<1x16xf32>,
    %swap3A_1520 = vector.shape_cast %swap3A_1519 : vector<1x16xf32> to vector<16xf32>
    %swap3A_1521 = vector.shape_cast %broadcast_in_dim3A_1515 : vector<16xf32> to vector<1x16xf32>
    tpu.vector_store %arg28[%swap3A_1517, %swap3A_1518], %swap3A_1521 {strides = array<i32>} : memref<32x128xf32, #tpu.memory_space<vmem>>, vector<1x16xf32>,
    %broadcast_in_dim3A_1522 = arith.constant 0.000000e+00 : f32
    %broadcast_in_dim3A_1523 = vector.broadcast %broadcast_in_dim3A_1522 : f32 to vector<16xf32>
    %swap3A_1524 = arith.constant 23 : i32
    %swap3A_1525 = arith.index_cast %swap3A_1524 : i32 to index
    %swap3A_1526 = arith.constant 32 : index
    %swap3A_1527 = tpu.vector_load %arg28[%swap3A_1525, %swap3A_1526] {strides = array<i32>} : memref<32x128xf32, #tpu.memory_space<vmem>>, vector<1x16xf32>,
    %swap3A_1528 = vector.shape_cast %swap3A_1527 : vector<1x16xf32> to vector<16xf32>
    %swap3A_1529 = vector.shape_cast %broadcast_in_dim3A_1523 : vector<16xf32> to vector<1x16xf32>
    tpu.vector_store %arg28[%swap3A_1525, %swap3A_1526], %swap3A_1529 {strides = array<i32>} : memref<32x128xf32, #tpu.memory_space<vmem>>, vector<1x16xf32>,
    %broadcast_in_dim3A_1530 = arith.constant 0.000000e+00 : f32
    %broadcast_in_dim3A_1531 = vector.broadcast %broadcast_in_dim3A_1530 : f32 to vector<16xf32>
    %swap3A_1532 = arith.constant 23 : i32
    %swap3A_1533 = arith.index_cast %swap3A_1532 : i32 to index
    %swap3A_1534 = arith.constant 48 : index
    %swap3A_1535 = tpu.vector_load %arg28[%swap3A_1533, %swap3A_1534] {strides = array<i32>} : memref<32x128xf32, #tpu.memory_space<vmem>>, vector<1x16xf32>,
    %swap3A_1536 = vector.shape_cast %swap3A_1535 : vector<1x16xf32> to vector<16xf32>
    %swap3A_1537 = vector.shape_cast %broadcast_in_dim3A_1531 : vector<16xf32> to vector<1x16xf32>
    tpu.vector_store %arg28[%swap3A_1533, %swap3A_1534], %swap3A_1537 {strides = array<i32>} : memref<32x128xf32, #tpu.memory_space<vmem>>, vector<1x16xf32>,
    %broadcast_in_dim3A_1538 = arith.constant 0.000000e+00 : f32
    %broadcast_in_dim3A_1539 = vector.broadcast %broadcast_in_dim3A_1538 : f32 to vector<16xf32>
    %swap3A_1540 = arith.constant 23 : i32
    %swap3A_1541 = arith.index_cast %swap3A_1540 : i32 to index
    %swap3A_1542 = arith.constant 64 : index
    %swap3A_1543 = tpu.vector_load %arg28[%swap3A_1541, %swap3A_1542] {strides = array<i32>} : memref<32x128xf32, #tpu.memory_space<vmem>>, vector<1x16xf32>,
    %swap3A_1544 = vector.shape_cast %swap3A_1543 : vector<1x16xf32> to vector<16xf32>
    %swap3A_1545 = vector.shape_cast %broadcast_in_dim3A_1539 : vector<16xf32> to vector<1x16xf32>
    tpu.vector_store %arg28[%swap3A_1541, %swap3A_1542], %swap3A_1545 {strides = array<i32>} : memref<32x128xf32, #tpu.memory_space<vmem>>, vector<1x16xf32>,
    %broadcast_in_dim3A_1546 = arith.constant 0.000000e+00 : f32
    %broadcast_in_dim3A_1547 = vector.broadcast %broadcast_in_dim3A_1546 : f32 to vector<16xf32>
    %swap3A_1548 = arith.constant 23 : i32
    %swap3A_1549 = arith.index_cast %swap3A_1548 : i32 to index
    %swap3A_1550 = arith.constant 80 : index
    %swap3A_1551 = tpu.vector_load %arg28[%swap3A_1549, %swap3A_1550] {strides = array<i32>} : memref<32x128xf32, #tpu.memory_space<vmem>>, vector<1x16xf32>,
    %swap3A_1552 = vector.shape_cast %swap3A_1551 : vector<1x16xf32> to vector<16xf32>
    %swap3A_1553 = vector.shape_cast %broadcast_in_dim3A_1547 : vector<16xf32> to vector<1x16xf32>
    tpu.vector_store %arg28[%swap3A_1549, %swap3A_1550], %swap3A_1553 {strides = array<i32>} : memref<32x128xf32, #tpu.memory_space<vmem>>, vector<1x16xf32>,
    %broadcast_in_dim3A_1554 = arith.constant 0.000000e+00 : f32
    %broadcast_in_dim3A_1555 = vector.broadcast %broadcast_in_dim3A_1554 : f32 to vector<16xf32>
    %swap3A_1556 = arith.constant 23 : i32
    %swap3A_1557 = arith.index_cast %swap3A_1556 : i32 to index
    %swap3A_1558 = arith.constant 96 : index
    %swap3A_1559 = tpu.vector_load %arg28[%swap3A_1557, %swap3A_1558] {strides = array<i32>} : memref<32x128xf32, #tpu.memory_space<vmem>>, vector<1x16xf32>,
    %swap3A_1560 = vector.shape_cast %swap3A_1559 : vector<1x16xf32> to vector<16xf32>
    %swap3A_1561 = vector.shape_cast %broadcast_in_dim3A_1555 : vector<16xf32> to vector<1x16xf32>
    tpu.vector_store %arg28[%swap3A_1557, %swap3A_1558], %swap3A_1561 {strides = array<i32>} : memref<32x128xf32, #tpu.memory_space<vmem>>, vector<1x16xf32>,
    %broadcast_in_dim3A_1562 = arith.constant 0.000000e+00 : f32
    %broadcast_in_dim3A_1563 = vector.broadcast %broadcast_in_dim3A_1562 : f32 to vector<16xf32>
    %swap3A_1564 = arith.constant 23 : i32
    %swap3A_1565 = arith.index_cast %swap3A_1564 : i32 to index
    %swap3A_1566 = arith.constant 112 : index
    %swap3A_1567 = tpu.vector_load %arg28[%swap3A_1565, %swap3A_1566] {strides = array<i32>} : memref<32x128xf32, #tpu.memory_space<vmem>>, vector<1x16xf32>,
    %swap3A_1568 = vector.shape_cast %swap3A_1567 : vector<1x16xf32> to vector<16xf32>
    %swap3A_1569 = vector.shape_cast %broadcast_in_dim3A_1563 : vector<16xf32> to vector<1x16xf32>
    tpu.vector_store %arg28[%swap3A_1565, %swap3A_1566], %swap3A_1569 {strides = array<i32>} : memref<32x128xf32, #tpu.memory_space<vmem>>, vector<1x16xf32>,
    %broadcast_in_dim3A_1570 = arith.constant 0.000000e+00 : f32
    %broadcast_in_dim3A_1571 = vector.broadcast %broadcast_in_dim3A_1570 : f32 to vector<16xf32>
    %swap3A_1572 = arith.constant 24 : i32
    %swap3A_1573 = arith.index_cast %swap3A_1572 : i32 to index
    %swap3A_1574 = arith.constant 0 : index
    %swap3A_1575 = tpu.vector_load %arg28[%swap3A_1573, %swap3A_1574] {strides = array<i32>} : memref<32x128xf32, #tpu.memory_space<vmem>>, vector<1x16xf32>,
    %swap3A_1576 = vector.shape_cast %swap3A_1575 : vector<1x16xf32> to vector<16xf32>
    %swap3A_1577 = vector.shape_cast %broadcast_in_dim3A_1571 : vector<16xf32> to vector<1x16xf32>
    tpu.vector_store %arg28[%swap3A_1573, %swap3A_1574], %swap3A_1577 {strides = array<i32>} : memref<32x128xf32, #tpu.memory_space<vmem>>, vector<1x16xf32>,
    %broadcast_in_dim3A_1578 = arith.constant 0.000000e+00 : f32
    %broadcast_in_dim3A_1579 = vector.broadcast %broadcast_in_dim3A_1578 : f32 to vector<16xf32>
    %swap3A_1580 = arith.constant 24 : i32
    %swap3A_1581 = arith.index_cast %swap3A_1580 : i32 to index
    %swap3A_1582 = arith.constant 16 : index
    %swap3A_1583 = tpu.vector_load %arg28[%swap3A_1581, %swap3A_1582] {strides = array<i32>} : memref<32x128xf32, #tpu.memory_space<vmem>>, vector<1x16xf32>,
    %swap3A_1584 = vector.shape_cast %swap3A_1583 : vector<1x16xf32> to vector<16xf32>
    %swap3A_1585 = vector.shape_cast %broadcast_in_dim3A_1579 : vector<16xf32> to vector<1x16xf32>
    tpu.vector_store %arg28[%swap3A_1581, %swap3A_1582], %swap3A_1585 {strides = array<i32>} : memref<32x128xf32, #tpu.memory_space<vmem>>, vector<1x16xf32>,
    %broadcast_in_dim3A_1586 = arith.constant 0.000000e+00 : f32
    %broadcast_in_dim3A_1587 = vector.broadcast %broadcast_in_dim3A_1586 : f32 to vector<16xf32>
    %swap3A_1588 = arith.constant 24 : i32
    %swap3A_1589 = arith.index_cast %swap3A_1588 : i32 to index
    %swap3A_1590 = arith.constant 32 : index
    %swap3A_1591 = tpu.vector_load %arg28[%swap3A_1589, %swap3A_1590] {strides = array<i32>} : memref<32x128xf32, #tpu.memory_space<vmem>>, vector<1x16xf32>,
    %swap3A_1592 = vector.shape_cast %swap3A_1591 : vector<1x16xf32> to vector<16xf32>
    %swap3A_1593 = vector.shape_cast %broadcast_in_dim3A_1587 : vector<16xf32> to vector<1x16xf32>
    tpu.vector_store %arg28[%swap3A_1589, %swap3A_1590], %swap3A_1593 {strides = array<i32>} : memref<32x128xf32, #tpu.memory_space<vmem>>, vector<1x16xf32>,
    %broadcast_in_dim3A_1594 = arith.constant 0.000000e+00 : f32
    %broadcast_in_dim3A_1595 = vector.broadcast %broadcast_in_dim3A_1594 : f32 to vector<16xf32>
    %swap3A_1596 = arith.constant 24 : i32
    %swap3A_1597 = arith.index_cast %swap3A_1596 : i32 to index
    %swap3A_1598 = arith.constant 48 : index
    %swap3A_1599 = tpu.vector_load %arg28[%swap3A_1597, %swap3A_1598] {strides = array<i32>} : memref<32x128xf32, #tpu.memory_space<vmem>>, vector<1x16xf32>,
    %swap3A_1600 = vector.shape_cast %swap3A_1599 : vector<1x16xf32> to vector<16xf32>
    %swap3A_1601 = vector.shape_cast %broadcast_in_dim3A_1595 : vector<16xf32> to vector<1x16xf32>
    tpu.vector_store %arg28[%swap3A_1597, %swap3A_1598], %swap3A_1601 {strides = array<i32>} : memref<32x128xf32, #tpu.memory_space<vmem>>, vector<1x16xf32>,
    %broadcast_in_dim3A_1602 = arith.constant 0.000000e+00 : f32
    %broadcast_in_dim3A_1603 = vector.broadcast %broadcast_in_dim3A_1602 : f32 to vector<16xf32>
    %swap3A_1604 = arith.constant 24 : i32
    %swap3A_1605 = arith.index_cast %swap3A_1604 : i32 to index
    %swap3A_1606 = arith.constant 64 : index
    %swap3A_1607 = tpu.vector_load %arg28[%swap3A_1605, %swap3A_1606] {strides = array<i32>} : memref<32x128xf32, #tpu.memory_space<vmem>>, vector<1x16xf32>,
    %swap3A_1608 = vector.shape_cast %swap3A_1607 : vector<1x16xf32> to vector<16xf32>
    %swap3A_1609 = vector.shape_cast %broadcast_in_dim3A_1603 : vector<16xf32> to vector<1x16xf32>
    tpu.vector_store %arg28[%swap3A_1605, %swap3A_1606], %swap3A_1609 {strides = array<i32>} : memref<32x128xf32, #tpu.memory_space<vmem>>, vector<1x16xf32>,
    %broadcast_in_dim3A_1610 = arith.constant 0.000000e+00 : f32
    %broadcast_in_dim3A_1611 = vector.broadcast %broadcast_in_dim3A_1610 : f32 to vector<16xf32>
    %swap3A_1612 = arith.constant 24 : i32
    %swap3A_1613 = arith.index_cast %swap3A_1612 : i32 to index
    %swap3A_1614 = arith.constant 80 : index
    %swap3A_1615 = tpu.vector_load %arg28[%swap3A_1613, %swap3A_1614] {strides = array<i32>} : memref<32x128xf32, #tpu.memory_space<vmem>>, vector<1x16xf32>,
    %swap3A_1616 = vector.shape_cast %swap3A_1615 : vector<1x16xf32> to vector<16xf32>
    %swap3A_1617 = vector.shape_cast %broadcast_in_dim3A_1611 : vector<16xf32> to vector<1x16xf32>
    tpu.vector_store %arg28[%swap3A_1613, %swap3A_1614], %swap3A_1617 {strides = array<i32>} : memref<32x128xf32, #tpu.memory_space<vmem>>, vector<1x16xf32>,
    %broadcast_in_dim3A_1618 = arith.constant 0.000000e+00 : f32
    %broadcast_in_dim3A_1619 = vector.broadcast %broadcast_in_dim3A_1618 : f32 to vector<16xf32>
    %swap3A_1620 = arith.constant 24 : i32
    %swap3A_1621 = arith.index_cast %swap3A_1620 : i32 to index
    %swap3A_1622 = arith.constant 96 : index
    %swap3A_1623 = tpu.vector_load %arg28[%swap3A_1621, %swap3A_1622] {strides = array<i32>} : memref<32x128xf32, #tpu.memory_space<vmem>>, vector<1x16xf32>,
    %swap3A_1624 = vector.shape_cast %swap3A_1623 : vector<1x16xf32> to vector<16xf32>
    %swap3A_1625 = vector.shape_cast %broadcast_in_dim3A_1619 : vector<16xf32> to vector<1x16xf32>
    tpu.vector_store %arg28[%swap3A_1621, %swap3A_1622], %swap3A_1625 {strides = array<i32>} : memref<32x128xf32, #tpu.memory_space<vmem>>, vector<1x16xf32>,
    %broadcast_in_dim3A_1626 = arith.constant 0.000000e+00 : f32
    %broadcast_in_dim3A_1627 = vector.broadcast %broadcast_in_dim3A_1626 : f32 to vector<16xf32>
    %swap3A_1628 = arith.constant 24 : i32
    %swap3A_1629 = arith.index_cast %swap3A_1628 : i32 to index
    %swap3A_1630 = arith.constant 112 : index
    %swap3A_1631 = tpu.vector_load %arg28[%swap3A_1629, %swap3A_1630] {strides = array<i32>} : memref<32x128xf32, #tpu.memory_space<vmem>>, vector<1x16xf32>,
    %swap3A_1632 = vector.shape_cast %swap3A_1631 : vector<1x16xf32> to vector<16xf32>
    %swap3A_1633 = vector.shape_cast %broadcast_in_dim3A_1627 : vector<16xf32> to vector<1x16xf32>
    tpu.vector_store %arg28[%swap3A_1629, %swap3A_1630], %swap3A_1633 {strides = array<i32>} : memref<32x128xf32, #tpu.memory_space<vmem>>, vector<1x16xf32>,
    %broadcast_in_dim3A_1634 = arith.constant 0.000000e+00 : f32
    %broadcast_in_dim3A_1635 = vector.broadcast %broadcast_in_dim3A_1634 : f32 to vector<16xf32>
    %swap3A_1636 = arith.constant 25 : i32
    %swap3A_1637 = arith.index_cast %swap3A_1636 : i32 to index
    %swap3A_1638 = arith.constant 0 : index
    %swap3A_1639 = tpu.vector_load %arg28[%swap3A_1637, %swap3A_1638] {strides = array<i32>} : memref<32x128xf32, #tpu.memory_space<vmem>>, vector<1x16xf32>,
    %swap3A_1640 = vector.shape_cast %swap3A_1639 : vector<1x16xf32> to vector<16xf32>
    %swap3A_1641 = vector.shape_cast %broadcast_in_dim3A_1635 : vector<16xf32> to vector<1x16xf32>
    tpu.vector_store %arg28[%swap3A_1637, %swap3A_1638], %swap3A_1641 {strides = array<i32>} : memref<32x128xf32, #tpu.memory_space<vmem>>, vector<1x16xf32>,
    %broadcast_in_dim3A_1642 = arith.constant 0.000000e+00 : f32
    %broadcast_in_dim3A_1643 = vector.broadcast %broadcast_in_dim3A_1642 : f32 to vector<16xf32>
    %swap3A_1644 = arith.constant 25 : i32
    %swap3A_1645 = arith.index_cast %swap3A_1644 : i32 to index
    %swap3A_1646 = arith.constant 16 : index
    %swap3A_1647 = tpu.vector_load %arg28[%swap3A_1645, %swap3A_1646] {strides = array<i32>} : memref<32x128xf32, #tpu.memory_space<vmem>>, vector<1x16xf32>,
    %swap3A_1648 = vector.shape_cast %swap3A_1647 : vector<1x16xf32> to vector<16xf32>
    %swap3A_1649 = vector.shape_cast %broadcast_in_dim3A_1643 : vector<16xf32> to vector<1x16xf32>
    tpu.vector_store %arg28[%swap3A_1645, %swap3A_1646], %swap3A_1649 {strides = array<i32>} : memref<32x128xf32, #tpu.memory_space<vmem>>, vector<1x16xf32>,
    %broadcast_in_dim3A_1650 = arith.constant 0.000000e+00 : f32
    %broadcast_in_dim3A_1651 = vector.broadcast %broadcast_in_dim3A_1650 : f32 to vector<16xf32>
    %swap3A_1652 = arith.constant 25 : i32
    %swap3A_1653 = arith.index_cast %swap3A_1652 : i32 to index
    %swap3A_1654 = arith.constant 32 : index
    %swap3A_1655 = tpu.vector_load %arg28[%swap3A_1653, %swap3A_1654] {strides = array<i32>} : memref<32x128xf32, #tpu.memory_space<vmem>>, vector<1x16xf32>,
    %swap3A_1656 = vector.shape_cast %swap3A_1655 : vector<1x16xf32> to vector<16xf32>
    %swap3A_1657 = vector.shape_cast %broadcast_in_dim3A_1651 : vector<16xf32> to vector<1x16xf32>
    tpu.vector_store %arg28[%swap3A_1653, %swap3A_1654], %swap3A_1657 {strides = array<i32>} : memref<32x128xf32, #tpu.memory_space<vmem>>, vector<1x16xf32>,
    %broadcast_in_dim3A_1658 = arith.constant 0.000000e+00 : f32
    %broadcast_in_dim3A_1659 = vector.broadcast %broadcast_in_dim3A_1658 : f32 to vector<16xf32>
    %swap3A_1660 = arith.constant 25 : i32
    %swap3A_1661 = arith.index_cast %swap3A_1660 : i32 to index
    %swap3A_1662 = arith.constant 48 : index
    %swap3A_1663 = tpu.vector_load %arg28[%swap3A_1661, %swap3A_1662] {strides = array<i32>} : memref<32x128xf32, #tpu.memory_space<vmem>>, vector<1x16xf32>,
    %swap3A_1664 = vector.shape_cast %swap3A_1663 : vector<1x16xf32> to vector<16xf32>
    %swap3A_1665 = vector.shape_cast %broadcast_in_dim3A_1659 : vector<16xf32> to vector<1x16xf32>
    tpu.vector_store %arg28[%swap3A_1661, %swap3A_1662], %swap3A_1665 {strides = array<i32>} : memref<32x128xf32, #tpu.memory_space<vmem>>, vector<1x16xf32>,
    %broadcast_in_dim3A_1666 = arith.constant 0.000000e+00 : f32
    %broadcast_in_dim3A_1667 = vector.broadcast %broadcast_in_dim3A_1666 : f32 to vector<16xf32>
    %swap3A_1668 = arith.constant 25 : i32
    %swap3A_1669 = arith.index_cast %swap3A_1668 : i32 to index
    %swap3A_1670 = arith.constant 64 : index
    %swap3A_1671 = tpu.vector_load %arg28[%swap3A_1669, %swap3A_1670] {strides = array<i32>} : memref<32x128xf32, #tpu.memory_space<vmem>>, vector<1x16xf32>,
    %swap3A_1672 = vector.shape_cast %swap3A_1671 : vector<1x16xf32> to vector<16xf32>
    %swap3A_1673 = vector.shape_cast %broadcast_in_dim3A_1667 : vector<16xf32> to vector<1x16xf32>
    tpu.vector_store %arg28[%swap3A_1669, %swap3A_1670], %swap3A_1673 {strides = array<i32>} : memref<32x128xf32, #tpu.memory_space<vmem>>, vector<1x16xf32>,
    %broadcast_in_dim3A_1674 = arith.constant 0.000000e+00 : f32
    %broadcast_in_dim3A_1675 = vector.broadcast %broadcast_in_dim3A_1674 : f32 to vector<16xf32>
    %swap3A_1676 = arith.constant 25 : i32
    %swap3A_1677 = arith.index_cast %swap3A_1676 : i32 to index
    %swap3A_1678 = arith.constant 80 : index
    %swap3A_1679 = tpu.vector_load %arg28[%swap3A_1677, %swap3A_1678] {strides = array<i32>} : memref<32x128xf32, #tpu.memory_space<vmem>>, vector<1x16xf32>,
    %swap3A_1680 = vector.shape_cast %swap3A_1679 : vector<1x16xf32> to vector<16xf32>
    %swap3A_1681 = vector.shape_cast %broadcast_in_dim3A_1675 : vector<16xf32> to vector<1x16xf32>
    tpu.vector_store %arg28[%swap3A_1677, %swap3A_1678], %swap3A_1681 {strides = array<i32>} : memref<32x128xf32, #tpu.memory_space<vmem>>, vector<1x16xf32>,
    %broadcast_in_dim3A_1682 = arith.constant 0.000000e+00 : f32
    %broadcast_in_dim3A_1683 = vector.broadcast %broadcast_in_dim3A_1682 : f32 to vector<16xf32>
    %swap3A_1684 = arith.constant 25 : i32
    %swap3A_1685 = arith.index_cast %swap3A_1684 : i32 to index
    %swap3A_1686 = arith.constant 96 : index
    %swap3A_1687 = tpu.vector_load %arg28[%swap3A_1685, %swap3A_1686] {strides = array<i32>} : memref<32x128xf32, #tpu.memory_space<vmem>>, vector<1x16xf32>,
    %swap3A_1688 = vector.shape_cast %swap3A_1687 : vector<1x16xf32> to vector<16xf32>
    %swap3A_1689 = vector.shape_cast %broadcast_in_dim3A_1683 : vector<16xf32> to vector<1x16xf32>
    tpu.vector_store %arg28[%swap3A_1685, %swap3A_1686], %swap3A_1689 {strides = array<i32>} : memref<32x128xf32, #tpu.memory_space<vmem>>, vector<1x16xf32>,
    %broadcast_in_dim3A_1690 = arith.constant 0.000000e+00 : f32
    %broadcast_in_dim3A_1691 = vector.broadcast %broadcast_in_dim3A_1690 : f32 to vector<16xf32>
    %swap3A_1692 = arith.constant 25 : i32
    %swap3A_1693 = arith.index_cast %swap3A_1692 : i32 to index
    %swap3A_1694 = arith.constant 112 : index
    %swap3A_1695 = tpu.vector_load %arg28[%swap3A_1693, %swap3A_1694] {strides = array<i32>} : memref<32x128xf32, #tpu.memory_space<vmem>>, vector<1x16xf32>,
    %swap3A_1696 = vector.shape_cast %swap3A_1695 : vector<1x16xf32> to vector<16xf32>
    %swap3A_1697 = vector.shape_cast %broadcast_in_dim3A_1691 : vector<16xf32> to vector<1x16xf32>
    tpu.vector_store %arg28[%swap3A_1693, %swap3A_1694], %swap3A_1697 {strides = array<i32>} : memref<32x128xf32, #tpu.memory_space<vmem>>, vector<1x16xf32>,
    %broadcast_in_dim3A_1698 = arith.constant 0.000000e+00 : f32
    %broadcast_in_dim3A_1699 = vector.broadcast %broadcast_in_dim3A_1698 : f32 to vector<16xf32>
    %swap3A_1700 = arith.constant 26 : i32
    %swap3A_1701 = arith.index_cast %swap3A_1700 : i32 to index
    %swap3A_1702 = arith.constant 0 : index
    %swap3A_1703 = tpu.vector_load %arg28[%swap3A_1701, %swap3A_1702] {strides = array<i32>} : memref<32x128xf32, #tpu.memory_space<vmem>>, vector<1x16xf32>,
    %swap3A_1704 = vector.shape_cast %swap3A_1703 : vector<1x16xf32> to vector<16xf32>
    %swap3A_1705 = vector.shape_cast %broadcast_in_dim3A_1699 : vector<16xf32> to vector<1x16xf32>
    tpu.vector_store %arg28[%swap3A_1701, %swap3A_1702], %swap3A_1705 {strides = array<i32>} : memref<32x128xf32, #tpu.memory_space<vmem>>, vector<1x16xf32>,
    %broadcast_in_dim3A_1706 = arith.constant 0.000000e+00 : f32
    %broadcast_in_dim3A_1707 = vector.broadcast %broadcast_in_dim3A_1706 : f32 to vector<16xf32>
    %swap3A_1708 = arith.constant 26 : i32
    %swap3A_1709 = arith.index_cast %swap3A_1708 : i32 to index
    %swap3A_1710 = arith.constant 16 : index
    %swap3A_1711 = tpu.vector_load %arg28[%swap3A_1709, %swap3A_1710] {strides = array<i32>} : memref<32x128xf32, #tpu.memory_space<vmem>>, vector<1x16xf32>,
    %swap3A_1712 = vector.shape_cast %swap3A_1711 : vector<1x16xf32> to vector<16xf32>
    %swap3A_1713 = vector.shape_cast %broadcast_in_dim3A_1707 : vector<16xf32> to vector<1x16xf32>
    tpu.vector_store %arg28[%swap3A_1709, %swap3A_1710], %swap3A_1713 {strides = array<i32>} : memref<32x128xf32, #tpu.memory_space<vmem>>, vector<1x16xf32>,
    %broadcast_in_dim3A_1714 = arith.constant 0.000000e+00 : f32
    %broadcast_in_dim3A_1715 = vector.broadcast %broadcast_in_dim3A_1714 : f32 to vector<16xf32>
    %swap3A_1716 = arith.constant 26 : i32
    %swap3A_1717 = arith.index_cast %swap3A_1716 : i32 to index
    %swap3A_1718 = arith.constant 32 : index
    %swap3A_1719 = tpu.vector_load %arg28[%swap3A_1717, %swap3A_1718] {strides = array<i32>} : memref<32x128xf32, #tpu.memory_space<vmem>>, vector<1x16xf32>,
    %swap3A_1720 = vector.shape_cast %swap3A_1719 : vector<1x16xf32> to vector<16xf32>
    %swap3A_1721 = vector.shape_cast %broadcast_in_dim3A_1715 : vector<16xf32> to vector<1x16xf32>
    tpu.vector_store %arg28[%swap3A_1717, %swap3A_1718], %swap3A_1721 {strides = array<i32>} : memref<32x128xf32, #tpu.memory_space<vmem>>, vector<1x16xf32>,
    %broadcast_in_dim3A_1722 = arith.constant 0.000000e+00 : f32
    %broadcast_in_dim3A_1723 = vector.broadcast %broadcast_in_dim3A_1722 : f32 to vector<16xf32>
    %swap3A_1724 = arith.constant 26 : i32
    %swap3A_1725 = arith.index_cast %swap3A_1724 : i32 to index
    %swap3A_1726 = arith.constant 48 : index
    %swap3A_1727 = tpu.vector_load %arg28[%swap3A_1725, %swap3A_1726] {strides = array<i32>} : memref<32x128xf32, #tpu.memory_space<vmem>>, vector<1x16xf32>,
    %swap3A_1728 = vector.shape_cast %swap3A_1727 : vector<1x16xf32> to vector<16xf32>
    %swap3A_1729 = vector.shape_cast %broadcast_in_dim3A_1723 : vector<16xf32> to vector<1x16xf32>
    tpu.vector_store %arg28[%swap3A_1725, %swap3A_1726], %swap3A_1729 {strides = array<i32>} : memref<32x128xf32, #tpu.memory_space<vmem>>, vector<1x16xf32>,
    %broadcast_in_dim3A_1730 = arith.constant 0.000000e+00 : f32
    %broadcast_in_dim3A_1731 = vector.broadcast %broadcast_in_dim3A_1730 : f32 to vector<16xf32>
    %swap3A_1732 = arith.constant 26 : i32
    %swap3A_1733 = arith.index_cast %swap3A_1732 : i32 to index
    %swap3A_1734 = arith.constant 64 : index
    %swap3A_1735 = tpu.vector_load %arg28[%swap3A_1733, %swap3A_1734] {strides = array<i32>} : memref<32x128xf32, #tpu.memory_space<vmem>>, vector<1x16xf32>,
    %swap3A_1736 = vector.shape_cast %swap3A_1735 : vector<1x16xf32> to vector<16xf32>
    %swap3A_1737 = vector.shape_cast %broadcast_in_dim3A_1731 : vector<16xf32> to vector<1x16xf32>
    tpu.vector_store %arg28[%swap3A_1733, %swap3A_1734], %swap3A_1737 {strides = array<i32>} : memref<32x128xf32, #tpu.memory_space<vmem>>, vector<1x16xf32>,
    %broadcast_in_dim3A_1738 = arith.constant 0.000000e+00 : f32
    %broadcast_in_dim3A_1739 = vector.broadcast %broadcast_in_dim3A_1738 : f32 to vector<16xf32>
    %swap3A_1740 = arith.constant 26 : i32
    %swap3A_1741 = arith.index_cast %swap3A_1740 : i32 to index
    %swap3A_1742 = arith.constant 80 : index
    %swap3A_1743 = tpu.vector_load %arg28[%swap3A_1741, %swap3A_1742] {strides = array<i32>} : memref<32x128xf32, #tpu.memory_space<vmem>>, vector<1x16xf32>,
    %swap3A_1744 = vector.shape_cast %swap3A_1743 : vector<1x16xf32> to vector<16xf32>
    %swap3A_1745 = vector.shape_cast %broadcast_in_dim3A_1739 : vector<16xf32> to vector<1x16xf32>
    tpu.vector_store %arg28[%swap3A_1741, %swap3A_1742], %swap3A_1745 {strides = array<i32>} : memref<32x128xf32, #tpu.memory_space<vmem>>, vector<1x16xf32>,
    %broadcast_in_dim3A_1746 = arith.constant 0.000000e+00 : f32
    %broadcast_in_dim3A_1747 = vector.broadcast %broadcast_in_dim3A_1746 : f32 to vector<16xf32>
    %swap3A_1748 = arith.constant 26 : i32
    %swap3A_1749 = arith.index_cast %swap3A_1748 : i32 to index
    %swap3A_1750 = arith.constant 96 : index
    %swap3A_1751 = tpu.vector_load %arg28[%swap3A_1749, %swap3A_1750] {strides = array<i32>} : memref<32x128xf32, #tpu.memory_space<vmem>>, vector<1x16xf32>,
    %swap3A_1752 = vector.shape_cast %swap3A_1751 : vector<1x16xf32> to vector<16xf32>
    %swap3A_1753 = vector.shape_cast %broadcast_in_dim3A_1747 : vector<16xf32> to vector<1x16xf32>
    tpu.vector_store %arg28[%swap3A_1749, %swap3A_1750], %swap3A_1753 {strides = array<i32>} : memref<32x128xf32, #tpu.memory_space<vmem>>, vector<1x16xf32>,
    %broadcast_in_dim3A_1754 = arith.constant 0.000000e+00 : f32
    %broadcast_in_dim3A_1755 = vector.broadcast %broadcast_in_dim3A_1754 : f32 to vector<16xf32>
    %swap3A_1756 = arith.constant 26 : i32
    %swap3A_1757 = arith.index_cast %swap3A_1756 : i32 to index
    %swap3A_1758 = arith.constant 112 : index
    %swap3A_1759 = tpu.vector_load %arg28[%swap3A_1757, %swap3A_1758] {strides = array<i32>} : memref<32x128xf32, #tpu.memory_space<vmem>>, vector<1x16xf32>,
    %swap3A_1760 = vector.shape_cast %swap3A_1759 : vector<1x16xf32> to vector<16xf32>
    %swap3A_1761 = vector.shape_cast %broadcast_in_dim3A_1755 : vector<16xf32> to vector<1x16xf32>
    tpu.vector_store %arg28[%swap3A_1757, %swap3A_1758], %swap3A_1761 {strides = array<i32>} : memref<32x128xf32, #tpu.memory_space<vmem>>, vector<1x16xf32>,
    %broadcast_in_dim3A_1762 = arith.constant 0.000000e+00 : f32
    %broadcast_in_dim3A_1763 = vector.broadcast %broadcast_in_dim3A_1762 : f32 to vector<16xf32>
    %swap3A_1764 = arith.constant 27 : i32
    %swap3A_1765 = arith.index_cast %swap3A_1764 : i32 to index
    %swap3A_1766 = arith.constant 0 : index
    %swap3A_1767 = tpu.vector_load %arg28[%swap3A_1765, %swap3A_1766] {strides = array<i32>} : memref<32x128xf32, #tpu.memory_space<vmem>>, vector<1x16xf32>,
    %swap3A_1768 = vector.shape_cast %swap3A_1767 : vector<1x16xf32> to vector<16xf32>
    %swap3A_1769 = vector.shape_cast %broadcast_in_dim3A_1763 : vector<16xf32> to vector<1x16xf32>
    tpu.vector_store %arg28[%swap3A_1765, %swap3A_1766], %swap3A_1769 {strides = array<i32>} : memref<32x128xf32, #tpu.memory_space<vmem>>, vector<1x16xf32>,
    %broadcast_in_dim3A_1770 = arith.constant 0.000000e+00 : f32
    %broadcast_in_dim3A_1771 = vector.broadcast %broadcast_in_dim3A_1770 : f32 to vector<16xf32>
    %swap3A_1772 = arith.constant 27 : i32
    %swap3A_1773 = arith.index_cast %swap3A_1772 : i32 to index
    %swap3A_1774 = arith.constant 16 : index
    %swap3A_1775 = tpu.vector_load %arg28[%swap3A_1773, %swap3A_1774] {strides = array<i32>} : memref<32x128xf32, #tpu.memory_space<vmem>>, vector<1x16xf32>,
    %swap3A_1776 = vector.shape_cast %swap3A_1775 : vector<1x16xf32> to vector<16xf32>
    %swap3A_1777 = vector.shape_cast %broadcast_in_dim3A_1771 : vector<16xf32> to vector<1x16xf32>
    tpu.vector_store %arg28[%swap3A_1773, %swap3A_1774], %swap3A_1777 {strides = array<i32>} : memref<32x128xf32, #tpu.memory_space<vmem>>, vector<1x16xf32>,
    %broadcast_in_dim3A_1778 = arith.constant 0.000000e+00 : f32
    %broadcast_in_dim3A_1779 = vector.broadcast %broadcast_in_dim3A_1778 : f32 to vector<16xf32>
    %swap3A_1780 = arith.constant 27 : i32
    %swap3A_1781 = arith.index_cast %swap3A_1780 : i32 to index
    %swap3A_1782 = arith.constant 32 : index
    %swap3A_1783 = tpu.vector_load %arg28[%swap3A_1781, %swap3A_1782] {strides = array<i32>} : memref<32x128xf32, #tpu.memory_space<vmem>>, vector<1x16xf32>,
    %swap3A_1784 = vector.shape_cast %swap3A_1783 : vector<1x16xf32> to vector<16xf32>
    %swap3A_1785 = vector.shape_cast %broadcast_in_dim3A_1779 : vector<16xf32> to vector<1x16xf32>
    tpu.vector_store %arg28[%swap3A_1781, %swap3A_1782], %swap3A_1785 {strides = array<i32>} : memref<32x128xf32, #tpu.memory_space<vmem>>, vector<1x16xf32>,
    %broadcast_in_dim3A_1786 = arith.constant 0.000000e+00 : f32
    %broadcast_in_dim3A_1787 = vector.broadcast %broadcast_in_dim3A_1786 : f32 to vector<16xf32>
    %swap3A_1788 = arith.constant 27 : i32
    %swap3A_1789 = arith.index_cast %swap3A_1788 : i32 to index
    %swap3A_1790 = arith.constant 48 : index
    %swap3A_1791 = tpu.vector_load %arg28[%swap3A_1789, %swap3A_1790] {strides = array<i32>} : memref<32x128xf32, #tpu.memory_space<vmem>>, vector<1x16xf32>,
    %swap3A_1792 = vector.shape_cast %swap3A_1791 : vector<1x16xf32> to vector<16xf32>
    %swap3A_1793 = vector.shape_cast %broadcast_in_dim3A_1787 : vector<16xf32> to vector<1x16xf32>
    tpu.vector_store %arg28[%swap3A_1789, %swap3A_1790], %swap3A_1793 {strides = array<i32>} : memref<32x128xf32, #tpu.memory_space<vmem>>, vector<1x16xf32>,
    %broadcast_in_dim3A_1794 = arith.constant 0.000000e+00 : f32
    %broadcast_in_dim3A_1795 = vector.broadcast %broadcast_in_dim3A_1794 : f32 to vector<16xf32>
    %swap3A_1796 = arith.constant 27 : i32
    %swap3A_1797 = arith.index_cast %swap3A_1796 : i32 to index
    %swap3A_1798 = arith.constant 64 : index
    %swap3A_1799 = tpu.vector_load %arg28[%swap3A_1797, %swap3A_1798] {strides = array<i32>} : memref<32x128xf32, #tpu.memory_space<vmem>>, vector<1x16xf32>,
    %swap3A_1800 = vector.shape_cast %swap3A_1799 : vector<1x16xf32> to vector<16xf32>
    %swap3A_1801 = vector.shape_cast %broadcast_in_dim3A_1795 : vector<16xf32> to vector<1x16xf32>
    tpu.vector_store %arg28[%swap3A_1797, %swap3A_1798], %swap3A_1801 {strides = array<i32>} : memref<32x128xf32, #tpu.memory_space<vmem>>, vector<1x16xf32>,
    %broadcast_in_dim3A_1802 = arith.constant 0.000000e+00 : f32
    %broadcast_in_dim3A_1803 = vector.broadcast %broadcast_in_dim3A_1802 : f32 to vector<16xf32>
    %swap3A_1804 = arith.constant 27 : i32
    %swap3A_1805 = arith.index_cast %swap3A_1804 : i32 to index
    %swap3A_1806 = arith.constant 80 : index
    %swap3A_1807 = tpu.vector_load %arg28[%swap3A_1805, %swap3A_1806] {strides = array<i32>} : memref<32x128xf32, #tpu.memory_space<vmem>>, vector<1x16xf32>,
    %swap3A_1808 = vector.shape_cast %swap3A_1807 : vector<1x16xf32> to vector<16xf32>
    %swap3A_1809 = vector.shape_cast %broadcast_in_dim3A_1803 : vector<16xf32> to vector<1x16xf32>
    tpu.vector_store %arg28[%swap3A_1805, %swap3A_1806], %swap3A_1809 {strides = array<i32>} : memref<32x128xf32, #tpu.memory_space<vmem>>, vector<1x16xf32>,
    %broadcast_in_dim3A_1810 = arith.constant 0.000000e+00 : f32
    %broadcast_in_dim3A_1811 = vector.broadcast %broadcast_in_dim3A_1810 : f32 to vector<16xf32>
    %swap3A_1812 = arith.constant 27 : i32
    %swap3A_1813 = arith.index_cast %swap3A_1812 : i32 to index
    %swap3A_1814 = arith.constant 96 : index
    %swap3A_1815 = tpu.vector_load %arg28[%swap3A_1813, %swap3A_1814] {strides = array<i32>} : memref<32x128xf32, #tpu.memory_space<vmem>>, vector<1x16xf32>,
    %swap3A_1816 = vector.shape_cast %swap3A_1815 : vector<1x16xf32> to vector<16xf32>
    %swap3A_1817 = vector.shape_cast %broadcast_in_dim3A_1811 : vector<16xf32> to vector<1x16xf32>
    tpu.vector_store %arg28[%swap3A_1813, %swap3A_1814], %swap3A_1817 {strides = array<i32>} : memref<32x128xf32, #tpu.memory_space<vmem>>, vector<1x16xf32>,
    %broadcast_in_dim3A_1818 = arith.constant 0.000000e+00 : f32
    %broadcast_in_dim3A_1819 = vector.broadcast %broadcast_in_dim3A_1818 : f32 to vector<16xf32>
    %swap3A_1820 = arith.constant 27 : i32
    %swap3A_1821 = arith.index_cast %swap3A_1820 : i32 to index
    %swap3A_1822 = arith.constant 112 : index
    %swap3A_1823 = tpu.vector_load %arg28[%swap3A_1821, %swap3A_1822] {strides = array<i32>} : memref<32x128xf32, #tpu.memory_space<vmem>>, vector<1x16xf32>,
    %swap3A_1824 = vector.shape_cast %swap3A_1823 : vector<1x16xf32> to vector<16xf32>
    %swap3A_1825 = vector.shape_cast %broadcast_in_dim3A_1819 : vector<16xf32> to vector<1x16xf32>
    tpu.vector_store %arg28[%swap3A_1821, %swap3A_1822], %swap3A_1825 {strides = array<i32>} : memref<32x128xf32, #tpu.memory_space<vmem>>, vector<1x16xf32>,
    %broadcast_in_dim3A_1826 = arith.constant 0.000000e+00 : f32
    %broadcast_in_dim3A_1827 = vector.broadcast %broadcast_in_dim3A_1826 : f32 to vector<16xf32>
    %swap3A_1828 = arith.constant 28 : i32
    %swap3A_1829 = arith.index_cast %swap3A_1828 : i32 to index
    %swap3A_1830 = arith.constant 0 : index
    %swap3A_1831 = tpu.vector_load %arg28[%swap3A_1829, %swap3A_1830] {strides = array<i32>} : memref<32x128xf32, #tpu.memory_space<vmem>>, vector<1x16xf32>,
    %swap3A_1832 = vector.shape_cast %swap3A_1831 : vector<1x16xf32> to vector<16xf32>
    %swap3A_1833 = vector.shape_cast %broadcast_in_dim3A_1827 : vector<16xf32> to vector<1x16xf32>
    tpu.vector_store %arg28[%swap3A_1829, %swap3A_1830], %swap3A_1833 {strides = array<i32>} : memref<32x128xf32, #tpu.memory_space<vmem>>, vector<1x16xf32>,
    %broadcast_in_dim3A_1834 = arith.constant 0.000000e+00 : f32
    %broadcast_in_dim3A_1835 = vector.broadcast %broadcast_in_dim3A_1834 : f32 to vector<16xf32>
    %swap3A_1836 = arith.constant 28 : i32
    %swap3A_1837 = arith.index_cast %swap3A_1836 : i32 to index
    %swap3A_1838 = arith.constant 16 : index
    %swap3A_1839 = tpu.vector_load %arg28[%swap3A_1837, %swap3A_1838] {strides = array<i32>} : memref<32x128xf32, #tpu.memory_space<vmem>>, vector<1x16xf32>,
    %swap3A_1840 = vector.shape_cast %swap3A_1839 : vector<1x16xf32> to vector<16xf32>
    %swap3A_1841 = vector.shape_cast %broadcast_in_dim3A_1835 : vector<16xf32> to vector<1x16xf32>
    tpu.vector_store %arg28[%swap3A_1837, %swap3A_1838], %swap3A_1841 {strides = array<i32>} : memref<32x128xf32, #tpu.memory_space<vmem>>, vector<1x16xf32>,
    %broadcast_in_dim3A_1842 = arith.constant 0.000000e+00 : f32
    %broadcast_in_dim3A_1843 = vector.broadcast %broadcast_in_dim3A_1842 : f32 to vector<16xf32>
    %swap3A_1844 = arith.constant 28 : i32
    %swap3A_1845 = arith.index_cast %swap3A_1844 : i32 to index
    %swap3A_1846 = arith.constant 32 : index
    %swap3A_1847 = tpu.vector_load %arg28[%swap3A_1845, %swap3A_1846] {strides = array<i32>} : memref<32x128xf32, #tpu.memory_space<vmem>>, vector<1x16xf32>,
    %swap3A_1848 = vector.shape_cast %swap3A_1847 : vector<1x16xf32> to vector<16xf32>
    %swap3A_1849 = vector.shape_cast %broadcast_in_dim3A_1843 : vector<16xf32> to vector<1x16xf32>
    tpu.vector_store %arg28[%swap3A_1845, %swap3A_1846], %swap3A_1849 {strides = array<i32>} : memref<32x128xf32, #tpu.memory_space<vmem>>, vector<1x16xf32>,
    %broadcast_in_dim3A_1850 = arith.constant 0.000000e+00 : f32
    %broadcast_in_dim3A_1851 = vector.broadcast %broadcast_in_dim3A_1850 : f32 to vector<16xf32>
    %swap3A_1852 = arith.constant 28 : i32
    %swap3A_1853 = arith.index_cast %swap3A_1852 : i32 to index
    %swap3A_1854 = arith.constant 48 : index
    %swap3A_1855 = tpu.vector_load %arg28[%swap3A_1853, %swap3A_1854] {strides = array<i32>} : memref<32x128xf32, #tpu.memory_space<vmem>>, vector<1x16xf32>,
    %swap3A_1856 = vector.shape_cast %swap3A_1855 : vector<1x16xf32> to vector<16xf32>
    %swap3A_1857 = vector.shape_cast %broadcast_in_dim3A_1851 : vector<16xf32> to vector<1x16xf32>
    tpu.vector_store %arg28[%swap3A_1853, %swap3A_1854], %swap3A_1857 {strides = array<i32>} : memref<32x128xf32, #tpu.memory_space<vmem>>, vector<1x16xf32>,
    %broadcast_in_dim3A_1858 = arith.constant 0.000000e+00 : f32
    %broadcast_in_dim3A_1859 = vector.broadcast %broadcast_in_dim3A_1858 : f32 to vector<16xf32>
    %swap3A_1860 = arith.constant 28 : i32
    %swap3A_1861 = arith.index_cast %swap3A_1860 : i32 to index
    %swap3A_1862 = arith.constant 64 : index
    %swap3A_1863 = tpu.vector_load %arg28[%swap3A_1861, %swap3A_1862] {strides = array<i32>} : memref<32x128xf32, #tpu.memory_space<vmem>>, vector<1x16xf32>,
    %swap3A_1864 = vector.shape_cast %swap3A_1863 : vector<1x16xf32> to vector<16xf32>
    %swap3A_1865 = vector.shape_cast %broadcast_in_dim3A_1859 : vector<16xf32> to vector<1x16xf32>
    tpu.vector_store %arg28[%swap3A_1861, %swap3A_1862], %swap3A_1865 {strides = array<i32>} : memref<32x128xf32, #tpu.memory_space<vmem>>, vector<1x16xf32>,
    %broadcast_in_dim3A_1866 = arith.constant 0.000000e+00 : f32
    %broadcast_in_dim3A_1867 = vector.broadcast %broadcast_in_dim3A_1866 : f32 to vector<16xf32>
    %swap3A_1868 = arith.constant 28 : i32
    %swap3A_1869 = arith.index_cast %swap3A_1868 : i32 to index
    %swap3A_1870 = arith.constant 80 : index
    %swap3A_1871 = tpu.vector_load %arg28[%swap3A_1869, %swap3A_1870] {strides = array<i32>} : memref<32x128xf32, #tpu.memory_space<vmem>>, vector<1x16xf32>,
    %swap3A_1872 = vector.shape_cast %swap3A_1871 : vector<1x16xf32> to vector<16xf32>
    %swap3A_1873 = vector.shape_cast %broadcast_in_dim3A_1867 : vector<16xf32> to vector<1x16xf32>
    tpu.vector_store %arg28[%swap3A_1869, %swap3A_1870], %swap3A_1873 {strides = array<i32>} : memref<32x128xf32, #tpu.memory_space<vmem>>, vector<1x16xf32>,
    %broadcast_in_dim3A_1874 = arith.constant 0.000000e+00 : f32
    %broadcast_in_dim3A_1875 = vector.broadcast %broadcast_in_dim3A_1874 : f32 to vector<16xf32>
    %swap3A_1876 = arith.constant 28 : i32
    %swap3A_1877 = arith.index_cast %swap3A_1876 : i32 to index
    %swap3A_1878 = arith.constant 96 : index
    %swap3A_1879 = tpu.vector_load %arg28[%swap3A_1877, %swap3A_1878] {strides = array<i32>} : memref<32x128xf32, #tpu.memory_space<vmem>>, vector<1x16xf32>,
    %swap3A_1880 = vector.shape_cast %swap3A_1879 : vector<1x16xf32> to vector<16xf32>
    %swap3A_1881 = vector.shape_cast %broadcast_in_dim3A_1875 : vector<16xf32> to vector<1x16xf32>
    tpu.vector_store %arg28[%swap3A_1877, %swap3A_1878], %swap3A_1881 {strides = array<i32>} : memref<32x128xf32, #tpu.memory_space<vmem>>, vector<1x16xf32>,
    %broadcast_in_dim3A_1882 = arith.constant 0.000000e+00 : f32
    %broadcast_in_dim3A_1883 = vector.broadcast %broadcast_in_dim3A_1882 : f32 to vector<16xf32>
    %swap3A_1884 = arith.constant 28 : i32
    %swap3A_1885 = arith.index_cast %swap3A_1884 : i32 to index
    %swap3A_1886 = arith.constant 112 : index
    %swap3A_1887 = tpu.vector_load %arg28[%swap3A_1885, %swap3A_1886] {strides = array<i32>} : memref<32x128xf32, #tpu.memory_space<vmem>>, vector<1x16xf32>,
    %swap3A_1888 = vector.shape_cast %swap3A_1887 : vector<1x16xf32> to vector<16xf32>
    %swap3A_1889 = vector.shape_cast %broadcast_in_dim3A_1883 : vector<16xf32> to vector<1x16xf32>
    tpu.vector_store %arg28[%swap3A_1885, %swap3A_1886], %swap3A_1889 {strides = array<i32>} : memref<32x128xf32, #tpu.memory_space<vmem>>, vector<1x16xf32>,
    %broadcast_in_dim3A_1890 = arith.constant 0.000000e+00 : f32
    %broadcast_in_dim3A_1891 = vector.broadcast %broadcast_in_dim3A_1890 : f32 to vector<16xf32>
    %swap3A_1892 = arith.constant 29 : i32
    %swap3A_1893 = arith.index_cast %swap3A_1892 : i32 to index
    %swap3A_1894 = arith.constant 0 : index
    %swap3A_1895 = tpu.vector_load %arg28[%swap3A_1893, %swap3A_1894] {strides = array<i32>} : memref<32x128xf32, #tpu.memory_space<vmem>>, vector<1x16xf32>,
    %swap3A_1896 = vector.shape_cast %swap3A_1895 : vector<1x16xf32> to vector<16xf32>
    %swap3A_1897 = vector.shape_cast %broadcast_in_dim3A_1891 : vector<16xf32> to vector<1x16xf32>
    tpu.vector_store %arg28[%swap3A_1893, %swap3A_1894], %swap3A_1897 {strides = array<i32>} : memref<32x128xf32, #tpu.memory_space<vmem>>, vector<1x16xf32>,
    %broadcast_in_dim3A_1898 = arith.constant 0.000000e+00 : f32
    %broadcast_in_dim3A_1899 = vector.broadcast %broadcast_in_dim3A_1898 : f32 to vector<16xf32>
    %swap3A_1900 = arith.constant 29 : i32
    %swap3A_1901 = arith.index_cast %swap3A_1900 : i32 to index
    %swap3A_1902 = arith.constant 16 : index
    %swap3A_1903 = tpu.vector_load %arg28[%swap3A_1901, %swap3A_1902] {strides = array<i32>} : memref<32x128xf32, #tpu.memory_space<vmem>>, vector<1x16xf32>,
    %swap3A_1904 = vector.shape_cast %swap3A_1903 : vector<1x16xf32> to vector<16xf32>
    %swap3A_1905 = vector.shape_cast %broadcast_in_dim3A_1899 : vector<16xf32> to vector<1x16xf32>
    tpu.vector_store %arg28[%swap3A_1901, %swap3A_1902], %swap3A_1905 {strides = array<i32>} : memref<32x128xf32, #tpu.memory_space<vmem>>, vector<1x16xf32>,
    %broadcast_in_dim3A_1906 = arith.constant 0.000000e+00 : f32
    %broadcast_in_dim3A_1907 = vector.broadcast %broadcast_in_dim3A_1906 : f32 to vector<16xf32>
    %swap3A_1908 = arith.constant 29 : i32
    %swap3A_1909 = arith.index_cast %swap3A_1908 : i32 to index
    %swap3A_1910 = arith.constant 32 : index
    %swap3A_1911 = tpu.vector_load %arg28[%swap3A_1909, %swap3A_1910] {strides = array<i32>} : memref<32x128xf32, #tpu.memory_space<vmem>>, vector<1x16xf32>,
    %swap3A_1912 = vector.shape_cast %swap3A_1911 : vector<1x16xf32> to vector<16xf32>
    %swap3A_1913 = vector.shape_cast %broadcast_in_dim3A_1907 : vector<16xf32> to vector<1x16xf32>
    tpu.vector_store %arg28[%swap3A_1909, %swap3A_1910], %swap3A_1913 {strides = array<i32>} : memref<32x128xf32, #tpu.memory_space<vmem>>, vector<1x16xf32>,
    %broadcast_in_dim3A_1914 = arith.constant 0.000000e+00 : f32
    %broadcast_in_dim3A_1915 = vector.broadcast %broadcast_in_dim3A_1914 : f32 to vector<16xf32>
    %swap3A_1916 = arith.constant 29 : i32
    %swap3A_1917 = arith.index_cast %swap3A_1916 : i32 to index
    %swap3A_1918 = arith.constant 48 : index
    %swap3A_1919 = tpu.vector_load %arg28[%swap3A_1917, %swap3A_1918] {strides = array<i32>} : memref<32x128xf32, #tpu.memory_space<vmem>>, vector<1x16xf32>,
    %swap3A_1920 = vector.shape_cast %swap3A_1919 : vector<1x16xf32> to vector<16xf32>
    %swap3A_1921 = vector.shape_cast %broadcast_in_dim3A_1915 : vector<16xf32> to vector<1x16xf32>
    tpu.vector_store %arg28[%swap3A_1917, %swap3A_1918], %swap3A_1921 {strides = array<i32>} : memref<32x128xf32, #tpu.memory_space<vmem>>, vector<1x16xf32>,
    %broadcast_in_dim3A_1922 = arith.constant 0.000000e+00 : f32
    %broadcast_in_dim3A_1923 = vector.broadcast %broadcast_in_dim3A_1922 : f32 to vector<16xf32>
    %swap3A_1924 = arith.constant 29 : i32
    %swap3A_1925 = arith.index_cast %swap3A_1924 : i32 to index
    %swap3A_1926 = arith.constant 64 : index
    %swap3A_1927 = tpu.vector_load %arg28[%swap3A_1925, %swap3A_1926] {strides = array<i32>} : memref<32x128xf32, #tpu.memory_space<vmem>>, vector<1x16xf32>,
    %swap3A_1928 = vector.shape_cast %swap3A_1927 : vector<1x16xf32> to vector<16xf32>
    %swap3A_1929 = vector.shape_cast %broadcast_in_dim3A_1923 : vector<16xf32> to vector<1x16xf32>
    tpu.vector_store %arg28[%swap3A_1925, %swap3A_1926], %swap3A_1929 {strides = array<i32>} : memref<32x128xf32, #tpu.memory_space<vmem>>, vector<1x16xf32>,
    %broadcast_in_dim3A_1930 = arith.constant 0.000000e+00 : f32
    %broadcast_in_dim3A_1931 = vector.broadcast %broadcast_in_dim3A_1930 : f32 to vector<16xf32>
    %swap3A_1932 = arith.constant 29 : i32
    %swap3A_1933 = arith.index_cast %swap3A_1932 : i32 to index
    %swap3A_1934 = arith.constant 80 : index
    %swap3A_1935 = tpu.vector_load %arg28[%swap3A_1933, %swap3A_1934] {strides = array<i32>} : memref<32x128xf32, #tpu.memory_space<vmem>>, vector<1x16xf32>,
    %swap3A_1936 = vector.shape_cast %swap3A_1935 : vector<1x16xf32> to vector<16xf32>
    %swap3A_1937 = vector.shape_cast %broadcast_in_dim3A_1931 : vector<16xf32> to vector<1x16xf32>
    tpu.vector_store %arg28[%swap3A_1933, %swap3A_1934], %swap3A_1937 {strides = array<i32>} : memref<32x128xf32, #tpu.memory_space<vmem>>, vector<1x16xf32>,
    %broadcast_in_dim3A_1938 = arith.constant 0.000000e+00 : f32
    %broadcast_in_dim3A_1939 = vector.broadcast %broadcast_in_dim3A_1938 : f32 to vector<16xf32>
    %swap3A_1940 = arith.constant 29 : i32
    %swap3A_1941 = arith.index_cast %swap3A_1940 : i32 to index
    %swap3A_1942 = arith.constant 96 : index
    %swap3A_1943 = tpu.vector_load %arg28[%swap3A_1941, %swap3A_1942] {strides = array<i32>} : memref<32x128xf32, #tpu.memory_space<vmem>>, vector<1x16xf32>,
    %swap3A_1944 = vector.shape_cast %swap3A_1943 : vector<1x16xf32> to vector<16xf32>
    %swap3A_1945 = vector.shape_cast %broadcast_in_dim3A_1939 : vector<16xf32> to vector<1x16xf32>
    tpu.vector_store %arg28[%swap3A_1941, %swap3A_1942], %swap3A_1945 {strides = array<i32>} : memref<32x128xf32, #tpu.memory_space<vmem>>, vector<1x16xf32>,
    %broadcast_in_dim3A_1946 = arith.constant 0.000000e+00 : f32
    %broadcast_in_dim3A_1947 = vector.broadcast %broadcast_in_dim3A_1946 : f32 to vector<16xf32>
    %swap3A_1948 = arith.constant 29 : i32
    %swap3A_1949 = arith.index_cast %swap3A_1948 : i32 to index
    %swap3A_1950 = arith.constant 112 : index
    %swap3A_1951 = tpu.vector_load %arg28[%swap3A_1949, %swap3A_1950] {strides = array<i32>} : memref<32x128xf32, #tpu.memory_space<vmem>>, vector<1x16xf32>,
    %swap3A_1952 = vector.shape_cast %swap3A_1951 : vector<1x16xf32> to vector<16xf32>
    %swap3A_1953 = vector.shape_cast %broadcast_in_dim3A_1947 : vector<16xf32> to vector<1x16xf32>
    tpu.vector_store %arg28[%swap3A_1949, %swap3A_1950], %swap3A_1953 {strides = array<i32>} : memref<32x128xf32, #tpu.memory_space<vmem>>, vector<1x16xf32>,
    %broadcast_in_dim3A_1954 = arith.constant 0.000000e+00 : f32
    %broadcast_in_dim3A_1955 = vector.broadcast %broadcast_in_dim3A_1954 : f32 to vector<16xf32>
    %swap3A_1956 = arith.constant 30 : i32
    %swap3A_1957 = arith.index_cast %swap3A_1956 : i32 to index
    %swap3A_1958 = arith.constant 0 : index
    %swap3A_1959 = tpu.vector_load %arg28[%swap3A_1957, %swap3A_1958] {strides = array<i32>} : memref<32x128xf32, #tpu.memory_space<vmem>>, vector<1x16xf32>,
    %swap3A_1960 = vector.shape_cast %swap3A_1959 : vector<1x16xf32> to vector<16xf32>
    %swap3A_1961 = vector.shape_cast %broadcast_in_dim3A_1955 : vector<16xf32> to vector<1x16xf32>
    tpu.vector_store %arg28[%swap3A_1957, %swap3A_1958], %swap3A_1961 {strides = array<i32>} : memref<32x128xf32, #tpu.memory_space<vmem>>, vector<1x16xf32>,
    %broadcast_in_dim3A_1962 = arith.constant 0.000000e+00 : f32
    %broadcast_in_dim3A_1963 = vector.broadcast %broadcast_in_dim3A_1962 : f32 to vector<16xf32>
    %swap3A_1964 = arith.constant 30 : i32
    %swap3A_1965 = arith.index_cast %swap3A_1964 : i32 to index
    %swap3A_1966 = arith.constant 16 : index
    %swap3A_1967 = tpu.vector_load %arg28[%swap3A_1965, %swap3A_1966] {strides = array<i32>} : memref<32x128xf32, #tpu.memory_space<vmem>>, vector<1x16xf32>,
    %swap3A_1968 = vector.shape_cast %swap3A_1967 : vector<1x16xf32> to vector<16xf32>
    %swap3A_1969 = vector.shape_cast %broadcast_in_dim3A_1963 : vector<16xf32> to vector<1x16xf32>
    tpu.vector_store %arg28[%swap3A_1965, %swap3A_1966], %swap3A_1969 {strides = array<i32>} : memref<32x128xf32, #tpu.memory_space<vmem>>, vector<1x16xf32>,
    %broadcast_in_dim3A_1970 = arith.constant 0.000000e+00 : f32
    %broadcast_in_dim3A_1971 = vector.broadcast %broadcast_in_dim3A_1970 : f32 to vector<16xf32>
    %swap3A_1972 = arith.constant 30 : i32
    %swap3A_1973 = arith.index_cast %swap3A_1972 : i32 to index
    %swap3A_1974 = arith.constant 32 : index
    %swap3A_1975 = tpu.vector_load %arg28[%swap3A_1973, %swap3A_1974] {strides = array<i32>} : memref<32x128xf32, #tpu.memory_space<vmem>>, vector<1x16xf32>,
    %swap3A_1976 = vector.shape_cast %swap3A_1975 : vector<1x16xf32> to vector<16xf32>
    %swap3A_1977 = vector.shape_cast %broadcast_in_dim3A_1971 : vector<16xf32> to vector<1x16xf32>
    tpu.vector_store %arg28[%swap3A_1973, %swap3A_1974], %swap3A_1977 {strides = array<i32>} : memref<32x128xf32, #tpu.memory_space<vmem>>, vector<1x16xf32>,
    %broadcast_in_dim3A_1978 = arith.constant 0.000000e+00 : f32
    %broadcast_in_dim3A_1979 = vector.broadcast %broadcast_in_dim3A_1978 : f32 to vector<16xf32>
    %swap3A_1980 = arith.constant 30 : i32
    %swap3A_1981 = arith.index_cast %swap3A_1980 : i32 to index
    %swap3A_1982 = arith.constant 48 : index
    %swap3A_1983 = tpu.vector_load %arg28[%swap3A_1981, %swap3A_1982] {strides = array<i32>} : memref<32x128xf32, #tpu.memory_space<vmem>>, vector<1x16xf32>,
    %swap3A_1984 = vector.shape_cast %swap3A_1983 : vector<1x16xf32> to vector<16xf32>
    %swap3A_1985 = vector.shape_cast %broadcast_in_dim3A_1979 : vector<16xf32> to vector<1x16xf32>
    tpu.vector_store %arg28[%swap3A_1981, %swap3A_1982], %swap3A_1985 {strides = array<i32>} : memref<32x128xf32, #tpu.memory_space<vmem>>, vector<1x16xf32>,
    %broadcast_in_dim3A_1986 = arith.constant 0.000000e+00 : f32
    %broadcast_in_dim3A_1987 = vector.broadcast %broadcast_in_dim3A_1986 : f32 to vector<16xf32>
    %swap3A_1988 = arith.constant 30 : i32
    %swap3A_1989 = arith.index_cast %swap3A_1988 : i32 to index
    %swap3A_1990 = arith.constant 64 : index
    %swap3A_1991 = tpu.vector_load %arg28[%swap3A_1989, %swap3A_1990] {strides = array<i32>} : memref<32x128xf32, #tpu.memory_space<vmem>>, vector<1x16xf32>,
    %swap3A_1992 = vector.shape_cast %swap3A_1991 : vector<1x16xf32> to vector<16xf32>
    %swap3A_1993 = vector.shape_cast %broadcast_in_dim3A_1987 : vector<16xf32> to vector<1x16xf32>
    tpu.vector_store %arg28[%swap3A_1989, %swap3A_1990], %swap3A_1993 {strides = array<i32>} : memref<32x128xf32, #tpu.memory_space<vmem>>, vector<1x16xf32>,
    %broadcast_in_dim3A_1994 = arith.constant 0.000000e+00 : f32
    %broadcast_in_dim3A_1995 = vector.broadcast %broadcast_in_dim3A_1994 : f32 to vector<16xf32>
    %swap3A_1996 = arith.constant 30 : i32
    %swap3A_1997 = arith.index_cast %swap3A_1996 : i32 to index
    %swap3A_1998 = arith.constant 80 : index
    %swap3A_1999 = tpu.vector_load %arg28[%swap3A_1997, %swap3A_1998] {strides = array<i32>} : memref<32x128xf32, #tpu.memory_space<vmem>>, vector<1x16xf32>,
    %swap3A_2000 = vector.shape_cast %swap3A_1999 : vector<1x16xf32> to vector<16xf32>
    %swap3A_2001 = vector.shape_cast %broadcast_in_dim3A_1995 : vector<16xf32> to vector<1x16xf32>
    tpu.vector_store %arg28[%swap3A_1997, %swap3A_1998], %swap3A_2001 {strides = array<i32>} : memref<32x128xf32, #tpu.memory_space<vmem>>, vector<1x16xf32>,
    %broadcast_in_dim3A_2002 = arith.constant 0.000000e+00 : f32
    %broadcast_in_dim3A_2003 = vector.broadcast %broadcast_in_dim3A_2002 : f32 to vector<16xf32>
    %swap3A_2004 = arith.constant 30 : i32
    %swap3A_2005 = arith.index_cast %swap3A_2004 : i32 to index
    %swap3A_2006 = arith.constant 96 : index
    %swap3A_2007 = tpu.vector_load %arg28[%swap3A_2005, %swap3A_2006] {strides = array<i32>} : memref<32x128xf32, #tpu.memory_space<vmem>>, vector<1x16xf32>,
    %swap3A_2008 = vector.shape_cast %swap3A_2007 : vector<1x16xf32> to vector<16xf32>
    %swap3A_2009 = vector.shape_cast %broadcast_in_dim3A_2003 : vector<16xf32> to vector<1x16xf32>
    tpu.vector_store %arg28[%swap3A_2005, %swap3A_2006], %swap3A_2009 {strides = array<i32>} : memref<32x128xf32, #tpu.memory_space<vmem>>, vector<1x16xf32>,
    %broadcast_in_dim3A_2010 = arith.constant 0.000000e+00 : f32
    %broadcast_in_dim3A_2011 = vector.broadcast %broadcast_in_dim3A_2010 : f32 to vector<16xf32>
    %swap3A_2012 = arith.constant 30 : i32
    %swap3A_2013 = arith.index_cast %swap3A_2012 : i32 to index
    %swap3A_2014 = arith.constant 112 : index
    %swap3A_2015 = tpu.vector_load %arg28[%swap3A_2013, %swap3A_2014] {strides = array<i32>} : memref<32x128xf32, #tpu.memory_space<vmem>>, vector<1x16xf32>,
    %swap3A_2016 = vector.shape_cast %swap3A_2015 : vector<1x16xf32> to vector<16xf32>
    %swap3A_2017 = vector.shape_cast %broadcast_in_dim3A_2011 : vector<16xf32> to vector<1x16xf32>
    tpu.vector_store %arg28[%swap3A_2013, %swap3A_2014], %swap3A_2017 {strides = array<i32>} : memref<32x128xf32, #tpu.memory_space<vmem>>, vector<1x16xf32>,
    %broadcast_in_dim3A_2018 = arith.constant 0.000000e+00 : f32
    %broadcast_in_dim3A_2019 = vector.broadcast %broadcast_in_dim3A_2018 : f32 to vector<16xf32>
    %swap3A_2020 = arith.constant 31 : i32
    %swap3A_2021 = arith.index_cast %swap3A_2020 : i32 to index
    %swap3A_2022 = arith.constant 0 : index
    %swap3A_2023 = tpu.vector_load %arg28[%swap3A_2021, %swap3A_2022] {strides = array<i32>} : memref<32x128xf32, #tpu.memory_space<vmem>>, vector<1x16xf32>,
    %swap3A_2024 = vector.shape_cast %swap3A_2023 : vector<1x16xf32> to vector<16xf32>
    %swap3A_2025 = vector.shape_cast %broadcast_in_dim3A_2019 : vector<16xf32> to vector<1x16xf32>
    tpu.vector_store %arg28[%swap3A_2021, %swap3A_2022], %swap3A_2025 {strides = array<i32>} : memref<32x128xf32, #tpu.memory_space<vmem>>, vector<1x16xf32>,
    %broadcast_in_dim3A_2026 = arith.constant 0.000000e+00 : f32
    %broadcast_in_dim3A_2027 = vector.broadcast %broadcast_in_dim3A_2026 : f32 to vector<16xf32>
    %swap3A_2028 = arith.constant 31 : i32
    %swap3A_2029 = arith.index_cast %swap3A_2028 : i32 to index
    %swap3A_2030 = arith.constant 16 : index
    %swap3A_2031 = tpu.vector_load %arg28[%swap3A_2029, %swap3A_2030] {strides = array<i32>} : memref<32x128xf32, #tpu.memory_space<vmem>>, vector<1x16xf32>,
    %swap3A_2032 = vector.shape_cast %swap3A_2031 : vector<1x16xf32> to vector<16xf32>
    %swap3A_2033 = vector.shape_cast %broadcast_in_dim3A_2027 : vector<16xf32> to vector<1x16xf32>
    tpu.vector_store %arg28[%swap3A_2029, %swap3A_2030], %swap3A_2033 {strides = array<i32>} : memref<32x128xf32, #tpu.memory_space<vmem>>, vector<1x16xf32>,
    %broadcast_in_dim3A_2034 = arith.constant 0.000000e+00 : f32
    %broadcast_in_dim3A_2035 = vector.broadcast %broadcast_in_dim3A_2034 : f32 to vector<16xf32>
    %swap3A_2036 = arith.constant 31 : i32
    %swap3A_2037 = arith.index_cast %swap3A_2036 : i32 to index
    %swap3A_2038 = arith.constant 32 : index
    %swap3A_2039 = tpu.vector_load %arg28[%swap3A_2037, %swap3A_2038] {strides = array<i32>} : memref<32x128xf32, #tpu.memory_space<vmem>>, vector<1x16xf32>,
    %swap3A_2040 = vector.shape_cast %swap3A_2039 : vector<1x16xf32> to vector<16xf32>
    %swap3A_2041 = vector.shape_cast %broadcast_in_dim3A_2035 : vector<16xf32> to vector<1x16xf32>
    tpu.vector_store %arg28[%swap3A_2037, %swap3A_2038], %swap3A_2041 {strides = array<i32>} : memref<32x128xf32, #tpu.memory_space<vmem>>, vector<1x16xf32>,
    %broadcast_in_dim3A_2042 = arith.constant 0.000000e+00 : f32
    %broadcast_in_dim3A_2043 = vector.broadcast %broadcast_in_dim3A_2042 : f32 to vector<16xf32>
    %swap3A_2044 = arith.constant 31 : i32
    %swap3A_2045 = arith.index_cast %swap3A_2044 : i32 to index
    %swap3A_2046 = arith.constant 48 : index
    %swap3A_2047 = tpu.vector_load %arg28[%swap3A_2045, %swap3A_2046] {strides = array<i32>} : memref<32x128xf32, #tpu.memory_space<vmem>>, vector<1x16xf32>,
    %swap3A_2048 = vector.shape_cast %swap3A_2047 : vector<1x16xf32> to vector<16xf32>
    %swap3A_2049 = vector.shape_cast %broadcast_in_dim3A_2043 : vector<16xf32> to vector<1x16xf32>
    tpu.vector_store %arg28[%swap3A_2045, %swap3A_2046], %swap3A_2049 {strides = array<i32>} : memref<32x128xf32, #tpu.memory_space<vmem>>, vector<1x16xf32>,
    %broadcast_in_dim3A_2050 = arith.constant 0.000000e+00 : f32
    %broadcast_in_dim3A_2051 = vector.broadcast %broadcast_in_dim3A_2050 : f32 to vector<16xf32>
    %swap3A_2052 = arith.constant 31 : i32
    %swap3A_2053 = arith.index_cast %swap3A_2052 : i32 to index
    %swap3A_2054 = arith.constant 64 : index
    %swap3A_2055 = tpu.vector_load %arg28[%swap3A_2053, %swap3A_2054] {strides = array<i32>} : memref<32x128xf32, #tpu.memory_space<vmem>>, vector<1x16xf32>,
    %swap3A_2056 = vector.shape_cast %swap3A_2055 : vector<1x16xf32> to vector<16xf32>
    %swap3A_2057 = vector.shape_cast %broadcast_in_dim3A_2051 : vector<16xf32> to vector<1x16xf32>
    tpu.vector_store %arg28[%swap3A_2053, %swap3A_2054], %swap3A_2057 {strides = array<i32>} : memref<32x128xf32, #tpu.memory_space<vmem>>, vector<1x16xf32>,
    %broadcast_in_dim3A_2058 = arith.constant 0.000000e+00 : f32
    %broadcast_in_dim3A_2059 = vector.broadcast %broadcast_in_dim3A_2058 : f32 to vector<16xf32>
    %swap3A_2060 = arith.constant 31 : i32
    %swap3A_2061 = arith.index_cast %swap3A_2060 : i32 to index
    %swap3A_2062 = arith.constant 80 : index
    %swap3A_2063 = tpu.vector_load %arg28[%swap3A_2061, %swap3A_2062] {strides = array<i32>} : memref<32x128xf32, #tpu.memory_space<vmem>>, vector<1x16xf32>,
    %swap3A_2064 = vector.shape_cast %swap3A_2063 : vector<1x16xf32> to vector<16xf32>
    %swap3A_2065 = vector.shape_cast %broadcast_in_dim3A_2059 : vector<16xf32> to vector<1x16xf32>
    tpu.vector_store %arg28[%swap3A_2061, %swap3A_2062], %swap3A_2065 {strides = array<i32>} : memref<32x128xf32, #tpu.memory_space<vmem>>, vector<1x16xf32>,
    %broadcast_in_dim3A_2066 = arith.constant 0.000000e+00 : f32
    %broadcast_in_dim3A_2067 = vector.broadcast %broadcast_in_dim3A_2066 : f32 to vector<16xf32>
    %swap3A_2068 = arith.constant 31 : i32
    %swap3A_2069 = arith.index_cast %swap3A_2068 : i32 to index
    %swap3A_2070 = arith.constant 96 : index
    %swap3A_2071 = tpu.vector_load %arg28[%swap3A_2069, %swap3A_2070] {strides = array<i32>} : memref<32x128xf32, #tpu.memory_space<vmem>>, vector<1x16xf32>,
    %swap3A_2072 = vector.shape_cast %swap3A_2071 : vector<1x16xf32> to vector<16xf32>
    %swap3A_2073 = vector.shape_cast %broadcast_in_dim3A_2067 : vector<16xf32> to vector<1x16xf32>
    tpu.vector_store %arg28[%swap3A_2069, %swap3A_2070], %swap3A_2073 {strides = array<i32>} : memref<32x128xf32, #tpu.memory_space<vmem>>, vector<1x16xf32>,
    %broadcast_in_dim3A_2074 = arith.constant 0.000000e+00 : f32
    %broadcast_in_dim3A_2075 = vector.broadcast %broadcast_in_dim3A_2074 : f32 to vector<16xf32>
    %swap3A_2076 = arith.constant 31 : i32
    %swap3A_2077 = arith.index_cast %swap3A_2076 : i32 to index
    %swap3A_2078 = arith.constant 112 : index
    %swap3A_2079 = tpu.vector_load %arg28[%swap3A_2077, %swap3A_2078] {strides = array<i32>} : memref<32x128xf32, #tpu.memory_space<vmem>>, vector<1x16xf32>,
    %swap3A_2080 = vector.shape_cast %swap3A_2079 : vector<1x16xf32> to vector<16xf32>
    %swap3A_2081 = vector.shape_cast %broadcast_in_dim3A_2075 : vector<16xf32> to vector<1x16xf32>
    tpu.vector_store %arg28[%swap3A_2077, %swap3A_2078], %swap3A_2081 {strides = array<i32>} : memref<32x128xf32, #tpu.memory_space<vmem>>, vector<1x16xf32>,
    %scan3A = arith.constant 0 : i32
    %scan3A_2082 = arith.constant 0 : i32
    %scan3A_2083 = arith.constant 20 : i32
    %scan3A_2084 = arith.addi %scan3A_2082, %scan3A_2083 : i32
    %scan3A_2085 = arith.constant 1 : i32
    scf.for %scan3A_2102 = %scan3A_2082 to %scan3A_2084 step %scan3A_2085  : i32 {
      %mul3A_2103 = arith.constant 32 : i32
      %mul3A_2104 = arith.muli %scan3A_2102, %mul3A_2103 : i32
      %add3A_2105 = arith.addi %mul3A_2, %mul3A_2104 : i32
      %dma_start3A_2106 = arith.constant 0 : i32
      %dma_start3A_2107 = tpu.memref_slice %arg29[%add3A_2105, %dma_start3A_2106] : memref<10240x128xf32, #tpu.memory_space<vmem_shared>> -> memref<32x128xf32, #tpu.memory_space<vmem_shared>>
      %dma_start3A_2108 = arith.constant 0 : i32
      %dma_start3A_2109 = tpu.memref_slice %arg29[%add3A_2105, %dma_start3A_2108] : memref<10240x128xf32, #tpu.memory_space<vmem_shared>> -> memref<32x128xf32, #tpu.memory_space<vmem_shared>>
      tpu.enqueue_dma source(%arg28 : memref<32x128xf32, #tpu.memory_space<vmem>>) target(%dma_start3A_2109 : memref<32x128xf32, #tpu.memory_space<vmem_shared>>) target_semaphore(%arg18 : memref<!tpu.dma_semaphore, #tpu.memory_space<semaphore_mem>>)
    }
    %scan3A_2086 = arith.constant 20 : i32
    %scan3A_2087 = arith.constant 0 : i32
    %scan3A_2088 = arith.constant 0 : i32
    %scan3A_2089 = arith.constant 20 : i32
    %scan3A_2090 = arith.addi %scan3A_2088, %scan3A_2089 : i32
    %scan3A_2091 = arith.constant 1 : i32
    scf.for %scan3A_2102 = %scan3A_2088 to %scan3A_2090 step %scan3A_2091  : i32 {
      %mul3A_2103 = arith.constant 32 : i32
      %mul3A_2104 = arith.muli %scan3A_2102, %mul3A_2103 : i32
      %add3A_2105 = arith.addi %mul3A_2, %mul3A_2104 : i32
      %dma_wait3A = arith.constant 0 : i32
      %dma_wait3A_2106 = tpu.memref_slice %arg29[%add3A_2105, %dma_wait3A] : memref<10240x128xf32, #tpu.memory_space<vmem_shared>> -> memref<32x128xf32, #tpu.memory_space<vmem_shared>>
      %dma_wait3A_2107 = arith.constant 0 : i32
      %dma_wait3A_2108 = tpu.memref_slice %arg29[%add3A_2105, %dma_wait3A_2107] : memref<10240x128xf32, #tpu.memory_space<vmem_shared>> -> memref<32x128xf32, #tpu.memory_space<vmem_shared>>
      tpu.wait_dma2 semaphore(%arg18 : memref<!tpu.dma_semaphore, #tpu.memory_space<semaphore_mem>>) src(%arg28 : memref<32x128xf32, #tpu.memory_space<vmem>>) dst(%dma_wait3A_2108 : memref<32x128xf32, #tpu.memory_space<vmem_shared>>)
    }
    %scan3A_2092 = arith.constant 20 : i32
    %barrier3A = arith.constant 0 : index
    tpu.barrier barrier_id(%barrier3A)
    %scan3A_2093 = arith.constant 0 : i32
    %scan3A_2094 = arith.constant 0 : i32
    %scan3A_2095 = arith.constant 39 : i32
    %scan3A_2096 = arith.addi %scan3A_2094, %scan3A_2095 : i32
    %scan3A_2097 = arith.constant 1 : i32
    scf.for %scan3A_2102 = %scan3A_2094 to %scan3A_2096 step %scan3A_2097  : i32 {
      %mul3A_2103 = arith.constant 4 : i32
      %mul3A_2104 = arith.muli %mul3A_2103, %scan3A_2102 : i32
      %add3A_2105 = arith.constant 0 : i32
      %add3A_2106 = arith.addi %mul3A_2104, %add3A_2105 : i32
      %mul3A_2107 = arith.constant 64 : i32
      %mul3A_2108 = arith.muli %add3A_2106, %mul3A_2107 : i32
      %add3A_2109 = arith.addi %mul3A_4, %mul3A_2108 : i32
      %dma_wait3A = tpu.memref_slice %arg3[%add3A_2109] : memref<320000xi32, #tpu.memory_space<hbm>> -> memref<64xi32, #tpu.memory_space<hbm>>
      %dma_wait3A_2110 = tpu.memref_slice %arg3[%add3A_2109] : memref<320000xi32, #tpu.memory_space<hbm>> -> memref<64xi32, #tpu.memory_space<hbm>>
      tpu.wait_dma2 semaphore(%arg14 : memref<!tpu.dma_semaphore, #tpu.memory_space<semaphore_mem>>) src(%dma_wait3A_2110 : memref<64xi32, #tpu.memory_space<hbm>>) dst(%arg10 : memref<64xi32, #tpu.memory_space<vmem>>)
      %dma_wait3A_2111 = arith.constant 0 : i32
      %dma_wait3A_2112 = tpu.memref_slice %arg2[%add3A_2109, %dma_wait3A_2111] : memref<320000x128xf32, #tpu.memory_space<hbm>> -> memref<64x128xf32, #tpu.memory_space<hbm>>
      %dma_wait3A_2113 = arith.constant 0 : i32
      %dma_wait3A_2114 = tpu.memref_slice %arg2[%add3A_2109, %dma_wait3A_2113] : memref<320000x128xf32, #tpu.memory_space<hbm>> -> memref<64x128xf32, #tpu.memory_space<hbm>>
      tpu.wait_dma2 semaphore(%arg14 : memref<!tpu.dma_semaphore, #tpu.memory_space<semaphore_mem>>) src(%dma_wait3A_2114 : memref<64x128xf32, #tpu.memory_space<hbm>>) dst(%arg6 : memref<64x128xf32, #tpu.memory_space<vmem>>)
      %dma_start3A_2115 = arith.constant 0 : i32
      %dma_start3A_2116 = arith.constant 0 : i32
      %dma_start3A_2117 = tpu.memref_slice %arg29[%dma_start3A_2115, %dma_start3A_2116] : memref<10240x128xf32, #tpu.memory_space<vmem_shared>> -> memref<10240x128xf32, #tpu.memory_space<vmem_shared>>
      tpu.enqueue_indirect_dma source(%arg6 : memref<64x128xf32, #tpu.memory_space<vmem>>) target(%dma_start3A_2117 : memref<10240x128xf32, #tpu.memory_space<vmem_shared>>) offsets(%arg10 : memref<64xi32, #tpu.memory_space<vmem>>) semaphore(%arg18 : memref<!tpu.dma_semaphore, #tpu.memory_space<semaphore_mem>>) {add = true}
      %add3A_2118 = arith.constant 0 : i32
      %add3A_2119 = arith.addi %mul3A_2104, %add3A_2118 : i32
      %mul3A_2120 = arith.constant 64 : i32
      %mul3A_2121 = arith.muli %add3A_2119, %mul3A_2120 : i32
      %add3A_2122 = arith.addi %mul3A_4, %mul3A_2121 : i32
      %dma_start3A_2123 = arith.constant 0 : i32
      %dma_start3A_2124 = tpu.memref_slice %arg5[%add3A_2122, %dma_start3A_2123] : memref<320000x128xf32, #tpu.memory_space<hbm>> -> memref<64x128xf32, #tpu.memory_space<hbm>>
      %dma_start3A_2125 = arith.constant 0 : i32
      %dma_start3A_2126 = tpu.memref_slice %arg5[%add3A_2122, %dma_start3A_2125] : memref<320000x128xf32, #tpu.memory_space<hbm>> -> memref<64x128xf32, #tpu.memory_space<hbm>>
      tpu.enqueue_dma source(%arg6 : memref<64x128xf32, #tpu.memory_space<vmem>>) target(%dma_start3A_2126 : memref<64x128xf32, #tpu.memory_space<hbm>>) target_semaphore(%arg22 : memref<!tpu.dma_semaphore, #tpu.memory_space<semaphore_mem>>)
      %add3A_2127 = arith.constant 1 : i32
      %add3A_2128 = arith.addi %mul3A_2104, %add3A_2127 : i32
      %mul3A_2129 = arith.constant 64 : i32
      %mul3A_2130 = arith.muli %add3A_2128, %mul3A_2129 : i32
      %add3A_2131 = arith.addi %mul3A_4, %mul3A_2130 : i32
      %dma_wait3A_2132 = tpu.memref_slice %arg3[%add3A_2131] : memref<320000xi32, #tpu.memory_space<hbm>> -> memref<64xi32, #tpu.memory_space<hbm>>
      %dma_wait3A_2133 = tpu.memref_slice %arg3[%add3A_2131] : memref<320000xi32, #tpu.memory_space<hbm>> -> memref<64xi32, #tpu.memory_space<hbm>>
      tpu.wait_dma2 semaphore(%arg15 : memref<!tpu.dma_semaphore, #tpu.memory_space<semaphore_mem>>) src(%dma_wait3A_2133 : memref<64xi32, #tpu.memory_space<hbm>>) dst(%arg11 : memref<64xi32, #tpu.memory_space<vmem>>)
      %dma_wait3A_2134 = arith.constant 0 : i32
      %dma_wait3A_2135 = tpu.memref_slice %arg2[%add3A_2131, %dma_wait3A_2134] : memref<320000x128xf32, #tpu.memory_space<hbm>> -> memref<64x128xf32, #tpu.memory_space<hbm>>
      %dma_wait3A_2136 = arith.constant 0 : i32
      %dma_wait3A_2137 = tpu.memref_slice %arg2[%add3A_2131, %dma_wait3A_2136] : memref<320000x128xf32, #tpu.memory_space<hbm>> -> memref<64x128xf32, #tpu.memory_space<hbm>>
      tpu.wait_dma2 semaphore(%arg15 : memref<!tpu.dma_semaphore, #tpu.memory_space<semaphore_mem>>) src(%dma_wait3A_2137 : memref<64x128xf32, #tpu.memory_space<hbm>>) dst(%arg7 : memref<64x128xf32, #tpu.memory_space<vmem>>)
      %dma_start3A_2138 = arith.constant 0 : i32
      %dma_start3A_2139 = arith.constant 0 : i32
      %dma_start3A_2140 = tpu.memref_slice %arg29[%dma_start3A_2138, %dma_start3A_2139] : memref<10240x128xf32, #tpu.memory_space<vmem_shared>> -> memref<10240x128xf32, #tpu.memory_space<vmem_shared>>
      tpu.enqueue_indirect_dma source(%arg7 : memref<64x128xf32, #tpu.memory_space<vmem>>) target(%dma_start3A_2140 : memref<10240x128xf32, #tpu.memory_space<vmem_shared>>) offsets(%arg11 : memref<64xi32, #tpu.memory_space<vmem>>) semaphore(%arg19 : memref<!tpu.dma_semaphore, #tpu.memory_space<semaphore_mem>>) {add = true}
      %add3A_2141 = arith.constant 1 : i32
      %add3A_2142 = arith.addi %mul3A_2104, %add3A_2141 : i32
      %mul3A_2143 = arith.constant 64 : i32
      %mul3A_2144 = arith.muli %add3A_2142, %mul3A_2143 : i32
      %add3A_2145 = arith.addi %mul3A_4, %mul3A_2144 : i32
      %dma_start3A_2146 = arith.constant 0 : i32
      %dma_start3A_2147 = tpu.memref_slice %arg5[%add3A_2145, %dma_start3A_2146] : memref<320000x128xf32, #tpu.memory_space<hbm>> -> memref<64x128xf32, #tpu.memory_space<hbm>>
      %dma_start3A_2148 = arith.constant 0 : i32
      %dma_start3A_2149 = tpu.memref_slice %arg5[%add3A_2145, %dma_start3A_2148] : memref<320000x128xf32, #tpu.memory_space<hbm>> -> memref<64x128xf32, #tpu.memory_space<hbm>>
      tpu.enqueue_dma source(%arg7 : memref<64x128xf32, #tpu.memory_space<vmem>>) target(%dma_start3A_2149 : memref<64x128xf32, #tpu.memory_space<hbm>>) target_semaphore(%arg23 : memref<!tpu.dma_semaphore, #tpu.memory_space<semaphore_mem>>)
      %add3A_2150 = arith.constant 2 : i32
      %add3A_2151 = arith.addi %mul3A_2104, %add3A_2150 : i32
      %mul3A_2152 = arith.constant 64 : i32
      %mul3A_2153 = arith.muli %add3A_2151, %mul3A_2152 : i32
      %add3A_2154 = arith.addi %mul3A_4, %mul3A_2153 : i32
      %dma_wait3A_2155 = tpu.memref_slice %arg3[%add3A_2154] : memref<320000xi32, #tpu.memory_space<hbm>> -> memref<64xi32, #tpu.memory_space<hbm>>
      %dma_wait3A_2156 = tpu.memref_slice %arg3[%add3A_2154] : memref<320000xi32, #tpu.memory_space<hbm>> -> memref<64xi32, #tpu.memory_space<hbm>>
      tpu.wait_dma2 semaphore(%arg16 : memref<!tpu.dma_semaphore, #tpu.memory_space<semaphore_mem>>) src(%dma_wait3A_2156 : memref<64xi32, #tpu.memory_space<hbm>>) dst(%arg12 : memref<64xi32, #tpu.memory_space<vmem>>)
      %dma_wait3A_2157 = arith.constant 0 : i32
      %dma_wait3A_2158 = tpu.memref_slice %arg2[%add3A_2154, %dma_wait3A_2157] : memref<320000x128xf32, #tpu.memory_space<hbm>> -> memref<64x128xf32, #tpu.memory_space<hbm>>
      %dma_wait3A_2159 = arith.constant 0 : i32
      %dma_wait3A_2160 = tpu.memref_slice %arg2[%add3A_2154, %dma_wait3A_2159] : memref<320000x128xf32, #tpu.memory_space<hbm>> -> memref<64x128xf32, #tpu.memory_space<hbm>>
      tpu.wait_dma2 semaphore(%arg16 : memref<!tpu.dma_semaphore, #tpu.memory_space<semaphore_mem>>) src(%dma_wait3A_2160 : memref<64x128xf32, #tpu.memory_space<hbm>>) dst(%arg8 : memref<64x128xf32, #tpu.memory_space<vmem>>)
      %dma_start3A_2161 = arith.constant 0 : i32
      %dma_start3A_2162 = arith.constant 0 : i32
      %dma_start3A_2163 = tpu.memref_slice %arg29[%dma_start3A_2161, %dma_start3A_2162] : memref<10240x128xf32, #tpu.memory_space<vmem_shared>> -> memref<10240x128xf32, #tpu.memory_space<vmem_shared>>
      tpu.enqueue_indirect_dma source(%arg8 : memref<64x128xf32, #tpu.memory_space<vmem>>) target(%dma_start3A_2163 : memref<10240x128xf32, #tpu.memory_space<vmem_shared>>) offsets(%arg12 : memref<64xi32, #tpu.memory_space<vmem>>) semaphore(%arg20 : memref<!tpu.dma_semaphore, #tpu.memory_space<semaphore_mem>>) {add = true}
      %add3A_2164 = arith.constant 2 : i32
      %add3A_2165 = arith.addi %mul3A_2104, %add3A_2164 : i32
      %mul3A_2166 = arith.constant 64 : i32
      %mul3A_2167 = arith.muli %add3A_2165, %mul3A_2166 : i32
      %add3A_2168 = arith.addi %mul3A_4, %mul3A_2167 : i32
      %dma_start3A_2169 = arith.constant 0 : i32
      %dma_start3A_2170 = tpu.memref_slice %arg5[%add3A_2168, %dma_start3A_2169] : memref<320000x128xf32, #tpu.memory_space<hbm>> -> memref<64x128xf32, #tpu.memory_space<hbm>>
      %dma_start3A_2171 = arith.constant 0 : i32
      %dma_start3A_2172 = tpu.memref_slice %arg5[%add3A_2168, %dma_start3A_2171] : memref<320000x128xf32, #tpu.memory_space<hbm>> -> memref<64x128xf32, #tpu.memory_space<hbm>>
      tpu.enqueue_dma source(%arg8 : memref<64x128xf32, #tpu.memory_space<vmem>>) target(%dma_start3A_2172 : memref<64x128xf32, #tpu.memory_space<hbm>>) target_semaphore(%arg24 : memref<!tpu.dma_semaphore, #tpu.memory_space<semaphore_mem>>)
      %add3A_2173 = arith.constant 3 : i32
      %add3A_2174 = arith.addi %mul3A_2104, %add3A_2173 : i32
      %mul3A_2175 = arith.constant 64 : i32
      %mul3A_2176 = arith.muli %add3A_2174, %mul3A_2175 : i32
      %add3A_2177 = arith.addi %mul3A_4, %mul3A_2176 : i32
      %dma_wait3A_2178 = tpu.memref_slice %arg3[%add3A_2177] : memref<320000xi32, #tpu.memory_space<hbm>> -> memref<64xi32, #tpu.memory_space<hbm>>
      %dma_wait3A_2179 = tpu.memref_slice %arg3[%add3A_2177] : memref<320000xi32, #tpu.memory_space<hbm>> -> memref<64xi32, #tpu.memory_space<hbm>>
      tpu.wait_dma2 semaphore(%arg17 : memref<!tpu.dma_semaphore, #tpu.memory_space<semaphore_mem>>) src(%dma_wait3A_2179 : memref<64xi32, #tpu.memory_space<hbm>>) dst(%arg13 : memref<64xi32, #tpu.memory_space<vmem>>)
      %dma_wait3A_2180 = arith.constant 0 : i32
      %dma_wait3A_2181 = tpu.memref_slice %arg2[%add3A_2177, %dma_wait3A_2180] : memref<320000x128xf32, #tpu.memory_space<hbm>> -> memref<64x128xf32, #tpu.memory_space<hbm>>
      %dma_wait3A_2182 = arith.constant 0 : i32
      %dma_wait3A_2183 = tpu.memref_slice %arg2[%add3A_2177, %dma_wait3A_2182] : memref<320000x128xf32, #tpu.memory_space<hbm>> -> memref<64x128xf32, #tpu.memory_space<hbm>>
      tpu.wait_dma2 semaphore(%arg17 : memref<!tpu.dma_semaphore, #tpu.memory_space<semaphore_mem>>) src(%dma_wait3A_2183 : memref<64x128xf32, #tpu.memory_space<hbm>>) dst(%arg9 : memref<64x128xf32, #tpu.memory_space<vmem>>)
      %dma_start3A_2184 = arith.constant 0 : i32
      %dma_start3A_2185 = arith.constant 0 : i32
      %dma_start3A_2186 = tpu.memref_slice %arg29[%dma_start3A_2184, %dma_start3A_2185] : memref<10240x128xf32, #tpu.memory_space<vmem_shared>> -> memref<10240x128xf32, #tpu.memory_space<vmem_shared>>
      tpu.enqueue_indirect_dma source(%arg9 : memref<64x128xf32, #tpu.memory_space<vmem>>) target(%dma_start3A_2186 : memref<10240x128xf32, #tpu.memory_space<vmem_shared>>) offsets(%arg13 : memref<64xi32, #tpu.memory_space<vmem>>) semaphore(%arg21 : memref<!tpu.dma_semaphore, #tpu.memory_space<semaphore_mem>>) {add = true}
      %add3A_2187 = arith.constant 3 : i32
      %add3A_2188 = arith.addi %mul3A_2104, %add3A_2187 : i32
      %mul3A_2189 = arith.constant 64 : i32
      %mul3A_2190 = arith.muli %add3A_2188, %mul3A_2189 : i32
      %add3A_2191 = arith.addi %mul3A_4, %mul3A_2190 : i32
      %dma_start3A_2192 = arith.constant 0 : i32
      %dma_start3A_2193 = tpu.memref_slice %arg5[%add3A_2191, %dma_start3A_2192] : memref<320000x128xf32, #tpu.memory_space<hbm>> -> memref<64x128xf32, #tpu.memory_space<hbm>>
      %dma_start3A_2194 = arith.constant 0 : i32
      %dma_start3A_2195 = tpu.memref_slice %arg5[%add3A_2191, %dma_start3A_2194] : memref<320000x128xf32, #tpu.memory_space<hbm>> -> memref<64x128xf32, #tpu.memory_space<hbm>>
      tpu.enqueue_dma source(%arg9 : memref<64x128xf32, #tpu.memory_space<vmem>>) target(%dma_start3A_2195 : memref<64x128xf32, #tpu.memory_space<hbm>>) target_semaphore(%arg25 : memref<!tpu.dma_semaphore, #tpu.memory_space<semaphore_mem>>)
      %dma_wait3A_2196 = arith.constant 0 : i32
      %dma_wait3A_2197 = arith.constant 0 : i32
      %dma_wait3A_2198 = tpu.memref_slice %arg29[%dma_wait3A_2196, %dma_wait3A_2197] : memref<10240x128xf32, #tpu.memory_space<vmem_shared>> -> memref<10240x128xf32, #tpu.memory_space<vmem_shared>>
      tpu.wait_indirect_dma semaphore(%arg18 : memref<!tpu.dma_semaphore, #tpu.memory_space<semaphore_mem>>) src(%arg6 : memref<64x128xf32, #tpu.memory_space<vmem>>) dst(%dma_wait3A_2198 : memref<10240x128xf32, #tpu.memory_space<vmem_shared>>)
      %add3A_2199 = arith.constant 0 : i32
      %add3A_2200 = arith.addi %mul3A_2104, %add3A_2199 : i32
      %mul3A_2201 = arith.constant 64 : i32
      %mul3A_2202 = arith.muli %add3A_2200, %mul3A_2201 : i32
      %add3A_2203 = arith.addi %mul3A_4, %mul3A_2202 : i32
      %dma_wait3A_2204 = arith.constant 0 : i32
      %dma_wait3A_2205 = tpu.memref_slice %arg5[%add3A_2203, %dma_wait3A_2204] : memref<320000x128xf32, #tpu.memory_space<hbm>> -> memref<64x128xf32, #tpu.memory_space<hbm>>
      %dma_wait3A_2206 = arith.constant 0 : i32
      %dma_wait3A_2207 = tpu.memref_slice %arg5[%add3A_2203, %dma_wait3A_2206] : memref<320000x128xf32, #tpu.memory_space<hbm>> -> memref<64x128xf32, #tpu.memory_space<hbm>>
      tpu.wait_dma2 semaphore(%arg22 : memref<!tpu.dma_semaphore, #tpu.memory_space<semaphore_mem>>) src(%arg6 : memref<64x128xf32, #tpu.memory_space<vmem>>) dst(%dma_wait3A_2207 : memref<64x128xf32, #tpu.memory_space<hbm>>)
      %add3A_2208 = arith.constant 0 : i32
      %add3A_2209 = arith.addi %mul3A_2104, %add3A_2208 : i32
      %add3A_2210 = arith.constant 4 : i32
      %add3A_2211 = arith.addi %add3A_2209, %add3A_2210 : i32
      %lt3A = arith.constant 156 : i32
      %lt3A_2212 = arith.cmpi slt, %add3A_2211, %lt3A : i32
      %convert_element_type3A = arith.extui %lt3A_2212 : i1 to i32
      %cond3A = arith.constant 0 : i32
      %cond3A_2213 = arith.cmpi ne, %convert_element_type3A, %cond3A : i32
      scf.if %cond3A_2213 {
        %add3A_2277 = arith.constant 0 : i32
        %add3A_2278 = arith.addi %mul3A_2104, %add3A_2277 : i32
        %add3A_2279 = arith.constant 4 : i32
        %add3A_2280 = arith.addi %add3A_2278, %add3A_2279 : i32
        %mul3A_2281 = arith.constant 64 : i32
        %mul3A_2282 = arith.muli %add3A_2280, %mul3A_2281 : i32
        %add3A_2283 = arith.addi %mul3A_4, %mul3A_2282 : i32
        %dma_start3A_2284 = tpu.memref_slice %arg3[%add3A_2283] : memref<320000xi32, #tpu.memory_space<hbm>> -> memref<64xi32, #tpu.memory_space<hbm>>
        %dma_start3A_2285 = tpu.memref_slice %arg3[%add3A_2283] : memref<320000xi32, #tpu.memory_space<hbm>> -> memref<64xi32, #tpu.memory_space<hbm>>
        tpu.enqueue_dma source(%dma_start3A_2285 : memref<64xi32, #tpu.memory_space<hbm>>) target(%arg10 : memref<64xi32, #tpu.memory_space<vmem>>) target_semaphore(%arg14 : memref<!tpu.dma_semaphore, #tpu.memory_space<semaphore_mem>>)
        %dma_start3A_2286 = arith.constant 0 : i32
        %dma_start3A_2287 = tpu.memref_slice %arg2[%add3A_2283, %dma_start3A_2286] : memref<320000x128xf32, #tpu.memory_space<hbm>> -> memref<64x128xf32, #tpu.memory_space<hbm>>
        %dma_start3A_2288 = arith.constant 0 : i32
        %dma_start3A_2289 = tpu.memref_slice %arg2[%add3A_2283, %dma_start3A_2288] : memref<320000x128xf32, #tpu.memory_space<hbm>> -> memref<64x128xf32, #tpu.memory_space<hbm>>
        tpu.enqueue_dma source(%dma_start3A_2289 : memref<64x128xf32, #tpu.memory_space<hbm>>) target(%arg6 : memref<64x128xf32, #tpu.memory_space<vmem>>) target_semaphore(%arg14 : memref<!tpu.dma_semaphore, #tpu.memory_space<semaphore_mem>>)
      } else {
      }
      %dma_wait3A_2214 = arith.constant 0 : i32
      %dma_wait3A_2215 = arith.constant 0 : i32
      %dma_wait3A_2216 = tpu.memref_slice %arg29[%dma_wait3A_2214, %dma_wait3A_2215] : memref<10240x128xf32, #tpu.memory_space<vmem_shared>> -> memref<10240x128xf32, #tpu.memory_space<vmem_shared>>
      tpu.wait_indirect_dma semaphore(%arg19 : memref<!tpu.dma_semaphore, #tpu.memory_space<semaphore_mem>>) src(%arg7 : memref<64x128xf32, #tpu.memory_space<vmem>>) dst(%dma_wait3A_2216 : memref<10240x128xf32, #tpu.memory_space<vmem_shared>>)
      %add3A_2217 = arith.constant 1 : i32
      %add3A_2218 = arith.addi %mul3A_2104, %add3A_2217 : i32
      %mul3A_2219 = arith.constant 64 : i32
      %mul3A_2220 = arith.muli %add3A_2218, %mul3A_2219 : i32
      %add3A_2221 = arith.addi %mul3A_4, %mul3A_2220 : i32
      %dma_wait3A_2222 = arith.constant 0 : i32
      %dma_wait3A_2223 = tpu.memref_slice %arg5[%add3A_2221, %dma_wait3A_2222] : memref<320000x128xf32, #tpu.memory_space<hbm>> -> memref<64x128xf32, #tpu.memory_space<hbm>>
      %dma_wait3A_2224 = arith.constant 0 : i32
      %dma_wait3A_2225 = tpu.memref_slice %arg5[%add3A_2221, %dma_wait3A_2224] : memref<320000x128xf32, #tpu.memory_space<hbm>> -> memref<64x128xf32, #tpu.memory_space<hbm>>
      tpu.wait_dma2 semaphore(%arg23 : memref<!tpu.dma_semaphore, #tpu.memory_space<semaphore_mem>>) src(%arg7 : memref<64x128xf32, #tpu.memory_space<vmem>>) dst(%dma_wait3A_2225 : memref<64x128xf32, #tpu.memory_space<hbm>>)
      %add3A_2226 = arith.constant 1 : i32
      %add3A_2227 = arith.addi %mul3A_2104, %add3A_2226 : i32
      %add3A_2228 = arith.constant 4 : i32
      %add3A_2229 = arith.addi %add3A_2227, %add3A_2228 : i32
      %lt3A_2230 = arith.constant 156 : i32
      %lt3A_2231 = arith.cmpi slt, %add3A_2229, %lt3A_2230 : i32
      %convert_element_type3A_2232 = arith.extui %lt3A_2231 : i1 to i32
      %cond3A_2233 = arith.constant 0 : i32
      %cond3A_2234 = arith.cmpi ne, %convert_element_type3A_2232, %cond3A_2233 : i32
      scf.if %cond3A_2234 {
        %add3A_2277 = arith.constant 1 : i32
        %add3A_2278 = arith.addi %mul3A_2104, %add3A_2277 : i32
        %add3A_2279 = arith.constant 4 : i32
        %add3A_2280 = arith.addi %add3A_2278, %add3A_2279 : i32
        %mul3A_2281 = arith.constant 64 : i32
        %mul3A_2282 = arith.muli %add3A_2280, %mul3A_2281 : i32
        %add3A_2283 = arith.addi %mul3A_4, %mul3A_2282 : i32
        %dma_start3A_2284 = tpu.memref_slice %arg3[%add3A_2283] : memref<320000xi32, #tpu.memory_space<hbm>> -> memref<64xi32, #tpu.memory_space<hbm>>
        %dma_start3A_2285 = tpu.memref_slice %arg3[%add3A_2283] : memref<320000xi32, #tpu.memory_space<hbm>> -> memref<64xi32, #tpu.memory_space<hbm>>
        tpu.enqueue_dma source(%dma_start3A_2285 : memref<64xi32, #tpu.memory_space<hbm>>) target(%arg11 : memref<64xi32, #tpu.memory_space<vmem>>) target_semaphore(%arg15 : memref<!tpu.dma_semaphore, #tpu.memory_space<semaphore_mem>>)
        %dma_start3A_2286 = arith.constant 0 : i32
        %dma_start3A_2287 = tpu.memref_slice %arg2[%add3A_2283, %dma_start3A_2286] : memref<320000x128xf32, #tpu.memory_space<hbm>> -> memref<64x128xf32, #tpu.memory_space<hbm>>
        %dma_start3A_2288 = arith.constant 0 : i32
        %dma_start3A_2289 = tpu.memref_slice %arg2[%add3A_2283, %dma_start3A_2288] : memref<320000x128xf32, #tpu.memory_space<hbm>> -> memref<64x128xf32, #tpu.memory_space<hbm>>
        tpu.enqueue_dma source(%dma_start3A_2289 : memref<64x128xf32, #tpu.memory_space<hbm>>) target(%arg7 : memref<64x128xf32, #tpu.memory_space<vmem>>) target_semaphore(%arg15 : memref<!tpu.dma_semaphore, #tpu.memory_space<semaphore_mem>>)
      } else {
      }
      %dma_wait3A_2235 = arith.constant 0 : i32
      %dma_wait3A_2236 = arith.constant 0 : i32
      %dma_wait3A_2237 = tpu.memref_slice %arg29[%dma_wait3A_2235, %dma_wait3A_2236] : memref<10240x128xf32, #tpu.memory_space<vmem_shared>> -> memref<10240x128xf32, #tpu.memory_space<vmem_shared>>
      tpu.wait_indirect_dma semaphore(%arg20 : memref<!tpu.dma_semaphore, #tpu.memory_space<semaphore_mem>>) src(%arg8 : memref<64x128xf32, #tpu.memory_space<vmem>>) dst(%dma_wait3A_2237 : memref<10240x128xf32, #tpu.memory_space<vmem_shared>>)
      %add3A_2238 = arith.constant 2 : i32
      %add3A_2239 = arith.addi %mul3A_2104, %add3A_2238 : i32
      %mul3A_2240 = arith.constant 64 : i32
      %mul3A_2241 = arith.muli %add3A_2239, %mul3A_2240 : i32
      %add3A_2242 = arith.addi %mul3A_4, %mul3A_2241 : i32
      %dma_wait3A_2243 = arith.constant 0 : i32
      %dma_wait3A_2244 = tpu.memref_slice %arg5[%add3A_2242, %dma_wait3A_2243] : memref<320000x128xf32, #tpu.memory_space<hbm>> -> memref<64x128xf32, #tpu.memory_space<hbm>>
      %dma_wait3A_2245 = arith.constant 0 : i32
      %dma_wait3A_2246 = tpu.memref_slice %arg5[%add3A_2242, %dma_wait3A_2245] : memref<320000x128xf32, #tpu.memory_space<hbm>> -> memref<64x128xf32, #tpu.memory_space<hbm>>
      tpu.wait_dma2 semaphore(%arg24 : memref<!tpu.dma_semaphore, #tpu.memory_space<semaphore_mem>>) src(%arg8 : memref<64x128xf32, #tpu.memory_space<vmem>>) dst(%dma_wait3A_2246 : memref<64x128xf32, #tpu.memory_space<hbm>>)
      %add3A_2247 = arith.constant 2 : i32
      %add3A_2248 = arith.addi %mul3A_2104, %add3A_2247 : i32
      %add3A_2249 = arith.constant 4 : i32
      %add3A_2250 = arith.addi %add3A_2248, %add3A_2249 : i32
      %lt3A_2251 = arith.constant 156 : i32
      %lt3A_2252 = arith.cmpi slt, %add3A_2250, %lt3A_2251 : i32
      %convert_element_type3A_2253 = arith.extui %lt3A_2252 : i1 to i32
      %cond3A_2254 = arith.constant 0 : i32
      %cond3A_2255 = arith.cmpi ne, %convert_element_type3A_2253, %cond3A_2254 : i32
      scf.if %cond3A_2255 {
        %add3A_2277 = arith.constant 2 : i32
        %add3A_2278 = arith.addi %mul3A_2104, %add3A_2277 : i32
        %add3A_2279 = arith.constant 4 : i32
        %add3A_2280 = arith.addi %add3A_2278, %add3A_2279 : i32
        %mul3A_2281 = arith.constant 64 : i32
        %mul3A_2282 = arith.muli %add3A_2280, %mul3A_2281 : i32
        %add3A_2283 = arith.addi %mul3A_4, %mul3A_2282 : i32
        %dma_start3A_2284 = tpu.memref_slice %arg3[%add3A_2283] : memref<320000xi32, #tpu.memory_space<hbm>> -> memref<64xi32, #tpu.memory_space<hbm>>
        %dma_start3A_2285 = tpu.memref_slice %arg3[%add3A_2283] : memref<320000xi32, #tpu.memory_space<hbm>> -> memref<64xi32, #tpu.memory_space<hbm>>
        tpu.enqueue_dma source(%dma_start3A_2285 : memref<64xi32, #tpu.memory_space<hbm>>) target(%arg12 : memref<64xi32, #tpu.memory_space<vmem>>) target_semaphore(%arg16 : memref<!tpu.dma_semaphore, #tpu.memory_space<semaphore_mem>>)
        %dma_start3A_2286 = arith.constant 0 : i32
        %dma_start3A_2287 = tpu.memref_slice %arg2[%add3A_2283, %dma_start3A_2286] : memref<320000x128xf32, #tpu.memory_space<hbm>> -> memref<64x128xf32, #tpu.memory_space<hbm>>
        %dma_start3A_2288 = arith.constant 0 : i32
        %dma_start3A_2289 = tpu.memref_slice %arg2[%add3A_2283, %dma_start3A_2288] : memref<320000x128xf32, #tpu.memory_space<hbm>> -> memref<64x128xf32, #tpu.memory_space<hbm>>
        tpu.enqueue_dma source(%dma_start3A_2289 : memref<64x128xf32, #tpu.memory_space<hbm>>) target(%arg8 : memref<64x128xf32, #tpu.memory_space<vmem>>) target_semaphore(%arg16 : memref<!tpu.dma_semaphore, #tpu.memory_space<semaphore_mem>>)
      } else {
      }
      %dma_wait3A_2256 = arith.constant 0 : i32
      %dma_wait3A_2257 = arith.constant 0 : i32
      %dma_wait3A_2258 = tpu.memref_slice %arg29[%dma_wait3A_2256, %dma_wait3A_2257] : memref<10240x128xf32, #tpu.memory_space<vmem_shared>> -> memref<10240x128xf32, #tpu.memory_space<vmem_shared>>
      tpu.wait_indirect_dma semaphore(%arg21 : memref<!tpu.dma_semaphore, #tpu.memory_space<semaphore_mem>>) src(%arg9 : memref<64x128xf32, #tpu.memory_space<vmem>>) dst(%dma_wait3A_2258 : memref<10240x128xf32, #tpu.memory_space<vmem_shared>>)
      %add3A_2259 = arith.constant 3 : i32
      %add3A_2260 = arith.addi %mul3A_2104, %add3A_2259 : i32
      %mul3A_2261 = arith.constant 64 : i32
      %mul3A_2262 = arith.muli %add3A_2260, %mul3A_2261 : i32
      %add3A_2263 = arith.addi %mul3A_4, %mul3A_2262 : i32
      %dma_wait3A_2264 = arith.constant 0 : i32
      %dma_wait3A_2265 = tpu.memref_slice %arg5[%add3A_2263, %dma_wait3A_2264] : memref<320000x128xf32, #tpu.memory_space<hbm>> -> memref<64x128xf32, #tpu.memory_space<hbm>>
      %dma_wait3A_2266 = arith.constant 0 : i32
      %dma_wait3A_2267 = tpu.memref_slice %arg5[%add3A_2263, %dma_wait3A_2266] : memref<320000x128xf32, #tpu.memory_space<hbm>> -> memref<64x128xf32, #tpu.memory_space<hbm>>
      tpu.wait_dma2 semaphore(%arg25 : memref<!tpu.dma_semaphore, #tpu.memory_space<semaphore_mem>>) src(%arg9 : memref<64x128xf32, #tpu.memory_space<vmem>>) dst(%dma_wait3A_2267 : memref<64x128xf32, #tpu.memory_space<hbm>>)
      %add3A_2268 = arith.constant 3 : i32
      %add3A_2269 = arith.addi %mul3A_2104, %add3A_2268 : i32
      %add3A_2270 = arith.constant 4 : i32
      %add3A_2271 = arith.addi %add3A_2269, %add3A_2270 : i32
      %lt3A_2272 = arith.constant 156 : i32
      %lt3A_2273 = arith.cmpi slt, %add3A_2271, %lt3A_2272 : i32
      %convert_element_type3A_2274 = arith.extui %lt3A_2273 : i1 to i32
      %cond3A_2275 = arith.constant 0 : i32
      %cond3A_2276 = arith.cmpi ne, %convert_element_type3A_2274, %cond3A_2275 : i32
      scf.if %cond3A_2276 {
        %add3A_2277 = arith.constant 3 : i32
        %add3A_2278 = arith.addi %mul3A_2104, %add3A_2277 : i32
        %add3A_2279 = arith.constant 4 : i32
        %add3A_2280 = arith.addi %add3A_2278, %add3A_2279 : i32
        %mul3A_2281 = arith.constant 64 : i32
        %mul3A_2282 = arith.muli %add3A_2280, %mul3A_2281 : i32
        %add3A_2283 = arith.addi %mul3A_4, %mul3A_2282 : i32
        %dma_start3A_2284 = tpu.memref_slice %arg3[%add3A_2283] : memref<320000xi32, #tpu.memory_space<hbm>> -> memref<64xi32, #tpu.memory_space<hbm>>
        %dma_start3A_2285 = tpu.memref_slice %arg3[%add3A_2283] : memref<320000xi32, #tpu.memory_space<hbm>> -> memref<64xi32, #tpu.memory_space<hbm>>
        tpu.enqueue_dma source(%dma_start3A_2285 : memref<64xi32, #tpu.memory_space<hbm>>) target(%arg13 : memref<64xi32, #tpu.memory_space<vmem>>) target_semaphore(%arg17 : memref<!tpu.dma_semaphore, #tpu.memory_space<semaphore_mem>>)
        %dma_start3A_2286 = arith.constant 0 : i32
        %dma_start3A_2287 = tpu.memref_slice %arg2[%add3A_2283, %dma_start3A_2286] : memref<320000x128xf32, #tpu.memory_space<hbm>> -> memref<64x128xf32, #tpu.memory_space<hbm>>
        %dma_start3A_2288 = arith.constant 0 : i32
        %dma_start3A_2289 = tpu.memref_slice %arg2[%add3A_2283, %dma_start3A_2288] : memref<320000x128xf32, #tpu.memory_space<hbm>> -> memref<64x128xf32, #tpu.memory_space<hbm>>
        tpu.enqueue_dma source(%dma_start3A_2289 : memref<64x128xf32, #tpu.memory_space<hbm>>) target(%arg9 : memref<64x128xf32, #tpu.memory_space<vmem>>) target_semaphore(%arg17 : memref<!tpu.dma_semaphore, #tpu.memory_space<semaphore_mem>>)
      } else {
      }
    }
    %scan3A_2098 = arith.constant 39 : i32
    %add3A_2099 = arith.constant 9984 : i32
    %add3A_2100 = arith.addi %mul3A_4, %add3A_2099 : i32
    "tpu.region"() ({
      %run_scoped3A = tpu.sem_alloc : memref<!tpu.dma_semaphore, #tpu.memory_space<semaphore_mem>>
      %dma_start3A_2102 = tpu.memref_slice %arg3[%add3A_2100] : memref<320000xi32, #tpu.memory_space<hbm>> -> memref<16xi32, #tpu.memory_space<hbm>>
      %dma_start3A_2103 = tpu.memref_slice %arg3[%add3A_2100] : memref<320000xi32, #tpu.memory_space<hbm>> -> memref<16xi32, #tpu.memory_space<hbm>>
      tpu.enqueue_dma source(%dma_start3A_2103 : memref<16xi32, #tpu.memory_space<hbm>>) target(%arg27 : memref<16xi32, #tpu.memory_space<vmem>>) target_semaphore(%run_scoped3A : memref<!tpu.dma_semaphore, #tpu.memory_space<semaphore_mem>>)
      %dma_wait3A = tpu.memref_slice %arg3[%add3A_2100] : memref<320000xi32, #tpu.memory_space<hbm>> -> memref<16xi32, #tpu.memory_space<hbm>>
      %dma_wait3A_2104 = tpu.memref_slice %arg3[%add3A_2100] : memref<320000xi32, #tpu.memory_space<hbm>> -> memref<16xi32, #tpu.memory_space<hbm>>
      tpu.wait_dma2 semaphore(%run_scoped3A : memref<!tpu.dma_semaphore, #tpu.memory_space<semaphore_mem>>) src(%dma_wait3A_2104 : memref<16xi32, #tpu.memory_space<hbm>>) dst(%arg27 : memref<16xi32, #tpu.memory_space<vmem>>)
      tpu.yield
    }) : () -> ()
    "tpu.region"() ({
      %run_scoped3A = tpu.sem_alloc : memref<!tpu.dma_semaphore, #tpu.memory_space<semaphore_mem>>
      %dma_start3A_2102 = arith.constant 0 : i32
      %dma_start3A_2103 = tpu.memref_slice %arg2[%add3A_2100, %dma_start3A_2102] : memref<320000x128xf32, #tpu.memory_space<hbm>> -> memref<16x128xf32, #tpu.memory_space<hbm>>
      %dma_start3A_2104 = arith.constant 0 : i32
      %dma_start3A_2105 = tpu.memref_slice %arg2[%add3A_2100, %dma_start3A_2104] : memref<320000x128xf32, #tpu.memory_space<hbm>> -> memref<16x128xf32, #tpu.memory_space<hbm>>
      tpu.enqueue_dma source(%dma_start3A_2105 : memref<16x128xf32, #tpu.memory_space<hbm>>) target(%arg26 : memref<16x128xf32, #tpu.memory_space<vmem>>) target_semaphore(%run_scoped3A : memref<!tpu.dma_semaphore, #tpu.memory_space<semaphore_mem>>)
      %dma_wait3A = arith.constant 0 : i32
      %dma_wait3A_2106 = tpu.memref_slice %arg2[%add3A_2100, %dma_wait3A] : memref<320000x128xf32, #tpu.memory_space<hbm>> -> memref<16x128xf32, #tpu.memory_space<hbm>>
      %dma_wait3A_2107 = arith.constant 0 : i32
      %dma_wait3A_2108 = tpu.memref_slice %arg2[%add3A_2100, %dma_wait3A_2107] : memref<320000x128xf32, #tpu.memory_space<hbm>> -> memref<16x128xf32, #tpu.memory_space<hbm>>
      tpu.wait_dma2 semaphore(%run_scoped3A : memref<!tpu.dma_semaphore, #tpu.memory_space<semaphore_mem>>) src(%dma_wait3A_2108 : memref<16x128xf32, #tpu.memory_space<hbm>>) dst(%arg26 : memref<16x128xf32, #tpu.memory_space<vmem>>)
      tpu.yield
    }) : () -> ()
    "tpu.region"() ({
      %run_scoped3A = tpu.sem_alloc : memref<!tpu.dma_semaphore, #tpu.memory_space<semaphore_mem>>
      %dma_start3A_2102 = arith.constant 0 : i32
      %dma_start3A_2103 = arith.constant 0 : i32
      %dma_start3A_2104 = tpu.memref_slice %arg29[%dma_start3A_2102, %dma_start3A_2103] : memref<10240x128xf32, #tpu.memory_space<vmem_shared>> -> memref<10240x128xf32, #tpu.memory_space<vmem_shared>>
      tpu.enqueue_indirect_dma source(%arg26 : memref<16x128xf32, #tpu.memory_space<vmem>>) target(%dma_start3A_2104 : memref<10240x128xf32, #tpu.memory_space<vmem_shared>>) offsets(%arg27 : memref<16xi32, #tpu.memory_space<vmem>>) semaphore(%run_scoped3A : memref<!tpu.dma_semaphore, #tpu.memory_space<semaphore_mem>>) {add = true}
      %dma_wait3A = arith.constant 0 : i32
      %dma_wait3A_2105 = arith.constant 0 : i32
      %dma_wait3A_2106 = tpu.memref_slice %arg29[%dma_wait3A, %dma_wait3A_2105] : memref<10240x128xf32, #tpu.memory_space<vmem_shared>> -> memref<10240x128xf32, #tpu.memory_space<vmem_shared>>
      tpu.wait_indirect_dma semaphore(%run_scoped3A : memref<!tpu.dma_semaphore, #tpu.memory_space<semaphore_mem>>) src(%arg26 : memref<16x128xf32, #tpu.memory_space<vmem>>) dst(%dma_wait3A_2106 : memref<10240x128xf32, #tpu.memory_space<vmem_shared>>)
      tpu.yield
    }) : () -> ()
    "tpu.region"() ({
      %run_scoped3A = tpu.sem_alloc : memref<!tpu.dma_semaphore, #tpu.memory_space<semaphore_mem>>
      %dma_start3A_2102 = arith.constant 0 : i32
      %dma_start3A_2103 = tpu.memref_slice %arg5[%add3A_2100, %dma_start3A_2102] : memref<320000x128xf32, #tpu.memory_space<hbm>> -> memref<16x128xf32, #tpu.memory_space<hbm>>
      %dma_start3A_2104 = arith.constant 0 : i32
      %dma_start3A_2105 = tpu.memref_slice %arg5[%add3A_2100, %dma_start3A_2104] : memref<320000x128xf32, #tpu.memory_space<hbm>> -> memref<16x128xf32, #tpu.memory_space<hbm>>
      tpu.enqueue_dma source(%arg26 : memref<16x128xf32, #tpu.memory_space<vmem>>) target(%dma_start3A_2105 : memref<16x128xf32, #tpu.memory_space<hbm>>) target_semaphore(%run_scoped3A : memref<!tpu.dma_semaphore, #tpu.memory_space<semaphore_mem>>)
      %dma_wait3A = arith.constant 0 : i32
      %dma_wait3A_2106 = tpu.memref_slice %arg5[%add3A_2100, %dma_wait3A] : memref<320000x128xf32, #tpu.memory_space<hbm>> -> memref<16x128xf32, #tpu.memory_space<hbm>>
      %dma_wait3A_2107 = arith.constant 0 : i32
      %dma_wait3A_2108 = tpu.memref_slice %arg5[%add3A_2100, %dma_wait3A_2107] : memref<320000x128xf32, #tpu.memory_space<hbm>> -> memref<16x128xf32, #tpu.memory_space<hbm>>
      tpu.wait_dma2 semaphore(%run_scoped3A : memref<!tpu.dma_semaphore, #tpu.memory_space<semaphore_mem>>) src(%arg26 : memref<16x128xf32, #tpu.memory_space<vmem>>) dst(%dma_wait3A_2108 : memref<16x128xf32, #tpu.memory_space<hbm>>)
      tpu.yield
    }) : () -> ()
    %barrier3A_2101 = arith.constant 0 : index
    tpu.barrier barrier_id(%barrier3A_2101)
    "tpu.region"() ({
      %run_scoped3A = tpu.sem_alloc : memref<!tpu.dma_semaphore, #tpu.memory_space<semaphore_mem>>
      %dma_start3A_2102 = arith.constant 0 : i32
      %dma_start3A_2103 = tpu.memref_slice %arg4[%arg0, %mul3A_2, %dma_start3A_2102] : memref<2x10240x128xf32, #tpu.memory_space<hbm>> -> memref<1x640x128xf32, #tpu.memory_space<hbm>>
      %dma_start3A_2104 = tpu.memref_squeeze %dma_start3A_2103 : memref<1x640x128xf32, #tpu.memory_space<hbm>> -> memref<640x128xf32, #tpu.memory_space<hbm>>
      %dma_start3A_2105 = arith.constant 0 : i32
      %dma_start3A_2106 = tpu.memref_slice %arg29[%mul3A_2, %dma_start3A_2105] : memref<10240x128xf32, #tpu.memory_space<vmem_shared>> -> memref<640x128xf32, #tpu.memory_space<vmem_shared>>
      tpu.enqueue_dma source(%dma_start3A_2106 : memref<640x128xf32, #tpu.memory_space<vmem_shared>>) target(%dma_start3A_2104 : memref<640x128xf32, #tpu.memory_space<hbm>>) target_semaphore(%run_scoped3A : memref<!tpu.dma_semaphore, #tpu.memory_space<semaphore_mem>>)
      %dma_wait3A = arith.constant 0 : i32
      %dma_wait3A_2107 = tpu.memref_slice %arg4[%arg0, %mul3A_2, %dma_wait3A] : memref<2x10240x128xf32, #tpu.memory_space<hbm>> -> memref<1x640x128xf32, #tpu.memory_space<hbm>>
      %dma_wait3A_2108 = tpu.memref_squeeze %dma_wait3A_2107 : memref<1x640x128xf32, #tpu.memory_space<hbm>> -> memref<640x128xf32, #tpu.memory_space<hbm>>
      %dma_wait3A_2109 = arith.constant 0 : i32
      %dma_wait3A_2110 = tpu.memref_slice %arg29[%mul3A_2, %dma_wait3A_2109] : memref<10240x128xf32, #tpu.memory_space<vmem_shared>> -> memref<640x128xf32, #tpu.memory_space<vmem_shared>>
      tpu.wait_dma2 semaphore(%run_scoped3A : memref<!tpu.dma_semaphore, #tpu.memory_space<semaphore_mem>>) src(%dma_wait3A_2110 : memref<640x128xf32, #tpu.memory_space<vmem_shared>>) dst(%dma_wait3A_2108 : memref<640x128xf32, #tpu.memory_space<hbm>>)
      tpu.yield
    }) : () -> ()
    return
  }
}

module attributes {stable_mosaic.version = 14 : i64} {
  func.func @_mlp_body(%arg0: i32, %arg1: memref<2000x128xf32, #tpu.memory_space<vmem>>, %arg2: memref<2x2000x128xf32, #tpu.memory_space<vmem>>, %arg3: memref<256x128xf32, #tpu.memory_space<vmem>>, %arg4: memref<128xf32, #tpu.memory_space<vmem>>, %arg5: memref<128x128xf32, #tpu.memory_space<vmem>>, %arg6: memref<128xf32, #tpu.memory_space<vmem>>, %arg7: memref<128x128xf32, #tpu.memory_space<vmem>>, %arg8: memref<128xf32, #tpu.memory_space<vmem>>, %arg9: memref<2000x128xf32, #tpu.memory_space<vmem>>) attributes {dimension_semantics = [#tpu.dimension_semantics<arbitrary>], iteration_bounds = array<i64: 5>, scalar_prefetch = 0 : i64, scratch_operands = 0 : i64, tpu.core_type = #tpu.core_type<tc>, window_params = [{transform_indices = @transform_0, window_bounds = array<i64: 2000, 128>}, {transform_indices = @transform_1, window_bounds = array<i64: 2, 2000, 128>}, {pipeline_mode = #tpu.pipeline_mode<synchronous>, transform_indices = @transform_2, window_bounds = array<i64: 256, 128>}, {pipeline_mode = #tpu.pipeline_mode<synchronous>, transform_indices = @transform_3, window_bounds = array<i64: 128>}, {pipeline_mode = #tpu.pipeline_mode<synchronous>, transform_indices = @transform_4, window_bounds = array<i64: 128, 128>}, {pipeline_mode = #tpu.pipeline_mode<synchronous>, transform_indices = @transform_5, window_bounds = array<i64: 128>}, {pipeline_mode = #tpu.pipeline_mode<synchronous>, transform_indices = @transform_6, window_bounds = array<i64: 128, 128>}, {pipeline_mode = #tpu.pipeline_mode<synchronous>, transform_indices = @transform_7, window_bounds = array<i64: 128>}, {transform_indices = @transform_8, window_bounds = array<i64: 2000, 128>}]} {
    %get3A = arith.constant 0 : index
    %get3A_0 = arith.constant 0 : index
    %get3A_1 = arith.constant 0 : index
    %get3A_2 = vector.load %arg2[%get3A, %get3A_0, %get3A_1] : memref<2x2000x128xf32, #tpu.memory_space<vmem>>, vector<1x2000x128xf32>
    %get3A_3 = vector.shape_cast %get3A_2 : vector<1x2000x128xf32> to vector<2000x128xf32>
    %get3A_4 = arith.constant 1 : index
    %get3A_5 = arith.constant 0 : index
    %get3A_6 = arith.constant 0 : index
    %get3A_7 = vector.load %arg2[%get3A_4, %get3A_5, %get3A_6] : memref<2x2000x128xf32, #tpu.memory_space<vmem>>, vector<1x2000x128xf32>
    %get3A_8 = vector.shape_cast %get3A_7 : vector<1x2000x128xf32> to vector<2000x128xf32>
    %add3A = arith.addf %get3A_3, %get3A_8 : vector<2000x128xf32>
    %get3A_9 = arith.constant 0 : index
    %get3A_10 = arith.constant 0 : index
    %get3A_11 = vector.load %arg1[%get3A_9, %get3A_10] : memref<2000x128xf32, #tpu.memory_space<vmem>>, vector<2000x128xf32>
    %concatenate3A = tpu.concatenate %get3A_11, %add3A in 1 : vector<2000x128xf32>, vector<2000x128xf32> -> vector<2000x256xf32>
    %get3A_12 = arith.constant 0 : index
    %get3A_13 = arith.constant 0 : index
    %get3A_14 = vector.load %arg3[%get3A_12, %get3A_13] : memref<256x128xf32, #tpu.memory_space<vmem>>, vector<256x128xf32>
    %dot_general3A = arith.constant dense<0.000000e+00> : vector<2000x128xf32>
    %dot_general3A_15 = tpu.matmul %concatenate3A, %get3A_14, %dot_general3A {dimension_numbers = #tpu.dot_dimension_numbers<[1], [0], [0], [1], [0, 0, 1, 1], [], []>, transpose_lhs_hint = false} : vector<2000x256xf32>, vector<256x128xf32>, vector<2000x128xf32> -> vector<2000x128xf32>
    %get3A_16 = arith.constant 0 : index
    %get3A_17 = vector.load %arg4[%get3A_16] : memref<128xf32, #tpu.memory_space<vmem>>, vector<128xf32>
    %broadcast_in_dim3A = vector.shape_cast %get3A_17 : vector<128xf32> to vector<1x128xf32>
    %add3A_18 = vector.broadcast %broadcast_in_dim3A : vector<1x128xf32> to vector<2000x128xf32>
    %add3A_19 = arith.addf %dot_general3A_15, %add3A_18 : vector<2000x128xf32>
    %max3A = arith.constant 0.000000e+00 : f32
    %max3A_20 = vector.broadcast %max3A : f32 to vector<2000x128xf32>
    %max3A_21 = arith.maximumf %add3A_19, %max3A_20 : vector<2000x128xf32>
    %get3A_22 = arith.constant 0 : index
    %get3A_23 = arith.constant 0 : index
    %get3A_24 = vector.load %arg5[%get3A_22, %get3A_23] : memref<128x128xf32, #tpu.memory_space<vmem>>, vector<128x128xf32>
    %dot_general3A_25 = arith.constant dense<0.000000e+00> : vector<2000x128xf32>
    %dot_general3A_26 = tpu.matmul %max3A_21, %get3A_24, %dot_general3A_25 {dimension_numbers = #tpu.dot_dimension_numbers<[1], [0], [0], [1], [0, 0, 1, 1], [], []>, transpose_lhs_hint = false} : vector<2000x128xf32>, vector<128x128xf32>, vector<2000x128xf32> -> vector<2000x128xf32>
    %get3A_27 = arith.constant 0 : index
    %get3A_28 = vector.load %arg6[%get3A_27] : memref<128xf32, #tpu.memory_space<vmem>>, vector<128xf32>
    %broadcast_in_dim3A_29 = vector.shape_cast %get3A_28 : vector<128xf32> to vector<1x128xf32>
    %add3A_30 = vector.broadcast %broadcast_in_dim3A_29 : vector<1x128xf32> to vector<2000x128xf32>
    %add3A_31 = arith.addf %dot_general3A_26, %add3A_30 : vector<2000x128xf32>
    %max3A_32 = arith.constant 0.000000e+00 : f32
    %max3A_33 = vector.broadcast %max3A_32 : f32 to vector<2000x128xf32>
    %max3A_34 = arith.maximumf %add3A_31, %max3A_33 : vector<2000x128xf32>
    %get3A_35 = arith.constant 0 : index
    %get3A_36 = arith.constant 0 : index
    %get3A_37 = vector.load %arg7[%get3A_35, %get3A_36] : memref<128x128xf32, #tpu.memory_space<vmem>>, vector<128x128xf32>
    %dot_general3A_38 = arith.constant dense<0.000000e+00> : vector<2000x128xf32>
    %dot_general3A_39 = tpu.matmul %max3A_34, %get3A_37, %dot_general3A_38 {dimension_numbers = #tpu.dot_dimension_numbers<[1], [0], [0], [1], [0, 0, 1, 1], [], []>, transpose_lhs_hint = false} : vector<2000x128xf32>, vector<128x128xf32>, vector<2000x128xf32> -> vector<2000x128xf32>
    %get3A_40 = arith.constant 0 : index
    %get3A_41 = vector.load %arg8[%get3A_40] : memref<128xf32, #tpu.memory_space<vmem>>, vector<128xf32>
    %broadcast_in_dim3A_42 = vector.shape_cast %get3A_41 : vector<128xf32> to vector<1x128xf32>
    %add3A_43 = vector.broadcast %broadcast_in_dim3A_42 : vector<1x128xf32> to vector<2000x128xf32>
    %add3A_44 = arith.addf %dot_general3A_39, %add3A_43 : vector<2000x128xf32>
    %reduce_sum3A = arith.constant dense<0.000000e+00> : vector<2000xf32>
    %reduce_sum3A_45 = vector.multi_reduction <add>, %add3A_44, %reduce_sum3A [1] : vector<2000x128xf32> to vector<2000xf32>
    %broadcast_in_dim3A_46 = vector.shape_cast %reduce_sum3A_45 : vector<2000xf32> to vector<2000x1xf32>
    %div3A = arith.constant 1.280000e+02 : f32
    %div3A_47 = vector.broadcast %div3A : f32 to vector<2000x1xf32>
    %div3A_48 = arith.divf %broadcast_in_dim3A_46, %div3A_47 : vector<2000x1xf32>
    %sub3A = vector.broadcast %div3A_48 : vector<2000x1xf32> to vector<2000x128xf32>
    %sub3A_49 = arith.subf %add3A_44, %sub3A : vector<2000x128xf32>
    %integer_pow3A = arith.mulf %sub3A_49, %sub3A_49 : vector<2000x128xf32>
    %reduce_sum3A_50 = arith.constant dense<0.000000e+00> : vector<2000xf32>
    %reduce_sum3A_51 = vector.multi_reduction <add>, %integer_pow3A, %reduce_sum3A_50 [1] : vector<2000x128xf32> to vector<2000xf32>
    %broadcast_in_dim3A_52 = vector.shape_cast %reduce_sum3A_51 : vector<2000xf32> to vector<2000x1xf32>
    %div3A_53 = arith.constant 1.280000e+02 : f32
    %div3A_54 = vector.broadcast %div3A_53 : f32 to vector<2000x1xf32>
    %div3A_55 = arith.divf %broadcast_in_dim3A_52, %div3A_54 : vector<2000x1xf32>
    %sub3A_56 = vector.broadcast %div3A_48 : vector<2000x1xf32> to vector<2000x128xf32>
    %sub3A_57 = arith.subf %add3A_44, %sub3A_56 : vector<2000x128xf32>
    %add3A_58 = arith.constant 9.99999974E-6 : f32
    %add3A_59 = vector.broadcast %add3A_58 : f32 to vector<2000x1xf32>
    %add3A_60 = arith.addf %div3A_55, %add3A_59 : vector<2000x1xf32>
    %rsqrt3A = math.rsqrt %add3A_60 : vector<2000x1xf32>
    %mul3A = vector.broadcast %rsqrt3A : vector<2000x1xf32> to vector<2000x128xf32>
    %mul3A_61 = arith.mulf %sub3A_57, %mul3A : vector<2000x128xf32>
    %swap3A = arith.constant 0 : index
    %swap3A_62 = arith.constant 0 : index
    %swap3A_63 = vector.load %arg9[%swap3A, %swap3A_62] : memref<2000x128xf32, #tpu.memory_space<vmem>>, vector<2000x128xf32>
    tpu.vector_store %arg9[%swap3A, %swap3A_62], %mul3A_61 {strides = array<i32>} : memref<2000x128xf32, #tpu.memory_space<vmem>>, vector<2000x128xf32>,
    return
  }
  func.func @transform_0(%arg0: i32) -> (i32, i32) {
    %c0_i32 = arith.constant 0 : i32
    %c0_i32_0 = arith.constant 0 : i32
    return %arg0, %c0_i32 : i32, i32
  }
  func.func @transform_1(%arg0: i32) -> (i32, i32, i32) {
    %c0_i32 = arith.constant 0 : i32
    %c0_i32_0 = arith.constant 0 : i32
    %c0_i32_1 = arith.constant 0 : i32
    return %c0_i32, %arg0, %c0_i32_0 : i32, i32, i32
  }
  func.func @transform_2(%arg0: i32) -> (i32, i32) {
    %c0_i32 = arith.constant 0 : i32
    %c0_i32_0 = arith.constant 0 : i32
    %c0_i32_1 = arith.constant 0 : i32
    return %c0_i32, %c0_i32_0 : i32, i32
  }
  func.func @transform_3(%arg0: i32) -> i32 {
    %c0_i32 = arith.constant 0 : i32
    %c0_i32_0 = arith.constant 0 : i32
    return %c0_i32 : i32
  }
  func.func @transform_4(%arg0: i32) -> (i32, i32) {
    %c0_i32 = arith.constant 0 : i32
    %c0_i32_0 = arith.constant 0 : i32
    %c0_i32_1 = arith.constant 0 : i32
    return %c0_i32, %c0_i32_0 : i32, i32
  }
  func.func @transform_5(%arg0: i32) -> i32 {
    %c0_i32 = arith.constant 0 : i32
    %c0_i32_0 = arith.constant 0 : i32
    return %c0_i32 : i32
  }
  func.func @transform_6(%arg0: i32) -> (i32, i32) {
    %c0_i32 = arith.constant 0 : i32
    %c0_i32_0 = arith.constant 0 : i32
    %c0_i32_1 = arith.constant 0 : i32
    return %c0_i32, %c0_i32_0 : i32, i32
  }
  func.func @transform_7(%arg0: i32) -> i32 {
    %c0_i32 = arith.constant 0 : i32
    %c0_i32_0 = arith.constant 0 : i32
    return %c0_i32 : i32
  }
  func.func @transform_8(%arg0: i32) -> (i32, i32) {
    %c0_i32 = arith.constant 0 : i32
    %c0_i32_0 = arith.constant 0 : i32
    return %arg0, %c0_i32 : i32, i32
  }
}

</mosaic_0001>

<sc_bundles>
// kernel: kernel.4.cloned.1.call-start
scs
__scs_entry_jumppad:
0x0: {  	(pc) =	sbr.rel $0x88, $3  }
0x1: {  	(tag) =	ssettag $0x0;
	lr =	simm.s32 $0x1  }
0x2: {  	[smem:$0x3F97] =	sst lr;
	_ =	strace $0xD0000000  }
0x3: {  	_ = 	snop  }
0x4: {  	_ = 	snop  }
0x5: {  	_ = 	snop  }
0x6: {  	_ = 	snop  }
0x7: {  	_ = 	snop  }
__scs_overlays_trampoline_lowered:
0x8: {  	[smem:$0x3FA6] =	sst s0  }
0x9: {  	[smem:$0x3FA7] =	sst s1  }
0xa: {  	[smem:$0x3FA8] =	sst s2  }
0xb: {  	[smem:$0x3FA9] =	sst s3  }
0xc: {  	[smem:$0x3FAA] =	sst s4  }
0xd: {  	[smem:$0x3FAB] =	sst s5  }
0xe: {  	[smem:$0x3FAC] =	sst s6  }
0xf: {  	[smem:$0x3FAD] =	sst s7  }
0x10: {  	[smem:$0x3FAE] =	sst s8  }
0x11: {  	[smem:$0x3FAF] =	sst s9;
	s0 =	simm.s32 @!p0 $0x0  }
0x12: {  	s1 =	sld [smem:$0x3F95];
	s0 =	simm.s32 @p0 $0x1  }
0x13: {  	[smem:$0x3FB0] =	sst s0;
	s0 =	simm.s32 @!p1 $0x0  }
0x14: {  	s2 =	sld [smem:$0x3F94];
	s0 =	simm.s32 @p1 $0x1  }
0x15: {  	[smem:$0x3FB1] =	sst s0;
	s0 =	simm.s32 @!p2 $0x0  }
0x16: {  	s3 =	sld [smem:$0x3FDB];
	s0 =	simm.s32 @p2 $0x1  }
0x17: {  	s4 =	simm.s32 $0x1BF5;
	[smem:$0x3FB3] =	sst s0  }
0x18: {  	s0 =	sld [smem:$0x3F96];
	_ =	swait.ge [sflag:s4], $0x0  }
0x19: {  	s7 =	sld [smem:$0x3F97]  }
0x1a: {  	s8 =	sadd.s32 $0xFFFFE003, lr  }
0x1b: {  	s9 =	sadd.s32 $0xFFFFFEF7, lr;
	s5 =	simm.s32 $0xFFFFFFFF;
	p2 =	slt.u32 s8, $0xFFFFF086  }
0x1c: {  	p1 =	slt.u32 s9, $0xF7A;
	s5 =	simm.s32 @!p2 $0x0  }
0x1d: {  	s5 =	simm.s32 @p1 $0x1;
	p0 =	seq.s32 s7, s2  }
0x1e: {  	s7 =	smul.u32 @!p0 $0xF7A, s2;
	p2 =	seq.s32 @!p0 s5, $0x0  }
0x1f: {  	s9 =	smul.u32 $0xF7A, s1;
	s8 =	simm.s32 @!p0 $0x1BF5;
	p2 =	por !p2, p0  }
0x20: {  	[sflag:s8] =	ssyncset.s32 @!p0 $0xFFFFF086;
	s6 =	sadd.s32 @!p0 s3, s7;
	s7 =	simm.s32 @!p0 $0x108  }
0x21: {  	s3 =	sadd.s32 s3, s9;
	s6 =	sadd.s32 @!p0 $0x88, s6;
	s7 =	simm.s32 @p2 $0x1082  }
0x22: {  	[simem:s7], [sflag:s8] =	dma.local @!p0 [hbm:s6], $0xF7A  }
0x23: {  	s9 =	sor.u32 $0xD0000000, s2;
	s6 =	simm.s32 $0x108;
	_ =	swait.ge @!p0 [sflag:s8], $0x0  }
0x24: {  	s3 =	sadd.s32 $0x88, s3;
	s6 =	simm.s32 @!p1 $0x1082;
	[sflag:s4] =	ssyncset.s32 $0xFFFFF086  }
0x25: {  	[simem:s6], [sflag:s4] =	dma.local [hbm:s3], $0xF7A  }
0x26: {  	[smem:$0x3F97] =	sst s1;
	(tag) =	ssettag s2;
	_ =	strace s9  }
0x27: {  	s1 =	sld [smem:$0x3FA7]  }
0x28: {  	s2 =	sld [smem:$0x3FA8]  }
0x29: {  	s4 =	sld [smem:$0x3FAA]  }
0x2a: {  	p0 =	seq.s32 s5, $0x0;
	s5 =	sld [smem:$0x3FAB]  }
0x2b: {  	s6 =	sld [smem:$0x3FAC]  }
0x2c: {  	s7 =	sld [smem:$0x3FAD]  }
0x2d: {  	s3 =	simm.s32 $0x108;
	s8 =	sld [smem:$0x3FAE]  }
0x2e: {  	s3 =	simm.s32 @!p0 $0x1082;
	s9 =	sld [smem:$0x3FAF]  }
0x2f: {  	lr =	sadd.s32 s0, s3;
	s0 =	sld [smem:$0x3FA6]  }
0x30: {  	s3 =	sld [smem:$0x3FA9]  }
0x31: {  	[smem:$0x3FB2] =	sst s10  }
0x32: {  	s10 =	sld [smem:$0x3FB0];
	_ =	sdelay $0x3  }
0x33: {  	p0 =	seq.s32 s10, $0x1;
	s10 =	sld [smem:$0x3FB2];
	_ =	sdelay $0x3  }
0x34: {  	[smem:$0x3FB2] =	sst s10  }
0x35: {  	s10 =	sld [smem:$0x3FB1];
	_ =	sdelay $0x3  }
0x36: {  	p1 =	seq.s32 s10, $0x1;
	s10 =	sld [smem:$0x3FB2];
	_ =	sdelay $0x3  }
0x37: {  	[smem:$0x3FB2] =	sst s10  }
0x38: {  	s10 =	sld [smem:$0x3FB3]  }
0x39: {  	_ = 	snop;
	(pc) =	sbr.ind lr, $3  }
0x3a: {  	_ = 	snop  }
0x3b: {  	_ = 	snop  }
0x3c: {  	p2 =	seq.s32 s10, $0x1;
	s10 =	sld [smem:$0x3FB2]  }
0x3d: {  	_ =	shalt  }
0x3e: {  	_ =	shalt  }
0x3f: {  	_ =	shalt  }
0x40: {  	_ =	shalt  }
0x41: {  	_ =	shalt  }
0x42: {  	_ =	shalt  }
0x43: {  	_ =	shalt  }
0x44: {  	_ =	shalt  }
0x45: {  	_ =	shalt  }
0x46: {  	_ =	shalt  }
0x47: {  	_ =	shalt  }
0x48: {  	_ =	shalt  }
0x49: {  	_ =	shalt  }
0x4a: {  	_ =	shalt  }
0x4b: {  	_ =	shalt  }
0x4c: {  	_ =	shalt  }
0x4d: {  	_ =	shalt  }
0x4e: {  	_ =	shalt  }
0x4f: {  	_ =	shalt  }
0x50: {  	_ =	shalt  }
0x51: {  	_ =	shalt  }
0x52: {  	_ =	shalt  }
0x53: {  	_ =	shalt  }
0x54: {  	_ =	shalt  }
0x55: {  	_ =	shalt  }
0x56: {  	_ =	shalt  }
0x57: {  	_ =	shalt  }
0x58: {  	_ =	shalt  }
0x59: {  	_ =	shalt  }
0x5a: {  	_ =	shalt  }
0x5b: {  	_ =	shalt  }
0x5c: {  	_ =	shalt  }
0x5d: {  	_ =	shalt  }
0x5e: {  	_ =	shalt  }
0x5f: {  	_ =	shalt  }
0x60: {  	_ =	shalt  }
0x61: {  	_ =	shalt  }
0x62: {  	_ =	shalt  }
0x63: {  	_ =	shalt  }
0x64: {  	_ =	shalt  }
0x65: {  	_ =	shalt  }
0x66: {  	_ =	shalt  }
0x67: {  	_ =	shalt  }
0x68: {  	_ =	shalt  }
0x69: {  	_ =	shalt  }
0x6a: {  	_ =	shalt  }
0x6b: {  	_ =	shalt  }
0x6c: {  	_ =	shalt  }
0x6d: {  	_ =	shalt  }
0x6e: {  	_ =	shalt  }
0x6f: {  	_ =	shalt  }
0x70: {  	_ =	shalt  }
0x71: {  	_ =	shalt  }
0x72: {  	_ =	shalt  }
0x73: {  	_ =	shalt  }
0x74: {  	_ =	shalt  }
0x75: {  	_ =	shalt  }
0x76: {  	_ =	shalt  }
0x77: {  	_ =	shalt  }
0x78: {  	_ =	shalt  }
0x79: {  	_ =	shalt  }
0x7a: {  	_ =	shalt  }
0x7b: {  	_ =	shalt  }
0x7c: {  	_ =	shalt  }
0x7d: {  	_ =	shalt  }
0x7e: {  	_ =	shalt  }
0x7f: {  	_ =	shalt  }
0x80: {  	_ =	shalt  }
0x81: {  	_ =	shalt  }
0x82: {  	_ =	shalt  }
0x83: {  	_ =	shalt  }
0x84: {  	_ =	shalt  }
0x85: {  	_ =	shalt  }
0x86: {  	_ =	shalt  }
0x87: {  	_ =	shalt  }
.Lfunc_end0:
.L_simem_size_0:
called_computation_lowered:
.L_overlay_start_0:
0x88: {  	s2 =	sld [smem:$0x3FD9]  }
0x89: {  	s3 =	sld [smem:$0x3FFE];
	_ =	sdelay $0x1  }
0x8a: {  	s1 =	srdreg.scid  }
0x8b: {  	s0 =	sand.u32 $0x1, s1  }
0x8c: {  	s14 =	sshll.u32 s0, $0xA;
	s2 =	sadd.s32 s3, s2  }
0x8d: {  	s2 =	sadd.s32 s2, s14  }
0x8e: {  	[smem:$0x3FBE] =	sst s2  }
0x8f: {  	_ = 	snop  }
0x90: {  	s2 =	sld [smem:$0x3FD0];
	_ =	sdelay $0x1  }
0x91: {  	s15 =	sld [smem:$0x3FC8]  }
0x92: {  	s5 =	simm.s32 $0xA;
	s6 =	simm.s32 $0x10;
	s4 =	sld [smem:$0x3FC7]  }
0x93: {  	[smem:s6], [sflag:s5] =	dma.local [hbm:s2], $0x1  }
0x94: {  	_ =	swait.eq [sflag:s5], $0x1  }
0x95: {  	[sflag:s5] =	ssyncset.done $0x0  }
0x96: {  	[sflag:s5] =	ssyncadd.s32 $0xFFFFFFFF  }
0x97: {  	s16 =	sld [smem:$0x11];
	(tm) =	ssettm $0x1  }
0x98: {  	s17 =	sld [smem:$0x3FFB];
	_ =	sdelay $0x3  }
0x99: {  	_ =	strace s17  }
0x9a: {  	s5 =	sld [smem:$0x3FFC];
	_ =	sdelay $0x3  }
0x9b: {  	_ =	strace s5  }
0x9c: {  	s5 =	sld [smem:$0x3FFD];
	_ =	sdelay $0x3  }
0x9d: {  	_ =	strace s5  }
0x9e: {  	_ =	strace $0x8FFFFFFF  }
0x9f: {  	s18 =	sld [smem:$0x3FDB];
	_ =	sdelay $0x1  }
0xa0: {  	s19 =	simm.s32 $_scs_section_size  }
0xa1: {  	s7 =	simm.s32 $_size__tile_overlayer_lowered;
	s8 =	simm.s32 $_tile_overlayer_lowered  }
0xa2: {  	s22 =	simm.s32 $0x1BFF;
	s21 =	sshll.u32 s8, $0x1;
	s5 =	sadd.s32 s19, s18  }
0xa3: {  	s9 =	simm.s32 $0x0;
	s20 =	sshll.u32 s7, $0x1;
	s7 =	sadd.s32 s21, s5  }
0xa4: {  	[timem:s9], [sflag:s22] =	dma.local [hbm:s7], s20  }
0xa5: {  	_ =	swait.ge [sflag:s22], s20  }
0xa6: {  	s6 =	ssub.s32 $0x0, s20;
	[sflag:s22] =	ssyncset.done $0x0  }
0xa7: {  	[sflag:s22] =	ssyncadd.s32 s6;
	_ =	sdelay $0x1  }
0xa8: {  	s23 =	simm.s32 $0x1B8B  }
0xa9: {  	_ =	swait.ge [sflag:s23], $0x1  }
0xaa: {  	[sflag:s23] =	ssyncset.done $0x0  }
0xab: {  	s25 =	simm.s32 $0x1B8E;
	s24 =	sld [smem:$0x3FFE];
	[sflag:s23] =	ssyncadd.s32 $0xFFFFFFFF  }
0xac: {  	s26 =	simm.s32 $execute0_lowered;
	[smem:$0x3FD2] =	sst s25  }
0xad: {  	s7 =	sshll.u32 s26, $0x1;
	_ =	strace $0x80000046;
	[dreg:$0x1] =	wrdreg $0xFFFFFFFF  }
0xae: {  	s28 =	simm.s32 $_size_execute0_lowered;
	s5 =	sadd.s32 s5, s7;
	[dreg:$0x0] =	wrdreg $0x0  }
0xaf: {  	s7 =	sshll.u32 s28, $0x1;
	[dreg:$0x2] =	wrdreg s5  }
0xb0: {  	[dreg:$0x3] =	wrdreg s7  }
0xb1: {  	[dreg:$0x4] =	wrdreg $0xC0  }
0xb2: {  	_ =	task [dreg:s9], $0x5FFFF  }
0xb3: {  	[dreg:$0x1] =	wrdreg $0xFFFFFFFF  }
0xb4: {  	[dreg:$0x0] =	wrdreg $0x60  }
0xb5: {  	[dreg:$0x2] =	wrdreg s15  }
0xb6: {  	[dreg:$0x3] =	wrdreg s4  }
0xb7: {  	[dreg:$0x4] =	wrdreg s24  }
0xb8: {  	[dreg:$0x5] =	wrdreg s16  }
0xb9: {  	[dreg:$0x6] =	wrdreg $0x9A800  }
0xba: {  	[dreg:$0x7] =	wrdreg $0x9  }
0xbb: {  	_ =	task.clear_ibuf [dreg:s9], $0x8FFFF;
	_ =	strace $0x90000046  }
0xbc: {  	s29 =	simm.s32 $0x9;
	_ =	strace $0x80000048  }
0xbd: {  	_ =	swait.ge [sflag:s29], $0x1  }
0xbe: {  	[sflag:s29] =	ssyncadd.s32 $0xFFFFFFFF  }
0xbf: {  	_ =	strace $0x90000048  }
0xc0: {  	_ =	sfence  }
0xc1: {  	s30 =	sld [smem:$0x0];
	_ =	sdelay $0x2  }
0xc2: {  	s31 =	sshll.u32 s1, $0xD;
	s1 =	sshrl.u32 s1, $0x2  }
0xc3: {  	s3 =	sand.u32 $0x4000, s31;
	s1 =	sadd.s32 s1, s30  }
0xc4: {  	s0 =	sor.u32 s3, s0;
	s1 =	sshll.u32 s1, $0x11  }
0xc5: {  	s0 =	sor.u32 s1, s0  }
0xc6: {  	s0 =	sadd.s32 $0x8F2B, s0  }
0xc7: {  	[sflag:s0] =	ssyncadd.remote.s32 $0x1  }
0xc8: {  	_ =	sfence.sel $0xFFFF  }
0xc9: {  	[dreg:$0x0] =	wrdreg $0xFFFFFFFF;
	(pc) =	sbr.abs _section_cstart, $3  }
0xca: {  	[dreg:$0x1] =	wrdreg $0xFFFFFFFF  }
0xcb: {  	_ =	task.clear_ibuf [dreg:s9], $0x2FFFF;
	_ =	strace $0x9FFFFFFF  }
0xcc: {  	(tm) =	ssettm $0x7FFFFFFF  }
0xcd: {  	_ =	shalt  }
tec
execute0_lowered:
.L_overlay_start_1:
0x0: {  	(tag) =	ssettag $0x1  }
0x1: {  	s2 =	rddreg [dreg:$0x0]  }
0x2: {  	s0 =	rddreg [dreg:$0x1]  }
0x3: {  	s5 =	rddreg [dreg:$0x2]  }
0x4: {  	s3 =	srdreg.scid;
	s1 =	rddreg [dreg:$0x3]  }
0x5: {  	s13 =	stileid.u32;
	s4 =	simm.s32 $0x0;
	s28 =	simm.s32 $0x8100  }
0x6: {  	s29 =	simm.s32 $0x8180;
	s30 =	simm.s32 $0x6000;
	s31 =	simm.s32 $0x5  }
0x7: {  	s6 =	sand.u32 $0x1, s3;
	s3 =	rddreg [dreg:$0x4];
	s8 =	smul.u32 $0x14000, s13  }
0x8: {  	[smem:$0x7FF] =	sst s4;
	s7 =	smul.u32 $0x140000, s6;
	s9 =	sshll.u32 s6, $0x4  }
0x9: {  	s12 =	smul.u32 $0x50000, s13;
	_ =	strace $0x80000047;
	s14 =	sor.u32 s13, s9  }
0xa: {  	s15 =	ssub.s32 $0x2, s6;
	s7 =	sadd.s32 s8, s7;
	s9 =	smul.u32 $0x2710, s14  }
0xb: {  	s10 =	sshrl.u32 s15, $0x1;
	s8 =	smul.u32 $0x27100, s14;
	s7 =	sshrl.u32 s7, $0x3  }
0xc: {  	s5 =	sadd.s32 s7, s5;
	s11 =	sshrl.u32 s9, $0x3;
	s7 =	ssub.s32 s15, s10  }
0xd: {  	s17 =	sadd.s32 $0x40, s9;
	s8 =	sadd.s32 s2, s8;
	s19 =	sadd.s32 $0x80, s9  }
0xe: {  	s23 =	sadd.s32 $0xC0, s9;
	s15 =	sadd.s32 $0x2700, s9;
	s16 =	sadd.s32 s0, s11  }
0xf: {  	[dreg:$0x7] =	wrdreg s8;
	s18 =	sshrl.u32 s17, $0x3;
	s20 =	sshll.u32 s17, $0x4  }
0x10: {  	s21 =	sshrl.u32 s19, $0x3;
	s24 =	sshll.u32 s19, $0x4;
	s25 =	sshrl.u32 s23, $0x3  }
0x11: {  	s11 =	sshrl.u32 s12, $0x2;
	s5 =	sadd.s32 $0x1C00, s5;
	[dreg:$0x6] =	wrdreg s16  }
0x12: {  	s12 =	smul.u32 $0x1388000, s6;
	s7 =	smax.u32 s7, $0x1;
	[dreg:$0x12] =	wrdreg s5  }
0x13: {  	s17 =	sshrl.u32 s15, $0x3;
	s8 =	sadd.s32 s0, s18;
	[dreg:$0x13] =	wrdreg s7  }
0x14: {  	s22 =	sadd.s32 s0, s21;
	s10 =	sadd.s32 s2, s24;
	[dreg:$0x8] =	wrdreg s8  }
0x15: {  	s26 =	sadd.s32 s0, s25;
	s16 =	smul.u32 $0x138800, s13;
	[dreg:$0xa] =	wrdreg s22  }
0x16: {  	s14 =	sadd.s32 s11, s3;
	s18 =	smul.u32 $0x271000, s6;
	[dreg:$0xb] =	wrdreg s10  }
0x17: {  	s11 =	sadd.s32 s0, s17;
	s6 =	smul.u32 $0x27100, s6;
	[dreg:$0xc] =	wrdreg s26  }
0x18: {  	s21 =	smul.u32 $0x2710, s13;
	s8 =	sadd.s32 s2, s20;
	[dreg:$0xf] =	wrdreg s11  }
0x19: {  	s9 =	sadd.s32 $0x6000, s14;
	s10 =	sadd.s32 $0x7000, s14;
	[dreg:$0xe] =	wrdreg s14  }
0x1a: {  	s11 =	sadd.s32 $0x8000, s14;
	s17 =	sadd.s32 $0xD000, s14;
	[dreg:$0x9] =	wrdreg s8  }
0x1b: {  	s8 =	sshll.u32 s23, $0x4;
	s22 =	sadd.s32 s16, s12;
	[dreg:$0x1d] =	wrdreg s9  }
0x1c: {  	s23 =	smul.u32 $0x27100, s13;
	s5 =	sadd.s32 s21, s6;
	[dreg:$0x1e] =	wrdreg s10  }
0x1d: {  	[dreg:$0x1f] =	wrdreg s11;
	s12 =	sadd.s32 $0x9000, s14;
	s13 =	sadd.s32 $0xA000, s14  }
0x1e: {  	s16 =	sadd.s32 $0xC000, s14;
	[smem:$0x7F7] =	sst s17;
	s9 =	simm.s32 $0xB  }
0x1f: {  	s10 =	simm.s32 $0x8;
	s11 =	simm.s32 $0xC;
	s8 =	sadd.s32 s2, s8  }
0x20: {  	s7 =	sshrl.u32 s22, $0x3;
	s24 =	sadd.s32 $0x1C0, s5;
	[smem:$0x7F3] =	sst s12  }
0x21: {  	s6 =	sadd.s32 $0x180, s5;
	s25 =	sadd.s32 $0x140, s5;
	[smem:$0x7F4] =	sst s13  }
0x22: {  	[smem:$0x7F6] =	sst s16;
	s22 =	sadd.s32 $0xF000, s14;
	s12 =	simm.s32 $0x0  }
0x23: {  	[dreg:$0xd] =	wrdreg s8;
	s8 =	sshll.u32 s15, $0x4;
	s19 =	sadd.s32 s7, s1  }
0x24: {  	s6 =	sshrl.u32 s6, $0x3;
	s7 =	sadd.s32 $0x4000, s14;
	[smem:$0x7F9] =	sst s22  }
0x25: {  	s15 =	sadd.s32 $0xB000, s14;
	s22 =	simm.s32 $0x2000;
	[dreg:$0x1b] =	wrdreg s7  }
0x26: {  	s20 =	sadd.s32 s2, s8;
	s8 =	sadd.s32 s1, s8;
	[smem:$0x7F5] =	sst s15  }
0x27: {  	s2 =	sadd.s32 s18, s2;
	s1 =	sadd.s32 s18, s1;
	[dreg:$0x10] =	wrdreg s20  }
0x28: {  	s26 =	sadd.s32 s6, s0;
	s6 =	sadd.s32 $0x3000, s14;
	[dreg:$0x11] =	wrdreg s8  }
0x29: {  	s18 =	sadd.s32 $0xE000, s14;
	s7 =	simm.s32 $0x9;
	[dreg:$0x15] =	wrdreg s26  }
0x2a: {  	s20 =	sadd.s32 s23, s2;
	s2 =	sshrl.u32 s24, $0x3;
	[dreg:$0x1a] =	wrdreg s6  }
0x2b: {  	s21 =	sadd.s32 s23, s1;
	s8 =	sadd.s32 $0x5000, s14;
	[smem:$0x7F8] =	sst s18  }
0x2c: {  	s1 =	sshrl.u32 s25, $0x3;
	s23 =	sadd.s32 $0x10000, s14;
	[dreg:$0x1c] =	wrdreg s8  }
0x2d: {  	s24 =	sadd.s32 $0x11000, s14;
	s25 =	sadd.s32 $0x12000, s14;
	[smem:$0x7FA] =	sst s23  }
0x2e: {  	s26 =	sadd.s32 $0x13000, s14;
	s18 =	simm.s32 $0x8000;
	[smem:$0x7FB] =	sst s24  }
0x2f: {  	s6 =	simm.s32 $0x4;
	s2 =	sadd.s32 s2, s0;
	[smem:$0x7FC] =	sst s25  }
0x30: {  	s0 =	sadd.s32 s1, s0;
	s1 =	sadd.s32 $0x100, s5;
	[smem:$0x7FD] =	sst s26  }
.Ltmp0:
0x31: {  	s5 =	sadd.s32 $0x2000, s14;
	[dreg:$0x14] =	wrdreg s2;
	(pc) =	sbr.rel .LBB2_1-.Ltmp0, $4  }
0x32: {  	s26 =	simm.s32 $0x8080;
	s23 =	simm.s32 $0x4000;
	[dreg:$0x16] =	wrdreg s0  }
0x33: {  	s25 =	simm.s32 $0x1;
	s8 =	simm.s32 $0x7;
	[dreg:$0x17] =	wrdreg s1  }
0x34: {  	s2 =	sadd.s32 $0x1000, s14;
	[dreg:$0x19] =	wrdreg s5;
	s1 =	simm.s32 $0x2  }
0x35: {  	v0 =	vimm.f32 $0.0e+00;
	s5 =	simm.s32 $0x3;
	[dreg:$0x18] =	wrdreg s2;
	s2 =	simm.s32 $0x40  }
.LBB2_4:
0x36: {  	_ =	swait.ge [sflag:s10], $0x2000  }
0x37: {  	[sflag:s10] =	ssyncset.done $0x0  }
0x38: {  	[sflag:s10] =	ssyncadd.s32 $0xFFFFE000  }
0x39: {  	_ =	swait.ge [sflag:s11], $0x2000  }
0x3a: {  	s12 =	simm.s32 $0x8A00;
	[sflag:s11] =	ssyncset.done $0x0  }
0x3b: {  	s15 =	simm.s32 $0xD;
	s0 =	rddreg [dreg:$0xf];
	[sflag:s11] =	ssyncadd.s32 $0xFFFFE000  }
0x3c: {  	[tilespmem:s12], [sflag:$0xD] =	stream.linear.gather [hbm4b:s0+s4], $0x10, $0x38;
	[tilespmem:$0x1DA80] =	vst v63  }
0x3d: {  	_ =	swait.ge [sflag:s15], $0x10  }
0x3e: {  	[sflag:s15] =	ssyncset.done $0x0  }
0x3f: {  	s13 =	simm.s32 $0x8200;
	s16 =	rddreg [dreg:$0x10];
	[sflag:s15] =	ssyncadd.s32 $0xFFFFFFF0  }
0x40: {  	[tilespmem:s13], [sflag:$0xD] =	stream.linear.gather [hbm4b:s16+s4], $0x800, $0x38;
	[tilespmem:$0x1DA80] =	vst v63  }
0x41: {  	_ =	swait.ge [sflag:s15], $0x800  }
0x42: {  	[sflag:s15] =	ssyncset.done $0x0  }
0x43: {  	s17 =	simm.s32 $0x10;
	[sflag:s15] =	ssyncadd.s32 $0xFFFFF800  }
0x44: {  	[spmem:s3] =	stream.indirect.scatter.add.f32 [tilespmem:s13], [sflag:$0xD], $0x80, s12, s17, $0xb8;
	[tilespmem:$0x1DA80] =	vst v63  }
0x45: {  	_ =	swait.ge [sflag:s15], $0x800  }
0x46: {  	[sflag:s15] =	ssyncset.done $0x0  }
0x47: {  	s24 =	rddreg [dreg:$0x11];
	[sflag:s15] =	ssyncadd.s32 $0xFFFFF800  }
0x48: {  	[hbm4b:s24+s4] =	stream.linear.scatter [tilespmem:s13], [sflag:$0xD], $0x800, $0x38;
	[tilespmem:$0x1DA80] =	vst v63  }
0x49: {  	_ =	swait.ge [sflag:s15], $0x800  }
0x4a: {  	[sflag:s15] =	ssyncset.done $0x0  }
0x4b: {  	[sflag:s15] =	ssyncadd.s32 $0xFFFFF800  }
0x4c: {  	s12 =	stileid.u32;
	[bflag:$0x0] =	sbarrier.arrive $0xFFFF  }
0x4d: {  	s0 =	sshll.u32 s12, $0x6;
	s14 =	rddreg [dreg:$0xe]  }
0x4e: {  	s0 =	sor.u32 $0x1C0D, s0;
	s16 =	rddreg [dreg:$0x12];
	s13 =	sshrl.u32 s14, $0x3  }
0x4f: {  	[hbm:s16], [sflag:s0] =	dma.local [spmem:s13], $0x2800  }
0x50: {  	_ =	swait.ge [sflag:s15], $0x2800  }
0x51: {  	s17 =	sld [smem:$0x7F2];
	_ =	sdelay $0x2  }
0x52: {  	s24 =	rddreg [dreg:$0x13];
	s12 =	sadd.s32 $0x1, s17  }
0x53: {  	p0 =	sne.s32 s12, s24  }
.Ltmp1:
0x54: {  	_ = 	snop;
	(pc) =	sbr.rel @!p0 .LBB2_5-.Ltmp1, $3  }
0x55: {  	_ =	sdelay $0x1  }
0x56: {  	[sflag:s15] =	ssyncset.done $0x0  }
0x57: {  	[sflag:s15] =	ssyncadd.s32 $0xFFFFD800  }
.LBB2_1:
0x58: {  	[smem:$0x7F2] =	sst s12  }
0x59: {  	s0 =	rddreg [dreg:$0x6]  }
0x5a: {  	[tilespmem:s18], [sflag:$0x1] =	stream.linear.gather [hbm4b:s0+s4], $0x40, $0x38;
	[tilespmem:$0x1DA80] =	vst v63  }
0x5b: {  	s17 =	rddreg [dreg:$0x7]  }
0x5c: {  	[tilespmem:s4], [sflag:$0x1] =	stream.linear.gather [hbm4b:s17+s4], $0x2000, $0x38;
	[tilespmem:$0x1DA80] =	vst v63  }
0x5d: {  	s24 =	rddreg [dreg:$0x8]  }
0x5e: {  	[tilespmem:s26], [sflag:$0x2] =	stream.linear.gather [hbm4b:s24+s4], $0x40, $0x38;
	[tilespmem:$0x1DA80] =	vst v63  }
0x5f: {  	s12 =	rddreg [dreg:$0x9]  }
0x60: {  	[tilespmem:s22], [sflag:$0x2] =	stream.linear.gather [hbm4b:s12+s4], $0x2000, $0x38;
	[tilespmem:$0x1DA80] =	vst v63  }
0x61: {  	s13 =	rddreg [dreg:$0xa]  }
0x62: {  	[tilespmem:s28], [sflag:$0x3] =	stream.linear.gather [hbm4b:s13+s4], $0x40, $0x38;
	[tilespmem:$0x1DA80] =	vst v63  }
0x63: {  	s15 =	rddreg [dreg:$0xb]  }
0x64: {  	[tilespmem:s23], [sflag:$0x3] =	stream.linear.gather [hbm4b:s15+s4], $0x2000, $0x38;
	[tilespmem:$0x1DA80] =	vst v63  }
0x65: {  	s16 =	rddreg [dreg:$0xc]  }
0x66: {  	[tilespmem:s29], [sflag:$0x4] =	stream.linear.gather [hbm4b:s16+s4], $0x40, $0x38;
	[tilespmem:$0x1DA80] =	vst v63  }
0x67: {  	s17 =	rddreg [dreg:$0xd]  }
0x68: {  	[tilespmem:s30], [sflag:$0x4] =	stream.linear.gather [hbm4b:s17+s4], $0x2000, $0x38;
	[tilespmem:$0x1DA80] =	vst v63  }
0x69: {  	[tilespmem:$0x8A80] =	vst v0  }
0x6a: {  	[tilespmem:$0x8A90] =	vst v0  }
0x6b: {  	[tilespmem:$0x8AA0] =	vst v0  }
0x6c: {  	[tilespmem:$0x8AB0] =	vst v0  }
0x6d: {  	[tilespmem:$0x8AC0] =	vst v0  }
0x6e: {  	[tilespmem:$0x8AD0] =	vst v0  }
0x6f: {  	[tilespmem:$0x8AE0] =	vst v0  }
0x70: {  	[tilespmem:$0x8AF0] =	vst v0  }
0x71: {  	[tilespmem:$0x8B00] =	vst v0  }
0x72: {  	[tilespmem:$0x8B10] =	vst v0  }
0x73: {  	[tilespmem:$0x8B20] =	vst v0  }
0x74: {  	[tilespmem:$0x8B30] =	vst v0  }
0x75: {  	[tilespmem:$0x8B40] =	vst v0  }
0x76: {  	[tilespmem:$0x8B50] =	vst v0  }
0x77: {  	[tilespmem:$0x8B60] =	vst v0  }
0x78: {  	[tilespmem:$0x8B70] =	vst v0  }
0x79: {  	[tilespmem:$0x8B80] =	vst v0  }
0x7a: {  	[tilespmem:$0x8B90] =	vst v0  }
0x7b: {  	[tilespmem:$0x8BA0] =	vst v0  }
0x7c: {  	[tilespmem:$0x8BB0] =	vst v0  }
0x7d: {  	[tilespmem:$0x8BC0] =	vst v0  }
0x7e: {  	[tilespmem:$0x8BD0] =	vst v0  }
0x7f: {  	[tilespmem:$0x8BE0] =	vst v0  }
0x80: {  	[tilespmem:$0x8BF0] =	vst v0  }
0x81: {  	[tilespmem:$0x8C00] =	vst v0  }
0x82: {  	[tilespmem:$0x8C10] =	vst v0  }
0x83: {  	[tilespmem:$0x8C20] =	vst v0  }
0x84: {  	[tilespmem:$0x8C30] =	vst v0  }
0x85: {  	[tilespmem:$0x8C40] =	vst v0  }
0x86: {  	[tilespmem:$0x8C50] =	vst v0  }
0x87: {  	[tilespmem:$0x8C60] =	vst v0  }
0x88: {  	[tilespmem:$0x8C70] =	vst v0  }
0x89: {  	[tilespmem:$0x8C80] =	vst v0  }
0x8a: {  	[tilespmem:$0x8C90] =	vst v0  }
0x8b: {  	[tilespmem:$0x8CA0] =	vst v0  }
0x8c: {  	[tilespmem:$0x8CB0] =	vst v0  }
0x8d: {  	[tilespmem:$0x8CC0] =	vst v0  }
0x8e: {  	[tilespmem:$0x8CD0] =	vst v0  }
0x8f: {  	[tilespmem:$0x8CE0] =	vst v0  }
0x90: {  	[tilespmem:$0x8CF0] =	vst v0  }
0x91: {  	[tilespmem:$0x8D00] =	vst v0  }
0x92: {  	[tilespmem:$0x8D10] =	vst v0  }
0x93: {  	[tilespmem:$0x8D20] =	vst v0  }
0x94: {  	[tilespmem:$0x8D30] =	vst v0  }
0x95: {  	[tilespmem:$0x8D40] =	vst v0  }
0x96: {  	[tilespmem:$0x8D50] =	vst v0  }
0x97: {  	[tilespmem:$0x8D60] =	vst v0  }
0x98: {  	[tilespmem:$0x8D70] =	vst v0  }
0x99: {  	[tilespmem:$0x8D80] =	vst v0  }
0x9a: {  	[tilespmem:$0x8D90] =	vst v0  }
0x9b: {  	[tilespmem:$0x8DA0] =	vst v0  }
0x9c: {  	[tilespmem:$0x8DB0] =	vst v0  }
0x9d: {  	[tilespmem:$0x8DC0] =	vst v0  }
0x9e: {  	[tilespmem:$0x8DD0] =	vst v0  }
0x9f: {  	[tilespmem:$0x8DE0] =	vst v0  }
0xa0: {  	[tilespmem:$0x8DF0] =	vst v0  }
0xa1: {  	[tilespmem:$0x8E00] =	vst v0  }
0xa2: {  	[tilespmem:$0x8E10] =	vst v0  }
0xa3: {  	[tilespmem:$0x8E20] =	vst v0  }
0xa4: {  	[tilespmem:$0x8E30] =	vst v0  }
0xa5: {  	[tilespmem:$0x8E40] =	vst v0  }
0xa6: {  	[tilespmem:$0x8E50] =	vst v0  }
0xa7: {  	[tilespmem:$0x8E60] =	vst v0  }
0xa8: {  	[tilespmem:$0x8E70] =	vst v0  }
0xa9: {  	[tilespmem:$0x8E80] =	vst v0  }
0xaa: {  	[tilespmem:$0x8E90] =	vst v0  }
0xab: {  	[tilespmem:$0x8EA0] =	vst v0  }
0xac: {  	[tilespmem:$0x8EB0] =	vst v0  }
0xad: {  	[tilespmem:$0x8EC0] =	vst v0  }
0xae: {  	[tilespmem:$0x8ED0] =	vst v0  }
0xaf: {  	[tilespmem:$0x8EE0] =	vst v0  }
0xb0: {  	[tilespmem:$0x8EF0] =	vst v0  }
0xb1: {  	[tilespmem:$0x8F00] =	vst v0  }
0xb2: {  	[tilespmem:$0x8F10] =	vst v0  }
0xb3: {  	[tilespmem:$0x8F20] =	vst v0  }
0xb4: {  	[tilespmem:$0x8F30] =	vst v0  }
0xb5: {  	[tilespmem:$0x8F40] =	vst v0  }
0xb6: {  	[tilespmem:$0x8F50] =	vst v0  }
0xb7: {  	[tilespmem:$0x8F60] =	vst v0  }
0xb8: {  	[tilespmem:$0x8F70] =	vst v0  }
0xb9: {  	[tilespmem:$0x8F80] =	vst v0  }
0xba: {  	[tilespmem:$0x8F90] =	vst v0  }
0xbb: {  	[tilespmem:$0x8FA0] =	vst v0  }
0xbc: {  	[tilespmem:$0x8FB0] =	vst v0  }
0xbd: {  	[tilespmem:$0x8FC0] =	vst v0  }
0xbe: {  	[tilespmem:$0x8FD0] =	vst v0  }
0xbf: {  	[tilespmem:$0x8FE0] =	vst v0  }
0xc0: {  	[tilespmem:$0x8FF0] =	vst v0  }
0xc1: {  	[tilespmem:$0x9000] =	vst v0  }
0xc2: {  	[tilespmem:$0x9010] =	vst v0  }
0xc3: {  	[tilespmem:$0x9020] =	vst v0  }
0xc4: {  	[tilespmem:$0x9030] =	vst v0  }
0xc5: {  	[tilespmem:$0x9040] =	vst v0  }
0xc6: {  	[tilespmem:$0x9050] =	vst v0  }
0xc7: {  	[tilespmem:$0x9060] =	vst v0  }
0xc8: {  	[tilespmem:$0x9070] =	vst v0  }
0xc9: {  	[tilespmem:$0x9080] =	vst v0  }
0xca: {  	[tilespmem:$0x9090] =	vst v0  }
0xcb: {  	[tilespmem:$0x90A0] =	vst v0  }
0xcc: {  	[tilespmem:$0x90B0] =	vst v0  }
0xcd: {  	[tilespmem:$0x90C0] =	vst v0  }
0xce: {  	[tilespmem:$0x90D0] =	vst v0  }
0xcf: {  	[tilespmem:$0x90E0] =	vst v0  }
0xd0: {  	[tilespmem:$0x90F0] =	vst v0  }
0xd1: {  	[tilespmem:$0x9100] =	vst v0  }
0xd2: {  	[tilespmem:$0x9110] =	vst v0  }
0xd3: {  	[tilespmem:$0x9120] =	vst v0  }
0xd4: {  	[tilespmem:$0x9130] =	vst v0  }
0xd5: {  	[tilespmem:$0x9140] =	vst v0  }
0xd6: {  	[tilespmem:$0x9150] =	vst v0  }
0xd7: {  	[tilespmem:$0x9160] =	vst v0  }
0xd8: {  	[tilespmem:$0x9170] =	vst v0  }
0xd9: {  	[tilespmem:$0x9180] =	vst v0  }
0xda: {  	[tilespmem:$0x9190] =	vst v0  }
0xdb: {  	[tilespmem:$0x91A0] =	vst v0  }
0xdc: {  	[tilespmem:$0x91B0] =	vst v0  }
0xdd: {  	[tilespmem:$0x91C0] =	vst v0  }
0xde: {  	[tilespmem:$0x91D0] =	vst v0  }
0xdf: {  	[tilespmem:$0x91E0] =	vst v0  }
0xe0: {  	[tilespmem:$0x91F0] =	vst v0  }
0xe1: {  	[tilespmem:$0x9200] =	vst v0  }
0xe2: {  	[tilespmem:$0x9210] =	vst v0  }
0xe3: {  	[tilespmem:$0x9220] =	vst v0  }
0xe4: {  	[tilespmem:$0x9230] =	vst v0  }
0xe5: {  	[tilespmem:$0x9240] =	vst v0  }
0xe6: {  	[tilespmem:$0x9250] =	vst v0  }
0xe7: {  	[tilespmem:$0x9260] =	vst v0  }
0xe8: {  	[tilespmem:$0x9270] =	vst v0  }
0xe9: {  	[tilespmem:$0x9280] =	vst v0  }
0xea: {  	[tilespmem:$0x9290] =	vst v0  }
0xeb: {  	[tilespmem:$0x92A0] =	vst v0  }
0xec: {  	[tilespmem:$0x92B0] =	vst v0  }
0xed: {  	[tilespmem:$0x92C0] =	vst v0  }
0xee: {  	[tilespmem:$0x92D0] =	vst v0  }
0xef: {  	[tilespmem:$0x92E0] =	vst v0  }
0xf0: {  	[tilespmem:$0x92F0] =	vst v0  }
0xf1: {  	[tilespmem:$0x9300] =	vst v0  }
0xf2: {  	[tilespmem:$0x9310] =	vst v0  }
0xf3: {  	[tilespmem:$0x9320] =	vst v0  }
0xf4: {  	[tilespmem:$0x9330] =	vst v0  }
0xf5: {  	[tilespmem:$0x9340] =	vst v0  }
0xf6: {  	[tilespmem:$0x9350] =	vst v0  }
0xf7: {  	[tilespmem:$0x9360] =	vst v0  }
0xf8: {  	[tilespmem:$0x9370] =	vst v0  }
0xf9: {  	[tilespmem:$0x9380] =	vst v0  }
0xfa: {  	[tilespmem:$0x9390] =	vst v0  }
0xfb: {  	[tilespmem:$0x93A0] =	vst v0  }
0xfc: {  	[tilespmem:$0x93B0] =	vst v0  }
0xfd: {  	[tilespmem:$0x93C0] =	vst v0  }
0xfe: {  	[tilespmem:$0x93D0] =	vst v0  }
0xff: {  	[tilespmem:$0x93E0] =	vst v0  }
0x100: {  	[tilespmem:$0x93F0] =	vst v0  }
0x101: {  	[tilespmem:$0x9400] =	vst v0  }
0x102: {  	[tilespmem:$0x9410] =	vst v0  }
0x103: {  	[tilespmem:$0x9420] =	vst v0  }
0x104: {  	[tilespmem:$0x9430] =	vst v0  }
0x105: {  	[tilespmem:$0x9440] =	vst v0  }
0x106: {  	[tilespmem:$0x9450] =	vst v0  }
0x107: {  	[tilespmem:$0x9460] =	vst v0  }
0x108: {  	[tilespmem:$0x9470] =	vst v0  }
0x109: {  	[tilespmem:$0x9480] =	vst v0  }
0x10a: {  	[tilespmem:$0x9490] =	vst v0  }
0x10b: {  	[tilespmem:$0x94A0] =	vst v0  }
0x10c: {  	[tilespmem:$0x94B0] =	vst v0  }
0x10d: {  	[tilespmem:$0x94C0] =	vst v0  }
0x10e: {  	[tilespmem:$0x94D0] =	vst v0  }
0x10f: {  	[tilespmem:$0x94E0] =	vst v0  }
0x110: {  	[tilespmem:$0x94F0] =	vst v0  }
0x111: {  	[tilespmem:$0x9500] =	vst v0  }
0x112: {  	[tilespmem:$0x9510] =	vst v0  }
0x113: {  	[tilespmem:$0x9520] =	vst v0  }
0x114: {  	[tilespmem:$0x9530] =	vst v0  }
0x115: {  	[tilespmem:$0x9540] =	vst v0  }
0x116: {  	[tilespmem:$0x9550] =	vst v0  }
0x117: {  	[tilespmem:$0x9560] =	vst v0  }
0x118: {  	[tilespmem:$0x9570] =	vst v0  }
0x119: {  	[tilespmem:$0x9580] =	vst v0  }
0x11a: {  	[tilespmem:$0x9590] =	vst v0  }
0x11b: {  	[tilespmem:$0x95A0] =	vst v0  }
0x11c: {  	[tilespmem:$0x95B0] =	vst v0  }
0x11d: {  	[tilespmem:$0x95C0] =	vst v0  }
0x11e: {  	[tilespmem:$0x95D0] =	vst v0  }
0x11f: {  	[tilespmem:$0x95E0] =	vst v0  }
0x120: {  	[tilespmem:$0x95F0] =	vst v0  }
0x121: {  	[tilespmem:$0x9600] =	vst v0  }
0x122: {  	[tilespmem:$0x9610] =	vst v0  }
0x123: {  	[tilespmem:$0x9620] =	vst v0  }
0x124: {  	[tilespmem:$0x9630] =	vst v0  }
0x125: {  	[tilespmem:$0x9640] =	vst v0  }
0x126: {  	[tilespmem:$0x9650] =	vst v0  }
0x127: {  	[tilespmem:$0x9660] =	vst v0  }
0x128: {  	[tilespmem:$0x9670] =	vst v0  }
0x129: {  	[tilespmem:$0x9680] =	vst v0  }
0x12a: {  	[tilespmem:$0x9690] =	vst v0  }
0x12b: {  	[tilespmem:$0x96A0] =	vst v0  }
0x12c: {  	[tilespmem:$0x96B0] =	vst v0  }
0x12d: {  	[tilespmem:$0x96C0] =	vst v0  }
0x12e: {  	[tilespmem:$0x96D0] =	vst v0  }
0x12f: {  	[tilespmem:$0x96E0] =	vst v0  }
0x130: {  	[tilespmem:$0x96F0] =	vst v0  }
0x131: {  	[tilespmem:$0x9700] =	vst v0  }
0x132: {  	[tilespmem:$0x9710] =	vst v0  }
0x133: {  	[tilespmem:$0x9720] =	vst v0  }
0x134: {  	[tilespmem:$0x9730] =	vst v0  }
0x135: {  	[tilespmem:$0x9740] =	vst v0  }
0x136: {  	[tilespmem:$0x9750] =	vst v0  }
0x137: {  	[tilespmem:$0x9760] =	vst v0  }
0x138: {  	[tilespmem:$0x9770] =	vst v0  }
0x139: {  	[tilespmem:$0x9780] =	vst v0  }
0x13a: {  	[tilespmem:$0x9790] =	vst v0  }
0x13b: {  	[tilespmem:$0x97A0] =	vst v0  }
0x13c: {  	[tilespmem:$0x97B0] =	vst v0  }
0x13d: {  	[tilespmem:$0x97C0] =	vst v0  }
0x13e: {  	[tilespmem:$0x97D0] =	vst v0  }
0x13f: {  	[tilespmem:$0x97E0] =	vst v0  }
0x140: {  	[tilespmem:$0x97F0] =	vst v0  }
0x141: {  	[tilespmem:$0x9800] =	vst v0  }
0x142: {  	[tilespmem:$0x9810] =	vst v0  }
0x143: {  	[tilespmem:$0x9820] =	vst v0  }
0x144: {  	[tilespmem:$0x9830] =	vst v0  }
0x145: {  	[tilespmem:$0x9840] =	vst v0  }
0x146: {  	[tilespmem:$0x9850] =	vst v0  }
0x147: {  	[tilespmem:$0x9860] =	vst v0  }
0x148: {  	[tilespmem:$0x9870] =	vst v0  }
0x149: {  	[tilespmem:$0x9880] =	vst v0  }
0x14a: {  	[tilespmem:$0x9890] =	vst v0  }
0x14b: {  	[tilespmem:$0x98A0] =	vst v0  }
0x14c: {  	[tilespmem:$0x98B0] =	vst v0  }
0x14d: {  	[tilespmem:$0x98C0] =	vst v0  }
0x14e: {  	[tilespmem:$0x98D0] =	vst v0  }
0x14f: {  	[tilespmem:$0x98E0] =	vst v0  }
0x150: {  	[tilespmem:$0x98F0] =	vst v0  }
0x151: {  	[tilespmem:$0x9900] =	vst v0  }
0x152: {  	[tilespmem:$0x9910] =	vst v0  }
0x153: {  	[tilespmem:$0x9920] =	vst v0  }
0x154: {  	[tilespmem:$0x9930] =	vst v0  }
0x155: {  	[tilespmem:$0x9940] =	vst v0  }
0x156: {  	[tilespmem:$0x9950] =	vst v0  }
0x157: {  	[tilespmem:$0x9960] =	vst v0  }
0x158: {  	[tilespmem:$0x9970] =	vst v0  }
0x159: {  	[tilespmem:$0x9980] =	vst v0  }
0x15a: {  	[tilespmem:$0x9990] =	vst v0  }
0x15b: {  	[tilespmem:$0x99A0] =	vst v0  }
0x15c: {  	[tilespmem:$0x99B0] =	vst v0  }
0x15d: {  	[tilespmem:$0x99C0] =	vst v0  }
0x15e: {  	[tilespmem:$0x99D0] =	vst v0  }
0x15f: {  	[tilespmem:$0x99E0] =	vst v0  }
0x160: {  	[tilespmem:$0x99F0] =	vst v0  }
0x161: {  	[tilespmem:$0x9A00] =	vst v0  }
0x162: {  	[tilespmem:$0x9A10] =	vst v0  }
0x163: {  	[tilespmem:$0x9A20] =	vst v0  }
0x164: {  	[tilespmem:$0x9A30] =	vst v0  }
0x165: {  	[tilespmem:$0x9A40] =	vst v0  }
0x166: {  	[tilespmem:$0x9A50] =	vst v0  }
0x167: {  	[tilespmem:$0x9A60] =	vst v0  }
0x168: {  	s24 =	rddreg [dreg:$0x18];
	s12 =	simm.s32 $0x8A80;
	[tilespmem:$0x9A70] =	vst v0  }
0x169: {  	[spmem:s14] =	stream.linear.scatter [tilespmem:s12], [sflag:$0x5], $0x1000, $0x38;
	[tilespmem:$0x1DA80] =	vst v63  }
0x16a: {  	s13 =	rddreg [dreg:$0x19]  }
0x16b: {  	[spmem:s24] =	stream.linear.scatter [tilespmem:s12], [sflag:$0x5], $0x1000, $0x38;
	[tilespmem:$0x1DA80] =	vst v63  }
0x16c: {  	s15 =	rddreg [dreg:$0x1b]  }
0x16d: {  	[spmem:s13] =	stream.linear.scatter [tilespmem:s12], [sflag:$0x5], $0x1000, $0x38;
	[tilespmem:$0x1DA80] =	vst v63  }
0x16e: {  	s14 =	rddreg [dreg:$0x1a]  }
0x16f: {  	[spmem:s14] =	stream.linear.scatter [tilespmem:s12], [sflag:$0x5], $0x1000, $0x38;
	[tilespmem:$0x1DA80] =	vst v63  }
0x170: {  	s16 =	rddreg [dreg:$0x1c]  }
0x171: {  	[spmem:s15] =	stream.linear.scatter [tilespmem:s12], [sflag:$0x5], $0x1000, $0x38;
	[tilespmem:$0x1DA80] =	vst v63  }
0x172: {  	s17 =	rddreg [dreg:$0x1d]  }
0x173: {  	[spmem:s16] =	stream.linear.scatter [tilespmem:s12], [sflag:$0x5], $0x1000, $0x38;
	[tilespmem:$0x1DA80] =	vst v63  }
0x174: {  	s24 =	rddreg [dreg:$0x1e]  }
0x175: {  	[spmem:s17] =	stream.linear.scatter [tilespmem:s12], [sflag:$0x5], $0x1000, $0x38;
	[tilespmem:$0x1DA80] =	vst v63  }
0x176: {  	s13 =	rddreg [dreg:$0x1f]  }
0x177: {  	[spmem:s24] =	stream.linear.scatter [tilespmem:s12], [sflag:$0x5], $0x1000, $0x38;
	[tilespmem:$0x1DA80] =	vst v63  }
0x178: {  	s14 =	sld [smem:$0x7F3]  }
0x179: {  	[spmem:s13] =	stream.linear.scatter [tilespmem:s12], [sflag:$0x5], $0x1000, $0x38;
	[tilespmem:$0x1DA80] =	vst v63  }
0x17a: {  	s15 =	sld [smem:$0x7F4]  }
0x17b: {  	[spmem:s14] =	stream.linear.scatter [tilespmem:s12], [sflag:$0x5], $0x1000, $0x38;
	[tilespmem:$0x1DA80] =	vst v63  }
0x17c: {  	s16 =	sld [smem:$0x7F5]  }
0x17d: {  	[spmem:s15] =	stream.linear.scatter [tilespmem:s12], [sflag:$0x5], $0x1000, $0x38;
	[tilespmem:$0x1DA80] =	vst v63  }
0x17e: {  	s17 =	sld [smem:$0x7F6]  }
0x17f: {  	[spmem:s16] =	stream.linear.scatter [tilespmem:s12], [sflag:$0x5], $0x1000, $0x38;
	[tilespmem:$0x1DA80] =	vst v63  }
0x180: {  	s24 =	sld [smem:$0x7F7]  }
0x181: {  	[spmem:s17] =	stream.linear.scatter [tilespmem:s12], [sflag:$0x5], $0x1000, $0x38;
	[tilespmem:$0x1DA80] =	vst v63  }
0x182: {  	s13 =	sld [smem:$0x7F8]  }
0x183: {  	[spmem:s24] =	stream.linear.scatter [tilespmem:s12], [sflag:$0x5], $0x1000, $0x38;
	[tilespmem:$0x1DA80] =	vst v63  }
0x184: {  	s14 =	sld [smem:$0x7F9]  }
0x185: {  	[spmem:s13] =	stream.linear.scatter [tilespmem:s12], [sflag:$0x5], $0x1000, $0x38;
	[tilespmem:$0x1DA80] =	vst v63  }
0x186: {  	s15 =	sld [smem:$0x7FA]  }
0x187: {  	[spmem:s14] =	stream.linear.scatter [tilespmem:s12], [sflag:$0x5], $0x1000, $0x38;
	[tilespmem:$0x1DA80] =	vst v63  }
0x188: {  	s16 =	sld [smem:$0x7FB]  }
0x189: {  	[spmem:s15] =	stream.linear.scatter [tilespmem:s12], [sflag:$0x5], $0x1000, $0x38;
	[tilespmem:$0x1DA80] =	vst v63  }
0x18a: {  	s17 =	sld [smem:$0x7FC]  }
0x18b: {  	[spmem:s16] =	stream.linear.scatter [tilespmem:s12], [sflag:$0x5], $0x1000, $0x38;
	[tilespmem:$0x1DA80] =	vst v63  }
0x18c: {  	s24 =	sld [smem:$0x7FD]  }
0x18d: {  	[spmem:s17] =	stream.linear.scatter [tilespmem:s12], [sflag:$0x5], $0x1000, $0x38;
	[tilespmem:$0x1DA80] =	vst v63  }
0x18e: {  	_ = 	snop  }
0x18f: {  	[spmem:s24] =	stream.linear.scatter [tilespmem:s12], [sflag:$0x5], $0x1000, $0x38;
	[tilespmem:$0x1DA80] =	vst v63  }
0x190: {  	_ =	swait.ge [sflag:s31], $0x1000  }
0x191: {  	[sflag:s31] =	ssyncset.done $0x0  }
0x192: {  	[sflag:s31] =	ssyncadd.s32 $0xFFFFF000  }
0x193: {  	_ =	swait.ge [sflag:s31], $0x1000  }
0x194: {  	[sflag:s31] =	ssyncset.done $0x0  }
0x195: {  	[sflag:s31] =	ssyncadd.s32 $0xFFFFF000  }
0x196: {  	_ =	swait.ge [sflag:s31], $0x1000  }
0x197: {  	[sflag:s31] =	ssyncset.done $0x0  }
0x198: {  	[sflag:s31] =	ssyncadd.s32 $0xFFFFF000  }
0x199: {  	_ =	swait.ge [sflag:s31], $0x1000  }
0x19a: {  	[sflag:s31] =	ssyncset.done $0x0  }
0x19b: {  	[sflag:s31] =	ssyncadd.s32 $0xFFFFF000  }
0x19c: {  	_ =	swait.ge [sflag:s31], $0x1000  }
0x19d: {  	[sflag:s31] =	ssyncset.done $0x0  }
0x19e: {  	[sflag:s31] =	ssyncadd.s32 $0xFFFFF000  }
0x19f: {  	_ =	swait.ge [sflag:s31], $0x1000  }
0x1a0: {  	[sflag:s31] =	ssyncset.done $0x0  }
0x1a1: {  	[sflag:s31] =	ssyncadd.s32 $0xFFFFF000  }
0x1a2: {  	_ =	swait.ge [sflag:s31], $0x1000  }
0x1a3: {  	[sflag:s31] =	ssyncset.done $0x0  }
0x1a4: {  	[sflag:s31] =	ssyncadd.s32 $0xFFFFF000  }
0x1a5: {  	_ =	swait.ge [sflag:s31], $0x1000  }
0x1a6: {  	[sflag:s31] =	ssyncset.done $0x0  }
0x1a7: {  	[sflag:s31] =	ssyncadd.s32 $0xFFFFF000  }
0x1a8: {  	_ =	swait.ge [sflag:s31], $0x1000  }
0x1a9: {  	[sflag:s31] =	ssyncset.done $0x0  }
0x1aa: {  	[sflag:s31] =	ssyncadd.s32 $0xFFFFF000  }
0x1ab: {  	_ =	swait.ge [sflag:s31], $0x1000  }
0x1ac: {  	[sflag:s31] =	ssyncset.done $0x0  }
0x1ad: {  	[sflag:s31] =	ssyncadd.s32 $0xFFFFF000  }
0x1ae: {  	_ =	swait.ge [sflag:s31], $0x1000  }
0x1af: {  	[sflag:s31] =	ssyncset.done $0x0  }
0x1b0: {  	[sflag:s31] =	ssyncadd.s32 $0xFFFFF000  }
0x1b1: {  	_ =	swait.ge [sflag:s31], $0x1000  }
0x1b2: {  	[sflag:s31] =	ssyncset.done $0x0  }
0x1b3: {  	[sflag:s31] =	ssyncadd.s32 $0xFFFFF000  }
0x1b4: {  	_ =	swait.ge [sflag:s31], $0x1000  }
0x1b5: {  	[sflag:s31] =	ssyncset.done $0x0  }
0x1b6: {  	[sflag:s31] =	ssyncadd.s32 $0xFFFFF000  }
0x1b7: {  	_ =	swait.ge [sflag:s31], $0x1000  }
0x1b8: {  	[sflag:s31] =	ssyncset.done $0x0  }
0x1b9: {  	[sflag:s31] =	ssyncadd.s32 $0xFFFFF000  }
0x1ba: {  	_ =	swait.ge [sflag:s31], $0x1000  }
0x1bb: {  	[sflag:s31] =	ssyncset.done $0x0  }
0x1bc: {  	[sflag:s31] =	ssyncadd.s32 $0xFFFFF000  }
0x1bd: {  	_ =	swait.ge [sflag:s31], $0x1000  }
0x1be: {  	[sflag:s31] =	ssyncset.done $0x0  }
0x1bf: {  	[sflag:s31] =	ssyncadd.s32 $0xFFFFF000  }
0x1c0: {  	_ =	swait.ge [sflag:s31], $0x1000  }
0x1c1: {  	[sflag:s31] =	ssyncset.done $0x0  }
0x1c2: {  	[sflag:s31] =	ssyncadd.s32 $0xFFFFF000  }
0x1c3: {  	_ =	swait.ge [sflag:s31], $0x1000  }
0x1c4: {  	[sflag:s31] =	ssyncset.done $0x0  }
0x1c5: {  	[sflag:s31] =	ssyncadd.s32 $0xFFFFF000  }
0x1c6: {  	_ =	swait.ge [sflag:s31], $0x1000  }
0x1c7: {  	[sflag:s31] =	ssyncset.done $0x0  }
0x1c8: {  	[sflag:s31] =	ssyncadd.s32 $0xFFFFF000  }
0x1c9: {  	_ =	swait.ge [sflag:s31], $0x1000  }
0x1ca: {  	[sflag:s31] =	ssyncset.done $0x0  }
0x1cb: {  	[sflag:s31] =	ssyncadd.s32 $0xFFFFF000  }
0x1cc: {  	[bflag:$0x0] =	sbarrier.arrive $0xFFFF  }
0x1cd: {  	s17 =	rddreg [dreg:$0x17]  }
0x1ce: {  	s12 =	rddreg [dreg:$0x16]  }
0x1cf: {  	s15 =	rddreg [dreg:$0x15]  }
0x1d0: {  	s16 =	simm.s32 $0x0;
	s13 =	rddreg [dreg:$0x14]  }
.LBB2_2:
0x1d1: {  	_ =	swait.ge [sflag:s25], $0x40  }
0x1d2: {  	[sflag:s25] =	ssyncset.done $0x0  }
0x1d3: {  	[sflag:s25] =	ssyncadd.s32 $0xFFFFFFC0  }
0x1d4: {  	_ =	swait.ge [sflag:s25], $0x2000  }
0x1d5: {  	[sflag:s25] =	ssyncset.done $0x0  }
0x1d6: {  	[sflag:s25] =	ssyncadd.s32 $0xFFFFE000  }
0x1d7: {  	[spmem:s3] =	stream.indirect.scatter.add.f32 [tilespmem:s4], [sflag:$0x5], $0x80, s18, s2, $0xb8;
	[tilespmem:$0x1DA80] =	vst v63  }
0x1d8: {  	s14 =	sadd.s32 s16, s19  }
0x1d9: {  	[hbm4b:s14+s4] =	stream.linear.scatter [tilespmem:s4], [sflag:$0x9], $0x2000, $0x38;
	[tilespmem:$0x1DA80] =	vst v63  }
0x1da: {  	_ =	swait.ge [sflag:s1], $0x40  }
0x1db: {  	[sflag:s1] =	ssyncset.done $0x0  }
0x1dc: {  	[sflag:s1] =	ssyncadd.s32 $0xFFFFFFC0  }
0x1dd: {  	_ =	swait.ge [sflag:s1], $0x2000  }
0x1de: {  	[sflag:s1] =	ssyncset.done $0x0  }
0x1df: {  	s14 =	sadd.s32 s16, s21;
	[sflag:s1] =	ssyncadd.s32 $0xFFFFE000  }
0x1e0: {  	[spmem:s3] =	stream.indirect.scatter.add.f32 [tilespmem:s22], [sflag:$0x6], $0x80, s26, s2, $0xb8;
	[tilespmem:$0x1DA80] =	vst v63  }
0x1e1: {  	s24 =	sadd.s32 $0x400, s14  }
0x1e2: {  	[hbm4b:s24+s4] =	stream.linear.scatter [tilespmem:s22], [sflag:$0xA], $0x2000, $0x38;
	[tilespmem:$0x1DA80] =	vst v63  }
0x1e3: {  	_ =	swait.ge [sflag:s5], $0x40  }
0x1e4: {  	[sflag:s5] =	ssyncset.done $0x0  }
0x1e5: {  	[sflag:s5] =	ssyncadd.s32 $0xFFFFFFC0  }
0x1e6: {  	_ =	swait.ge [sflag:s5], $0x2000  }
0x1e7: {  	[sflag:s5] =	ssyncset.done $0x0  }
0x1e8: {  	[sflag:s5] =	ssyncadd.s32 $0xFFFFE000  }
0x1e9: {  	[spmem:s3] =	stream.indirect.scatter.add.f32 [tilespmem:s23], [sflag:$0x7], $0x80, s28, s2, $0xb8;
	[tilespmem:$0x1DA80] =	vst v63  }
0x1ea: {  	s0 =	sadd.s32 $0x800, s14  }
0x1eb: {  	[hbm4b:s0+s4] =	stream.linear.scatter [tilespmem:s23], [sflag:$0xB], $0x2000, $0x38;
	[tilespmem:$0x1DA80] =	vst v63  }
0x1ec: {  	_ =	swait.ge [sflag:s6], $0x40  }
0x1ed: {  	[sflag:s6] =	ssyncset.done $0x0  }
0x1ee: {  	[sflag:s6] =	ssyncadd.s32 $0xFFFFFFC0  }
0x1ef: {  	_ =	swait.ge [sflag:s6], $0x2000  }
0x1f0: {  	[sflag:s6] =	ssyncset.done $0x0  }
0x1f1: {  	[sflag:s6] =	ssyncadd.s32 $0xFFFFE000  }
0x1f2: {  	[spmem:s3] =	stream.indirect.scatter.add.f32 [tilespmem:s30], [sflag:$0x8], $0x80, s29, s2, $0xb8;
	[tilespmem:$0x1DA80] =	vst v63  }
0x1f3: {  	s14 =	sadd.s32 $0xC00, s14  }
0x1f4: {  	[hbm4b:s14+s4] =	stream.linear.scatter [tilespmem:s30], [sflag:$0xC], $0x2000, $0x38;
	[tilespmem:$0x1DA80] =	vst v63  }
0x1f5: {  	_ =	swait.ge [sflag:s31], $0x2000  }
0x1f6: {  	[sflag:s31] =	ssyncset.done $0x0  }
0x1f7: {  	[sflag:s31] =	ssyncadd.s32 $0xFFFFE000  }
0x1f8: {  	_ =	swait.ge [sflag:s7], $0x2000  }
0x1f9: {  	p0 =	seq.s32 s16, $0x26000;
	[sflag:s7] =	ssyncset.done $0x0  }
0x1fa: {  	s14 =	simm.s32 @p0 $0x6;
	[sflag:s7] =	ssyncadd.s32 $0xFFFFE000  }
0x1fb: {  	_ =	swait.ge @p0 [sflag:s14], $0x2000  }
0x1fc: {  	[sflag:s14] =	ssyncset.done @p0 $0x0  }
0x1fd: {  	[sflag:s14] =	ssyncadd.s32 @p0 $0xFFFFE000;
	s14 =	simm.s32 @p0 $0xA  }
0x1fe: {  	_ =	swait.ge @p0 [sflag:s14], $0x2000  }
0x1ff: {  	[sflag:s14] =	ssyncset.done @p0 $0x0  }
0x200: {  	[sflag:s14] =	ssyncadd.s32 @p0 $0xFFFFE000  }
0x201: {  	s14 =	sshrl.u32 @!p0 s17, $0x3;
	s0 =	rddreg [dreg:$0x1]  }
0x202: {  	s24 =	simm.s32 @!p0 $0x0;
	s14 =	sadd.s32 @!p0 s0, s14;
	s0 =	simm.s32 @!p0 $0x8000  }
0x203: {  	[tilespmem:s0], [sflag:$0x1] =	stream.linear.gather @!p0 [hbm4b:s14+s24], $0x40, $0x38;
	[tilespmem:$0x1DA80] =	vst v63  }
0x204: {  	s0 =	sadd.s32 @!p0 s16, s20  }
0x205: {  	s14 =	sadd.s32 @!p0 $0x1000, s0  }
0x206: {  	[tilespmem:s24], [sflag:$0x1] =	stream.linear.gather @!p0 [hbm4b:s14+s24], $0x2000, $0x38;
	[tilespmem:$0x1DA80] =	vst v63  }
0x207: {  	s14 =	simm.s32 @!p0 $0x6  }
0x208: {  	_ =	swait.ge @!p0 [sflag:s14], $0x2000  }
0x209: {  	[sflag:s14] =	ssyncset.done @!p0 $0x0  }
0x20a: {  	[sflag:s14] =	ssyncadd.s32 @!p0 $0xFFFFE000;
	s14 =	simm.s32 @!p0 $0xA  }
0x20b: {  	_ =	swait.ge @!p0 [sflag:s14], $0x2000  }
0x20c: {  	[sflag:s14] =	ssyncset.done @!p0 $0x0  }
0x20d: {  	[sflag:s14] =	ssyncadd.s32 @!p0 $0xFFFFE000;
	s14 =	simm.s32 @!p0 $0x8080  }
0x20e: {  	[tilespmem:s14], [sflag:$0x2] =	stream.linear.gather @!p0 [hbm4b:s12+s24], $0x40, $0x38;
	[tilespmem:$0x1DA80] =	vst v63  }
0x20f: {  	s0 =	sadd.s32 @!p0 $0x1400, s0;
	s14 =	simm.s32 @!p0 $0x2000  }
0x210: {  	[tilespmem:s14], [sflag:$0x2] =	stream.linear.gather @!p0 [hbm4b:s0+s24], $0x2000, $0x38;
	[tilespmem:$0x1DA80] =	vst v63  }
0x211: {  	_ =	swait.ge [sflag:s8], $0x2000  }
.Ltmp2:
0x212: {  	[sflag:s8] =	ssyncset.done $0x0;
	(pc) =	sbr.rel @p0 .LBB2_4-.Ltmp2, $4  }
0x213: {  	[sflag:s8] =	ssyncadd.s32 $0xFFFFE000  }
0x214: {  	_ =	swait.ge [sflag:s9], $0x2000  }
0x215: {  	[sflag:s9] =	ssyncset.done $0x0  }
0x216: {  	[sflag:s9] =	ssyncadd.s32 $0xFFFFE000  }
0x217: {  	[tilespmem:s28], [sflag:$0x3] =	stream.linear.gather [hbm4b:s15+s4], $0x40, $0x38;
	[tilespmem:$0x1DA80] =	vst v63  }
0x218: {  	s0 =	sadd.s32 s16, s20  }
0x219: {  	s14 =	sadd.s32 $0x1800, s0  }
0x21a: {  	[tilespmem:s23], [sflag:$0x3] =	stream.linear.gather [hbm4b:s14+s4], $0x2000, $0x38;
	[tilespmem:$0x1DA80] =	vst v63  }
0x21b: {  	_ =	swait.ge [sflag:s10], $0x2000  }
0x21c: {  	[sflag:s10] =	ssyncset.done $0x0  }
0x21d: {  	[sflag:s10] =	ssyncadd.s32 $0xFFFFE000  }
0x21e: {  	_ =	swait.ge [sflag:s11], $0x2000  }
.Ltmp3:
0x21f: {  	s16 =	sadd.s32 $0x1000, s16;
	[sflag:s11] =	ssyncset.done $0x0;
	(pc) =	sbr.rel .LBB2_2-.Ltmp3, $4  }
0x220: {  	s15 =	sadd.s32 $0x20, s15;
	s12 =	sadd.s32 $0x20, s12;
	[sflag:s11] =	ssyncadd.s32 $0xFFFFE000  }
0x221: {  	[tilespmem:s29], [sflag:$0x4] =	stream.linear.gather [hbm4b:s13+s4], $0x40, $0x38;
	[tilespmem:$0x1DA80] =	vst v63  }
0x222: {  	s17 =	sadd.s32 $0x100, s17;
	s0 =	sadd.s32 $0x1C00, s0;
	s13 =	sadd.s32 $0x20, s13  }
0x223: {  	[tilespmem:s30], [sflag:$0x4] =	stream.linear.gather [hbm4b:s0+s4], $0x2000, $0x38;
	[tilespmem:$0x1DA80] =	vst v63  }
.LBB2_5:
0x224: {  	_ =	sfence.sel $0x180000  }
0x225: {  	[bflag:$0x0] =	sbarrier.arrive $0xFFFF  }
0x226: {  	_ =	strace $0x90000047  }
0x227: {  	s0 =	stileid.u32;
	[bflag:$0x2] =	sbarrier.arrive $0xFFFF  }
0x228: {  	p0 =	sne.s32 s0, $0x0;
	s0 =	rddreg [dreg:$0x5]  }
0x229: {  	s0 =	sadd.s32 @!p0 $0x100000, s0  }
0x22a: {  	[sflag:s0] =	ssyncadd.tile.s32 @!p0 $0x1;
	_ =	shalt  }
.Lfunc_end2:
_tile_overlayer_lowered:
.L_overlay_start_2:
0x22b: {  	(tag) =	ssettag $0x2  }
0x22c: {  	s0 =	rddreg [dreg:$0x0];
	s2 =	stileid.u32  }
0x22d: {  	s1 =	rddreg [dreg:$0x1];
	p0 =	sne.s32 s2, $0x0  }
0x22e: {  	s3 =	rddreg [dreg:$0x2];
	[bflag:$0x3] =	sbarrier.arrive $0xFFFF;
	s2 =	simm.s32 @!p0 $0x1C0D  }
0x22f: {  	[timem:s3], [sflag:s2] =	dma.local @!p0 [hbm:s0], s1  }
0x230: {  	s0 =	simm.s32 @!p0 $0xD  }
0x231: {  	_ =	swait.ge @!p0 [sflag:s0], s1  }
0x232: {  	s1 =	ssub.s32 @!p0 $0x0, s1;
	[sflag:s0] =	ssyncset.done @!p0 $0x0  }
0x233: {  	[sflag:s0] =	ssyncadd.s32 @!p0 s1  }
0x234: {  	[bflag:$0x3] =	sbarrier.arrive $0xFFFF  }
0x235: {  	_ =	shalt  }

</sc_bundles>
